<compile_context>
chip_gen: v7x
topology: tpu7x:2x2x1
jax: 0.10.2.dev20260603
libtpu: 0.0.44.dev20260713+nightly
codegen_flags: <defaults>
</compile_context>

<pallas_src>
import functools

import jax
import jax.numpy as jnp
import numpy as np
from jax import lax
from jax.experimental import pallas as pl
from jax.experimental.pallas import tpu as pltpu
from jax.experimental.pallas import tpu_sc as plsc

_B, _T = 128, 160000
_L = 128
_R = _T // _L
_N = _B * _R
_HR = _R // 2
_TB = 2000
_NBLK = _N // _TB
_NSEG = _TB // _R + 2

_EFF = np.array([
    1, 0, 4, 0, 3, 0, 1, 2, 0, 3, 0, 0, 4, 3, 1, 0, 1, 2, 1, 3, 3, 2,
    2, 0, 2, 0, 4, 2, 4, 1, 2, 2, 0, 3, 3, 0, 2, 0, 2, 2, 2, 3, 2, 4,
    1, 0, 1, 2, 0, 1, 3, 4, 1, 4, 0, 2, 1, 0, 0, 0, 4, 4, 3, 1, 4, 3,
    1, 2, 0, 4, 0, 2, 0, 0, 2, 3, 1, 1, 0, 2, 2, 4, 1, 2, 1, 2, 1, 4,
    1, 2, 1, 1, 3, 1, 1, 0, 2, 2, 3, 2, 0, 3, 0, 0, 1, 1, 3, 2, 1, 4,
    4, 3, 2, 1, 4, 2, 0, 0, 1, 1, 4, 2, 1, 1, 3, 2, 0, 1,
], dtype=np.int32)

_ROWS_REV = np.flatnonzero(_EFF == 2).astype(np.int32)
_ALPHA = np.choose(_EFF, [0.5, -1.0, 0.0, 0.0, 1.0]).astype(np.float32)
_BETA = np.choose(_EFF, [0.0, 0.0, 0.0, 1.0, 0.0]).astype(np.float32)
_ISREV = (_EFF == 2).astype(np.float32)


def _segment_tables():
    bounds = np.zeros((_NBLK, _NSEG - 1), dtype=np.int32)
    coefs = np.zeros((_NBLK, 3 * _NSEG), dtype=np.float32)
    for k in range(_NBLK):
        lo, hi = k * _TB, (k + 1) * _TB
        rows = [lo // _R]
        while (rows[-1] + 1) * _R < hi:
            rows.append(rows[-1] + 1)
        rows = (rows + [rows[-1]] * _NSEG)[:_NSEG]
        for s in range(_NSEG - 1):
            bounds[k, s] = min(max((rows[s] + 1) * _R - lo, 0), _TB)
        for s in range(_NSEG):
            coefs[k, s] = _ALPHA[rows[s]]
            coefs[k, _NSEG + s] = _BETA[rows[s]]
            coefs[k, 2 * _NSEG + s] = _ISREV[rows[s]]
    return bounds, coefs


_BOUNDS, _COEFS = _segment_tables()

_HAS_REV = np.array(
    [bool(_COEFS[k, 2 * _NSEG:].any()) for k in range(_NBLK)], dtype=bool
)
_PURE_BLOCKS = np.flatnonzero(~_HAS_REV).astype(np.int32)
_MIXED_BLOCKS = np.flatnonzero(_HAS_REV).astype(np.int32)


_CH = 32000
_NCH = _T // _CH


def _sc_reverse(x2d):
    mesh = plsc.VectorSubcoreMesh(core_axis_name="c", subcore_axis_name="s")

    @functools.partial(
        pl.kernel,
        out_type=jax.ShapeDtypeStruct((_B, _T), jnp.float32),
        mesh=mesh,
        scratch_types=(
            [pltpu.VMEM((_CH,), jnp.float32)] * 3
            + [pltpu.SemaphoreType.DMA] * 6
        ),
        compiler_params=pltpu.CompilerParams(use_tc_tiling_on_sc=False),
    )
    def body(wave_hbm, out_hbm, b0, b1, b2, si0, si1, si2, so0, so1, so2):
        bufs = (b0, b1, b2)
        isem = (si0, si1, si2)
        osem = (so0, so1, so2)
        wid = lax.axis_index("s") * 2 + lax.axis_index("c")

        rows = _ROWS_REV.tolist()
        row = jnp.int32(rows[0])
        for w, r in enumerate(rows[1:], start=1):
            row = jnp.where(wid == w, jnp.int32(r), row)

        def make_swap(buf):
            def swap(j, carry):
                lo = buf[pl.ds(16 * j, 16)]
                hi = buf[pl.ds(_CH - 16 * (j + 1), 16)]
                buf[pl.ds(16 * j, 16)] = lax.rev(hi, (0,))
                buf[pl.ds(_CH - 16 * (j + 1), 16)] = lax.rev(lo, (0,))
                return carry

            return swap

        swaps = [make_swap(b) for b in bufs]

        @pl.when(wid < _ROWS_REV.size)
        def _process():
            def src(c):
                return wave_hbm.at[row, pl.ds(c * _CH, _CH)]

            def dst(c):
                return out_hbm.at[row, pl.ds(_T - (c + 1) * _CH, _CH)]

            in_d, out_d = {}, {}
            for c in range(2):
                in_d[c] = pltpu.async_copy(src(c), bufs[c], isem[c])
            for c in range(_NCH):
                b = c % 3
                in_d[c].wait()
                lax.fori_loop(0, _CH // 32, swaps[b], 0, unroll=8)
                out_d[c] = pltpu.async_copy(bufs[b], dst(c), osem[b])
                nxt = c + 2
                if nxt < _NCH:
                    nb = nxt % 3
                    if nxt >= 3:
                        out_d[nxt - 3].wait()
                    in_d[nxt] = pltpu.async_copy(src(nxt), bufs[nb], isem[nb])
            for c in range(_NCH - 3, _NCH):
                out_d[c].wait()

    return body(x2d)


def _segment_coefs(bounds_ref, coefs_ref, k):
    s = lax.broadcasted_iota(jnp.int32, (_TB, _L), 0)
    masks = [s < bounds_ref[k, j] for j in range(_NSEG - 1)]

    def seg(group):
        out = coefs_ref[k, group * _NSEG + _NSEG - 1]
        for j in range(_NSEG - 2, -1, -1):
            out = jnp.where(masks[j], coefs_ref[k, group * _NSEG + j], out)
        return out

    return seg


def _tc_pure_body(blk_ref, bounds_ref, coefs_ref, x_ref, o_ref):
    k = blk_ref[pl.program_id(0)]
    seg = _segment_coefs(bounds_ref, coefs_ref, k)
    x = x_ref[...]
    o_ref[...] = seg(0) * x + seg(1) * (jnp.tanh(3.0 * x) * (1.0 / 3.0))


def _tc_mixed_body(blk_ref, bounds_ref, coefs_ref, x_ref, prev_ref, part_ref, o_ref):
    del part_ref
    k = blk_ref[pl.program_id(0)]
    seg = _segment_coefs(bounds_ref, coefs_ref, k)
    x = x_ref[...]
    y = seg(0) * x + seg(1) * (jnp.tanh(3.0 * x) * (1.0 / 3.0))
    o_ref[...] = jnp.where(seg(2) > 0.5, prev_ref[...], y)


def _tc_transforms(xlin, prev):
    bounds = jnp.asarray(_BOUNDS)
    coefs = jnp.asarray(_COEFS)
    blk = pl.BlockSpec((_TB, _L), lambda i, b, bo, c: (b[i], 0))
    part = pl.pallas_call(
        _tc_pure_body,
        grid_spec=pltpu.PrefetchScalarGridSpec(
            num_scalar_prefetch=3,
            grid=(_PURE_BLOCKS.size,),
            in_specs=[blk],
            out_specs=blk,
        ),
        out_shape=jax.ShapeDtypeStruct((_N, _L), jnp.float32),
        compiler_params=pltpu.CompilerParams(
            dimension_semantics=("arbitrary",),
        ),
    )(jnp.asarray(_PURE_BLOCKS), bounds, coefs, xlin)
    return pl.pallas_call(
        _tc_mixed_body,
        grid_spec=pltpu.PrefetchScalarGridSpec(
            num_scalar_prefetch=3,
            grid=(_MIXED_BLOCKS.size,),
            in_specs=[blk, blk, pl.BlockSpec(memory_space=pl.ANY)],
            out_specs=blk,
        ),
        out_shape=jax.ShapeDtypeStruct((_N, _L), jnp.float32),
        input_output_aliases={5: 0},
        compiler_params=pltpu.CompilerParams(
            dimension_semantics=("arbitrary",),
        ),
    )(jnp.asarray(_MIXED_BLOCKS), bounds, coefs, xlin, prev, part)


def kernel(waveforms, sample_rate):
    sc_out = _sc_reverse(waveforms.reshape(_B, _T))
    out = _tc_transforms(
        waveforms.reshape(_N, _L), sc_out.reshape(_N, _L)
    )
    return out.reshape(_B, 1, _T)

# --- scband reference (transcript-rebuilt; emitter-appended) ---
"""Pipeline reference for scband-mutually-exclusive-84396107366919 (READ-ONLY COPY).

The authoritative reference and input builder live on the scoring server;
editing this copy changes nothing except your own understanding.
"""

import jax, jax.numpy as jnp
import numpy as np

P = 0.9

# Concrete inner transforms standing in for the nn.Module list.
# Each maps (b, 1, T) -> (b, 1, T). Probability is controlled by the wrapper
# (inner transforms are deterministic / p=1.0), matching the docstring contract.

def _t_gain(x, sample_rate):
    return x * 0.5

def _t_invert(x, sample_rate):
    return -x

def _t_reverse(x, sample_rate):
    return x[..., ::-1]

def _t_tanh(x, sample_rate):
    return jnp.tanh(3.0 * x) / 3.0

TRANSFORMS = [_t_gain, _t_invert, _t_reverse, _t_tanh]


def setup_inputs(seed: int = 0) -> dict:
    key = jax.random.key(seed)
    waveforms = jax.random.normal(key, (128, 1, 160000), dtype=jnp.float32)
    return {"waveforms": waveforms, "sample_rate": 16000}


def reference(waveforms, sample_rate):
    batch_size = waveforms.shape[0]
    n_transforms = len(TRANSFORMS)
    # Wrapper-level randomness: apply_mask = rand(batch) <= p,
    # transform_indices = randint(n_transforms, (batch,)). Fixed key for
    # reproducibility (torch version uses the global RNG).
    kr = jax.random.key(42)
    k1, k2 = jax.random.split(kr)
    apply_mask = jax.random.uniform(k1, (batch_size,)) <= P
    transform_indices = jax.random.randint(k2, (batch_size,), 0, n_transforms)
    # Mutually exclusive application: compute every transform on the full
    # batch, then per-sample gather exactly one branch (equivalent math to
    # the torch masked-index loop, expressed data-parallel for XLA).
    stacked = jnp.stack([t(waveforms, sample_rate) for t in TRANSFORMS], axis=0)  # (n, B, 1, T)
    sel = jnp.take_along_axis(
        stacked, transform_indices[None, :, None, None], axis=0
    )[0]  # (B, 1, T)
    output = jnp.where(apply_mask[:, None, None], sel, waveforms)
    return output

if __name__ == "__main__":
    import jax
    _d = setup_inputs()
    print(jax.jit(kernel)(*tuple(_d.values())))

</pallas_src>

<mosaic_0001>
#map = affine_map<(d0, d1) -> (0, 0)>
module attributes {stable_mosaic.version = 14 : i64} {
  func.func @body(%arg0: i32, %arg1: i32, %arg2: memref<128x160000xf32, #tpu.memory_space<hbm>>, %arg3: memref<128x160000xf32, #tpu.memory_space<hbm>>, %arg4: memref<32000xf32, #tpu.memory_space<vmem>>, %arg5: memref<32000xf32, #tpu.memory_space<vmem>>, %arg6: memref<32000xf32, #tpu.memory_space<vmem>>, %arg7: memref<!tpu.dma_semaphore, #tpu.memory_space<semaphore_mem>>, %arg8: memref<!tpu.dma_semaphore, #tpu.memory_space<semaphore_mem>>, %arg9: memref<!tpu.dma_semaphore, #tpu.memory_space<semaphore_mem>>, %arg10: memref<!tpu.dma_semaphore, #tpu.memory_space<semaphore_mem>>, %arg11: memref<!tpu.dma_semaphore, #tpu.memory_space<semaphore_mem>>, %arg12: memref<!tpu.dma_semaphore, #tpu.memory_space<semaphore_mem>>) attributes {dimension_semantics = [#tpu.dimension_semantics<core_parallel>, #tpu.dimension_semantics<subcore_parallel>], iteration_bounds = array<i64: 2, 16>, scalar_prefetch = 0 : i64, scratch_operands = 9 : i64, tpu.core_type = #tpu.core_type<sc_vector_subcore>, window_params = [{transform_indices = #map}, {transform_indices = #map}]} {
    %mul3A = arith.constant 2 : i32
    %mul3A_0 = arith.muli %arg1, %mul3A : i32
    %add3A = arith.addi %mul3A_0, %arg0 : i32
    %eq3A = arith.constant 1 : i32
    %eq3A_1 = arith.cmpi eq, %add3A, %eq3A : i32
    %jit3A = arith.constant 17 : i32
    %jit3A_2 = arith.constant 7 : i32
    %select_n3A = arith.select %eq3A_1, %jit3A, %jit3A_2 : i32
    %eq3A_3 = arith.constant 2 : i32
    %eq3A_4 = arith.cmpi eq, %add3A, %eq3A_3 : i32
    %jit3A_5 = arith.constant 21 : i32
    %select_n3A_6 = arith.select %eq3A_4, %jit3A_5, %select_n3A : i32
    %eq3A_7 = arith.constant 3 : i32
    %eq3A_8 = arith.cmpi eq, %add3A, %eq3A_7 : i32
    %jit3A_9 = arith.constant 22 : i32
    %select_n3A_10 = arith.select %eq3A_8, %jit3A_9, %select_n3A_6 : i32
    %eq3A_11 = arith.constant 4 : i32
    %eq3A_12 = arith.cmpi eq, %add3A, %eq3A_11 : i32
    %jit3A_13 = arith.constant 24 : i32
    %select_n3A_14 = arith.select %eq3A_12, %jit3A_13, %select_n3A_10 : i32
    %eq3A_15 = arith.constant 5 : i32
    %eq3A_16 = arith.cmpi eq, %add3A, %eq3A_15 : i32
    %jit3A_17 = arith.constant 27 : i32
    %select_n3A_18 = arith.select %eq3A_16, %jit3A_17, %select_n3A_14 : i32
    %eq3A_19 = arith.constant 6 : i32
    %eq3A_20 = arith.cmpi eq, %add3A, %eq3A_19 : i32
    %jit3A_21 = arith.constant 30 : i32
    %select_n3A_22 = arith.select %eq3A_20, %jit3A_21, %select_n3A_18 : i32
    %eq3A_23 = arith.constant 7 : i32
    %eq3A_24 = arith.cmpi eq, %add3A, %eq3A_23 : i32
    %jit3A_25 = arith.constant 31 : i32
    %select_n3A_26 = arith.select %eq3A_24, %jit3A_25, %select_n3A_22 : i32
    %eq3A_27 = arith.constant 8 : i32
    %eq3A_28 = arith.cmpi eq, %add3A, %eq3A_27 : i32
    %jit3A_29 = arith.constant 36 : i32
    %select_n3A_30 = arith.select %eq3A_28, %jit3A_29, %select_n3A_26 : i32
    %eq3A_31 = arith.constant 9 : i32
    %eq3A_32 = arith.cmpi eq, %add3A, %eq3A_31 : i32
    %jit3A_33 = arith.constant 38 : i32
    %select_n3A_34 = arith.select %eq3A_32, %jit3A_33, %select_n3A_30 : i32
    %eq3A_35 = arith.constant 10 : i32
    %eq3A_36 = arith.cmpi eq, %add3A, %eq3A_35 : i32
    %jit3A_37 = arith.constant 39 : i32
    %select_n3A_38 = arith.select %eq3A_36, %jit3A_37, %select_n3A_34 : i32
    %eq3A_39 = arith.constant 11 : i32
    %eq3A_40 = arith.cmpi eq, %add3A, %eq3A_39 : i32
    %jit3A_41 = arith.constant 40 : i32
    %select_n3A_42 = arith.select %eq3A_40, %jit3A_41, %select_n3A_38 : i32
    %eq3A_43 = arith.constant 12 : i32
    %eq3A_44 = arith.cmpi eq, %add3A, %eq3A_43 : i32
    %jit3A_45 = arith.constant 42 : i32
    %select_n3A_46 = arith.select %eq3A_44, %jit3A_45, %select_n3A_42 : i32
    %eq3A_47 = arith.constant 13 : i32
    %eq3A_48 = arith.cmpi eq, %add3A, %eq3A_47 : i32
    %jit3A_49 = arith.constant 47 : i32
    %select_n3A_50 = arith.select %eq3A_48, %jit3A_49, %select_n3A_46 : i32
    %eq3A_51 = arith.constant 14 : i32
    %eq3A_52 = arith.cmpi eq, %add3A, %eq3A_51 : i32
    %jit3A_53 = arith.constant 55 : i32
    %select_n3A_54 = arith.select %eq3A_52, %jit3A_53, %select_n3A_50 : i32
    %eq3A_55 = arith.constant 15 : i32
    %eq3A_56 = arith.cmpi eq, %add3A, %eq3A_55 : i32
    %jit3A_57 = arith.constant 67 : i32
    %select_n3A_58 = arith.select %eq3A_56, %jit3A_57, %select_n3A_54 : i32
    %eq3A_59 = arith.constant 16 : i32
    %eq3A_60 = arith.cmpi eq, %add3A, %eq3A_59 : i32
    %jit3A_61 = arith.constant 71 : i32
    %select_n3A_62 = arith.select %eq3A_60, %jit3A_61, %select_n3A_58 : i32
    %eq3A_63 = arith.constant 17 : i32
    %eq3A_64 = arith.cmpi eq, %add3A, %eq3A_63 : i32
    %jit3A_65 = arith.constant 74 : i32
    %select_n3A_66 = arith.select %eq3A_64, %jit3A_65, %select_n3A_62 : i32
    %eq3A_67 = arith.constant 18 : i32
    %eq3A_68 = arith.cmpi eq, %add3A, %eq3A_67 : i32
    %jit3A_69 = arith.constant 79 : i32
    %select_n3A_70 = arith.select %eq3A_68, %jit3A_69, %select_n3A_66 : i32
    %eq3A_71 = arith.constant 19 : i32
    %eq3A_72 = arith.cmpi eq, %add3A, %eq3A_71 : i32
    %jit3A_73 = arith.constant 80 : i32
    %select_n3A_74 = arith.select %eq3A_72, %jit3A_73, %select_n3A_70 : i32
    %eq3A_75 = arith.constant 20 : i32
    %eq3A_76 = arith.cmpi eq, %add3A, %eq3A_75 : i32
    %jit3A_77 = arith.constant 83 : i32
    %select_n3A_78 = arith.select %eq3A_76, %jit3A_77, %select_n3A_74 : i32
    %eq3A_79 = arith.constant 21 : i32
    %eq3A_80 = arith.cmpi eq, %add3A, %eq3A_79 : i32
    %jit3A_81 = arith.constant 85 : i32
    %select_n3A_82 = arith.select %eq3A_80, %jit3A_81, %select_n3A_78 : i32
    %eq3A_83 = arith.constant 22 : i32
    %eq3A_84 = arith.cmpi eq, %add3A, %eq3A_83 : i32
    %jit3A_85 = arith.constant 89 : i32
    %select_n3A_86 = arith.select %eq3A_84, %jit3A_85, %select_n3A_82 : i32
    %eq3A_87 = arith.constant 23 : i32
    %eq3A_88 = arith.cmpi eq, %add3A, %eq3A_87 : i32
    %jit3A_89 = arith.constant 96 : i32
    %select_n3A_90 = arith.select %eq3A_88, %jit3A_89, %select_n3A_86 : i32
    %eq3A_91 = arith.constant 24 : i32
    %eq3A_92 = arith.cmpi eq, %add3A, %eq3A_91 : i32
    %jit3A_93 = arith.constant 97 : i32
    %select_n3A_94 = arith.select %eq3A_92, %jit3A_93, %select_n3A_90 : i32
    %eq3A_95 = arith.constant 25 : i32
    %eq3A_96 = arith.cmpi eq, %add3A, %eq3A_95 : i32
    %jit3A_97 = arith.constant 99 : i32
    %select_n3A_98 = arith.select %eq3A_96, %jit3A_97, %select_n3A_94 : i32
    %eq3A_99 = arith.constant 26 : i32
    %eq3A_100 = arith.cmpi eq, %add3A, %eq3A_99 : i32
    %jit3A_101 = arith.constant 107 : i32
    %select_n3A_102 = arith.select %eq3A_100, %jit3A_101, %select_n3A_98 : i32
    %eq3A_103 = arith.constant 27 : i32
    %eq3A_104 = arith.cmpi eq, %add3A, %eq3A_103 : i32
    %jit3A_105 = arith.constant 112 : i32
    %select_n3A_106 = arith.select %eq3A_104, %jit3A_105, %select_n3A_102 : i32
    %eq3A_107 = arith.constant 28 : i32
    %eq3A_108 = arith.cmpi eq, %add3A, %eq3A_107 : i32
    %jit3A_109 = arith.constant 115 : i32
    %select_n3A_110 = arith.select %eq3A_108, %jit3A_109, %select_n3A_106 : i32
    %eq3A_111 = arith.constant 29 : i32
    %eq3A_112 = arith.cmpi eq, %add3A, %eq3A_111 : i32
    %jit3A_113 = arith.constant 121 : i32
    %select_n3A_114 = arith.select %eq3A_112, %jit3A_113, %select_n3A_110 : i32
    %eq3A_115 = arith.constant 30 : i32
    %eq3A_116 = arith.cmpi eq, %add3A, %eq3A_115 : i32
    %jit3A_117 = arith.constant 125 : i32
    %select_n3A_118 = arith.select %eq3A_116, %jit3A_117, %select_n3A_114 : i32
    %lt3A = arith.constant 31 : i32
    %lt3A_119 = arith.cmpi slt, %add3A, %lt3A : i32
    %convert_element_type3A = arith.extui %lt3A_119 : i1 to i32
    %cond3A = arith.constant 0 : i32
    %cond3A_120 = arith.cmpi ne, %convert_element_type3A, %cond3A : i32
    scf.if %cond3A_120 {
      %dma_start3A = arith.constant 0 : i32
      %dma_start3A_121 = tpu.memref_slice %arg2[%select_n3A_118, %dma_start3A] : memref<128x160000xf32, #tpu.memory_space<hbm>> -> memref<1x32000xf32, #tpu.memory_space<hbm>>
      %dma_start3A_122 = tpu.memref_squeeze %dma_start3A_121 : memref<1x32000xf32, #tpu.memory_space<hbm>> -> memref<32000xf32, #tpu.memory_space<hbm>>
      %dma_start3A_123 = arith.constant 0 : i32
      %dma_start3A_124 = tpu.memref_slice %arg2[%select_n3A_118, %dma_start3A_123] : memref<128x160000xf32, #tpu.memory_space<hbm>> -> memref<1x32000xf32, #tpu.memory_space<hbm>>
      %dma_start3A_125 = tpu.memref_squeeze %dma_start3A_124 : memref<1x32000xf32, #tpu.memory_space<hbm>> -> memref<32000xf32, #tpu.memory_space<hbm>>
      tpu.enqueue_dma source(%dma_start3A_125 : memref<32000xf32, #tpu.memory_space<hbm>>) target(%arg4 : memref<32000xf32, #tpu.memory_space<vmem>>) target_semaphore(%arg7 : memref<!tpu.dma_semaphore, #tpu.memory_space<semaphore_mem>>)
      %dma_start3A_126 = arith.constant 32000 : i32
      %dma_start3A_127 = tpu.memref_slice %arg2[%select_n3A_118, %dma_start3A_126] : memref<128x160000xf32, #tpu.memory_space<hbm>> -> memref<1x32000xf32, #tpu.memory_space<hbm>>
      %dma_start3A_128 = tpu.memref_squeeze %dma_start3A_127 : memref<1x32000xf32, #tpu.memory_space<hbm>> -> memref<32000xf32, #tpu.memory_space<hbm>>
      %dma_start3A_129 = arith.constant 32000 : i32
      %dma_start3A_130 = tpu.memref_slice %arg2[%select_n3A_118, %dma_start3A_129] : memref<128x160000xf32, #tpu.memory_space<hbm>> -> memref<1x32000xf32, #tpu.memory_space<hbm>>
      %dma_start3A_131 = tpu.memref_squeeze %dma_start3A_130 : memref<1x32000xf32, #tpu.memory_space<hbm>> -> memref<32000xf32, #tpu.memory_space<hbm>>
      tpu.enqueue_dma source(%dma_start3A_131 : memref<32000xf32, #tpu.memory_space<hbm>>) target(%arg5 : memref<32000xf32, #tpu.memory_space<vmem>>) target_semaphore(%arg8 : memref<!tpu.dma_semaphore, #tpu.memory_space<semaphore_mem>>)
      %dma_wait3A = arith.constant 0 : i32
      %dma_wait3A_132 = tpu.memref_slice %arg2[%select_n3A_118, %dma_wait3A] : memref<128x160000xf32, #tpu.memory_space<hbm>> -> memref<1x32000xf32, #tpu.memory_space<hbm>>
      %dma_wait3A_133 = tpu.memref_squeeze %dma_wait3A_132 : memref<1x32000xf32, #tpu.memory_space<hbm>> -> memref<32000xf32, #tpu.memory_space<hbm>>
      %dma_wait3A_134 = arith.constant 0 : i32
      %dma_wait3A_135 = tpu.memref_slice %arg2[%select_n3A_118, %dma_wait3A_134] : memref<128x160000xf32, #tpu.memory_space<hbm>> -> memref<1x32000xf32, #tpu.memory_space<hbm>>
      %dma_wait3A_136 = tpu.memref_squeeze %dma_wait3A_135 : memref<1x32000xf32, #tpu.memory_space<hbm>> -> memref<32000xf32, #tpu.memory_space<hbm>>
      tpu.wait_dma2 semaphore(%arg7 : memref<!tpu.dma_semaphore, #tpu.memory_space<semaphore_mem>>) src(%dma_wait3A_136 : memref<32000xf32, #tpu.memory_space<hbm>>) dst(%arg4 : memref<32000xf32, #tpu.memory_space<vmem>>)
      %scan3A = arith.constant 0 : i32
      %scan3A_137 = arith.constant 0 : i32
      %scan3A_138 = arith.constant 1000 : i32
      %scan3A_139 = arith.addi %scan3A_137, %scan3A_138 : i32
      %scan3A_140 = arith.constant 8 : i32
      scf.for %scan3A_268 = %scan3A_137 to %scan3A_139 step %scan3A_140  : i32 {
        %mul3A_269 = arith.constant 16 : i32
        %mul3A_270 = arith.muli %mul3A_269, %scan3A_268 : i32
        %get3A = arith.index_cast %mul3A_270 : i32 to index
        %get3A_271 = tpu.vector_load %arg4[%get3A] {strides = array<i32>} : memref<32000xf32, #tpu.memory_space<vmem>>, vector<16xf32>,
        %get3A_272 = vector.shape_cast %get3A_271 : vector<16xf32> to vector<16xf32>
        %add3A_273 = arith.constant 1 : i32
        %add3A_274 = arith.addi %scan3A_268, %add3A_273 : i32
        %mul3A_275 = arith.constant 16 : i32
        %mul3A_276 = arith.muli %mul3A_275, %add3A_274 : i32
        %sub3A = arith.constant 32000 : i32
        %sub3A_277 = arith.subi %sub3A, %mul3A_276 : i32
        %get3A_278 = arith.index_cast %sub3A_277 : i32 to index
        %get3A_279 = tpu.vector_load %arg4[%get3A_278] {strides = array<i32>} : memref<32000xf32, #tpu.memory_space<vmem>>, vector<16xf32>,
        %get3A_280 = vector.shape_cast %get3A_279 : vector<16xf32> to vector<16xf32>
        %rev3A = arith.constant 15 : i32
        %rev3A_281 = vector.broadcast %rev3A : i32 to vector<16xi32>
        %rev3A_282 = tpu.iota {dimensions = array<i32: 0>} : vector<16xi32>
        %rev3A_283 = arith.subi %rev3A_281, %rev3A_282 : vector<16xi32>
        %rev3A_284 = tpu.dynamic_gather %get3A_280[%rev3A_283] in [0] : vector<16xf32>, vector<16xi32> -> vector<16xf32>
        %mul3A_285 = arith.constant 16 : i32
        %mul3A_286 = arith.muli %mul3A_285, %scan3A_268 : i32
        %swap3A = arith.index_cast %mul3A_286 : i32 to index
        %swap3A_287 = tpu.vector_load %arg4[%swap3A] {strides = array<i32>} : memref<32000xf32, #tpu.memory_space<vmem>>, vector<16xf32>,
        %swap3A_288 = vector.shape_cast %swap3A_287 : vector<16xf32> to vector<16xf32>
        %swap3A_289 = vector.shape_cast %rev3A_284 : vector<16xf32> to vector<16xf32>
        tpu.vector_store %arg4[%swap3A], %swap3A_289 {strides = array<i32>} : memref<32000xf32, #tpu.memory_space<vmem>>, vector<16xf32>,
        %rev3A_290 = arith.constant 15 : i32
        %rev3A_291 = vector.broadcast %rev3A_290 : i32 to vector<16xi32>
        %rev3A_292 = tpu.iota {dimensions = array<i32: 0>} : vector<16xi32>
        %rev3A_293 = arith.subi %rev3A_291, %rev3A_292 : vector<16xi32>
        %rev3A_294 = tpu.dynamic_gather %get3A_272[%rev3A_293] in [0] : vector<16xf32>, vector<16xi32> -> vector<16xf32>
        %add3A_295 = arith.constant 1 : i32
        %add3A_296 = arith.addi %scan3A_268, %add3A_295 : i32
        %mul3A_297 = arith.constant 16 : i32
        %mul3A_298 = arith.muli %mul3A_297, %add3A_296 : i32
        %sub3A_299 = arith.constant 32000 : i32
        %sub3A_300 = arith.subi %sub3A_299, %mul3A_298 : i32
        %swap3A_301 = arith.index_cast %sub3A_300 : i32 to index
        %swap3A_302 = tpu.vector_load %arg4[%swap3A_301] {strides = array<i32>} : memref<32000xf32, #tpu.memory_space<vmem>>, vector<16xf32>,
        %swap3A_303 = vector.shape_cast %swap3A_302 : vector<16xf32> to vector<16xf32>
        %swap3A_304 = vector.shape_cast %rev3A_294 : vector<16xf32> to vector<16xf32>
        tpu.vector_store %arg4[%swap3A_301], %swap3A_304 {strides = array<i32>} : memref<32000xf32, #tpu.memory_space<vmem>>, vector<16xf32>,
        %scan3A_305 = arith.constant 1 : i32
        %scan3A_306 = arith.addi %scan3A_268, %scan3A_305 : i32
        %mul3A_307 = arith.constant 16 : i32
        %mul3A_308 = arith.muli %mul3A_307, %scan3A_306 : i32
        %get3A_309 = arith.index_cast %mul3A_308 : i32 to index
        %get3A_310 = tpu.vector_load %arg4[%get3A_309] {strides = array<i32>} : memref<32000xf32, #tpu.memory_space<vmem>>, vector<16xf32>,
        %get3A_311 = vector.shape_cast %get3A_310 : vector<16xf32> to vector<16xf32>
        %add3A_312 = arith.constant 1 : i32
        %add3A_313 = arith.addi %scan3A_306, %add3A_312 : i32
        %mul3A_314 = arith.constant 16 : i32
        %mul3A_315 = arith.muli %mul3A_314, %add3A_313 : i32
        %sub3A_316 = arith.constant 32000 : i32
        %sub3A_317 = arith.subi %sub3A_316, %mul3A_315 : i32
        %get3A_318 = arith.index_cast %sub3A_317 : i32 to index
        %get3A_319 = tpu.vector_load %arg4[%get3A_318] {strides = array<i32>} : memref<32000xf32, #tpu.memory_space<vmem>>, vector<16xf32>,
        %get3A_320 = vector.shape_cast %get3A_319 : vector<16xf32> to vector<16xf32>
        %rev3A_321 = arith.constant 15 : i32
        %rev3A_322 = vector.broadcast %rev3A_321 : i32 to vector<16xi32>
        %rev3A_323 = tpu.iota {dimensions = array<i32: 0>} : vector<16xi32>
        %rev3A_324 = arith.subi %rev3A_322, %rev3A_323 : vector<16xi32>
        %rev3A_325 = tpu.dynamic_gather %get3A_320[%rev3A_324] in [0] : vector<16xf32>, vector<16xi32> -> vector<16xf32>
        %mul3A_326 = arith.constant 16 : i32
        %mul3A_327 = arith.muli %mul3A_326, %scan3A_306 : i32
        %swap3A_328 = arith.index_cast %mul3A_327 : i32 to index
        %swap3A_329 = tpu.vector_load %arg4[%swap3A_328] {strides = array<i32>} : memref<32000xf32, #tpu.memory_space<vmem>>, vector<16xf32>,
        %swap3A_330 = vector.shape_cast %swap3A_329 : vector<16xf32> to vector<16xf32>
        %swap3A_331 = vector.shape_cast %rev3A_325 : vector<16xf32> to vector<16xf32>
        tpu.vector_store %arg4[%swap3A_328], %swap3A_331 {strides = array<i32>} : memref<32000xf32, #tpu.memory_space<vmem>>, vector<16xf32>,
        %rev3A_332 = arith.constant 15 : i32
        %rev3A_333 = vector.broadcast %rev3A_332 : i32 to vector<16xi32>
        %rev3A_334 = tpu.iota {dimensions = array<i32: 0>} : vector<16xi32>
        %rev3A_335 = arith.subi %rev3A_333, %rev3A_334 : vector<16xi32>
        %rev3A_336 = tpu.dynamic_gather %get3A_311[%rev3A_335] in [0] : vector<16xf32>, vector<16xi32> -> vector<16xf32>
        %add3A_337 = arith.constant 1 : i32
        %add3A_338 = arith.addi %scan3A_306, %add3A_337 : i32
        %mul3A_339 = arith.constant 16 : i32
        %mul3A_340 = arith.muli %mul3A_339, %add3A_338 : i32
        %sub3A_341 = arith.constant 32000 : i32
        %sub3A_342 = arith.subi %sub3A_341, %mul3A_340 : i32
        %swap3A_343 = arith.index_cast %sub3A_342 : i32 to index
        %swap3A_344 = tpu.vector_load %arg4[%swap3A_343] {strides = array<i32>} : memref<32000xf32, #tpu.memory_space<vmem>>, vector<16xf32>,
        %swap3A_345 = vector.shape_cast %swap3A_344 : vector<16xf32> to vector<16xf32>
        %swap3A_346 = vector.shape_cast %rev3A_336 : vector<16xf32> to vector<16xf32>
        tpu.vector_store %arg4[%swap3A_343], %swap3A_346 {strides = array<i32>} : memref<32000xf32, #tpu.memory_space<vmem>>, vector<16xf32>,
        %scan3A_347 = arith.constant 2 : i32
        %scan3A_348 = arith.addi %scan3A_268, %scan3A_347 : i32
        %mul3A_349 = arith.constant 16 : i32
        %mul3A_350 = arith.muli %mul3A_349, %scan3A_348 : i32
        %get3A_351 = arith.index_cast %mul3A_350 : i32 to index
        %get3A_352 = tpu.vector_load %arg4[%get3A_351] {strides = array<i32>} : memref<32000xf32, #tpu.memory_space<vmem>>, vector<16xf32>,
        %get3A_353 = vector.shape_cast %get3A_352 : vector<16xf32> to vector<16xf32>
        %add3A_354 = arith.constant 1 : i32
        %add3A_355 = arith.addi %scan3A_348, %add3A_354 : i32
        %mul3A_356 = arith.constant 16 : i32
        %mul3A_357 = arith.muli %mul3A_356, %add3A_355 : i32
        %sub3A_358 = arith.constant 32000 : i32
        %sub3A_359 = arith.subi %sub3A_358, %mul3A_357 : i32
        %get3A_360 = arith.index_cast %sub3A_359 : i32 to index
        %get3A_361 = tpu.vector_load %arg4[%get3A_360] {strides = array<i32>} : memref<32000xf32, #tpu.memory_space<vmem>>, vector<16xf32>,
        %get3A_362 = vector.shape_cast %get3A_361 : vector<16xf32> to vector<16xf32>
        %rev3A_363 = arith.constant 15 : i32
        %rev3A_364 = vector.broadcast %rev3A_363 : i32 to vector<16xi32>
        %rev3A_365 = tpu.iota {dimensions = array<i32: 0>} : vector<16xi32>
        %rev3A_366 = arith.subi %rev3A_364, %rev3A_365 : vector<16xi32>
        %rev3A_367 = tpu.dynamic_gather %get3A_362[%rev3A_366] in [0] : vector<16xf32>, vector<16xi32> -> vector<16xf32>
        %mul3A_368 = arith.constant 16 : i32
        %mul3A_369 = arith.muli %mul3A_368, %scan3A_348 : i32
        %swap3A_370 = arith.index_cast %mul3A_369 : i32 to index
        %swap3A_371 = tpu.vector_load %arg4[%swap3A_370] {strides = array<i32>} : memref<32000xf32, #tpu.memory_space<vmem>>, vector<16xf32>,
        %swap3A_372 = vector.shape_cast %swap3A_371 : vector<16xf32> to vector<16xf32>
        %swap3A_373 = vector.shape_cast %rev3A_367 : vector<16xf32> to vector<16xf32>
        tpu.vector_store %arg4[%swap3A_370], %swap3A_373 {strides = array<i32>} : memref<32000xf32, #tpu.memory_space<vmem>>, vector<16xf32>,
        %rev3A_374 = arith.constant 15 : i32
        %rev3A_375 = vector.broadcast %rev3A_374 : i32 to vector<16xi32>
        %rev3A_376 = tpu.iota {dimensions = array<i32: 0>} : vector<16xi32>
        %rev3A_377 = arith.subi %rev3A_375, %rev3A_376 : vector<16xi32>
        %rev3A_378 = tpu.dynamic_gather %get3A_353[%rev3A_377] in [0] : vector<16xf32>, vector<16xi32> -> vector<16xf32>
        %add3A_379 = arith.constant 1 : i32
        %add3A_380 = arith.addi %scan3A_348, %add3A_379 : i32
        %mul3A_381 = arith.constant 16 : i32
        %mul3A_382 = arith.muli %mul3A_381, %add3A_380 : i32
        %sub3A_383 = arith.constant 32000 : i32
        %sub3A_384 = arith.subi %sub3A_383, %mul3A_382 : i32
        %swap3A_385 = arith.index_cast %sub3A_384 : i32 to index
        %swap3A_386 = tpu.vector_load %arg4[%swap3A_385] {strides = array<i32>} : memref<32000xf32, #tpu.memory_space<vmem>>, vector<16xf32>,
        %swap3A_387 = vector.shape_cast %swap3A_386 : vector<16xf32> to vector<16xf32>
        %swap3A_388 = vector.shape_cast %rev3A_378 : vector<16xf32> to vector<16xf32>
        tpu.vector_store %arg4[%swap3A_385], %swap3A_388 {strides = array<i32>} : memref<32000xf32, #tpu.memory_space<vmem>>, vector<16xf32>,
        %scan3A_389 = arith.constant 3 : i32
        %scan3A_390 = arith.addi %scan3A_268, %scan3A_389 : i32
        %mul3A_391 = arith.constant 16 : i32
        %mul3A_392 = arith.muli %mul3A_391, %scan3A_390 : i32
        %get3A_393 = arith.index_cast %mul3A_392 : i32 to index
        %get3A_394 = tpu.vector_load %arg4[%get3A_393] {strides = array<i32>} : memref<32000xf32, #tpu.memory_space<vmem>>, vector<16xf32>,
        %get3A_395 = vector.shape_cast %get3A_394 : vector<16xf32> to vector<16xf32>
        %add3A_396 = arith.constant 1 : i32
        %add3A_397 = arith.addi %scan3A_390, %add3A_396 : i32
        %mul3A_398 = arith.constant 16 : i32
        %mul3A_399 = arith.muli %mul3A_398, %add3A_397 : i32
        %sub3A_400 = arith.constant 32000 : i32
        %sub3A_401 = arith.subi %sub3A_400, %mul3A_399 : i32
        %get3A_402 = arith.index_cast %sub3A_401 : i32 to index
        %get3A_403 = tpu.vector_load %arg4[%get3A_402] {strides = array<i32>} : memref<32000xf32, #tpu.memory_space<vmem>>, vector<16xf32>,
        %get3A_404 = vector.shape_cast %get3A_403 : vector<16xf32> to vector<16xf32>
        %rev3A_405 = arith.constant 15 : i32
        %rev3A_406 = vector.broadcast %rev3A_405 : i32 to vector<16xi32>
        %rev3A_407 = tpu.iota {dimensions = array<i32: 0>} : vector<16xi32>
        %rev3A_408 = arith.subi %rev3A_406, %rev3A_407 : vector<16xi32>
        %rev3A_409 = tpu.dynamic_gather %get3A_404[%rev3A_408] in [0] : vector<16xf32>, vector<16xi32> -> vector<16xf32>
        %mul3A_410 = arith.constant 16 : i32
        %mul3A_411 = arith.muli %mul3A_410, %scan3A_390 : i32
        %swap3A_412 = arith.index_cast %mul3A_411 : i32 to index
        %swap3A_413 = tpu.vector_load %arg4[%swap3A_412] {strides = array<i32>} : memref<32000xf32, #tpu.memory_space<vmem>>, vector<16xf32>,
        %swap3A_414 = vector.shape_cast %swap3A_413 : vector<16xf32> to vector<16xf32>
        %swap3A_415 = vector.shape_cast %rev3A_409 : vector<16xf32> to vector<16xf32>
        tpu.vector_store %arg4[%swap3A_412], %swap3A_415 {strides = array<i32>} : memref<32000xf32, #tpu.memory_space<vmem>>, vector<16xf32>,
        %rev3A_416 = arith.constant 15 : i32
        %rev3A_417 = vector.broadcast %rev3A_416 : i32 to vector<16xi32>
        %rev3A_418 = tpu.iota {dimensions = array<i32: 0>} : vector<16xi32>
        %rev3A_419 = arith.subi %rev3A_417, %rev3A_418 : vector<16xi32>
        %rev3A_420 = tpu.dynamic_gather %get3A_395[%rev3A_419] in [0] : vector<16xf32>, vector<16xi32> -> vector<16xf32>
        %add3A_421 = arith.constant 1 : i32
        %add3A_422 = arith.addi %scan3A_390, %add3A_421 : i32
        %mul3A_423 = arith.constant 16 : i32
        %mul3A_424 = arith.muli %mul3A_423, %add3A_422 : i32
        %sub3A_425 = arith.constant 32000 : i32
        %sub3A_426 = arith.subi %sub3A_425, %mul3A_424 : i32
        %swap3A_427 = arith.index_cast %sub3A_426 : i32 to index
        %swap3A_428 = tpu.vector_load %arg4[%swap3A_427] {strides = array<i32>} : memref<32000xf32, #tpu.memory_space<vmem>>, vector<16xf32>,
        %swap3A_429 = vector.shape_cast %swap3A_428 : vector<16xf32> to vector<16xf32>
        %swap3A_430 = vector.shape_cast %rev3A_420 : vector<16xf32> to vector<16xf32>
        tpu.vector_store %arg4[%swap3A_427], %swap3A_430 {strides = array<i32>} : memref<32000xf32, #tpu.memory_space<vmem>>, vector<16xf32>,
        %scan3A_431 = arith.constant 4 : i32
        %scan3A_432 = arith.addi %scan3A_268, %scan3A_431 : i32
        %mul3A_433 = arith.constant 16 : i32
        %mul3A_434 = arith.muli %mul3A_433, %scan3A_432 : i32
        %get3A_435 = arith.index_cast %mul3A_434 : i32 to index
        %get3A_436 = tpu.vector_load %arg4[%get3A_435] {strides = array<i32>} : memref<32000xf32, #tpu.memory_space<vmem>>, vector<16xf32>,
        %get3A_437 = vector.shape_cast %get3A_436 : vector<16xf32> to vector<16xf32>
        %add3A_438 = arith.constant 1 : i32
        %add3A_439 = arith.addi %scan3A_432, %add3A_438 : i32
        %mul3A_440 = arith.constant 16 : i32
        %mul3A_441 = arith.muli %mul3A_440, %add3A_439 : i32
        %sub3A_442 = arith.constant 32000 : i32
        %sub3A_443 = arith.subi %sub3A_442, %mul3A_441 : i32
        %get3A_444 = arith.index_cast %sub3A_443 : i32 to index
        %get3A_445 = tpu.vector_load %arg4[%get3A_444] {strides = array<i32>} : memref<32000xf32, #tpu.memory_space<vmem>>, vector<16xf32>,
        %get3A_446 = vector.shape_cast %get3A_445 : vector<16xf32> to vector<16xf32>
        %rev3A_447 = arith.constant 15 : i32
        %rev3A_448 = vector.broadcast %rev3A_447 : i32 to vector<16xi32>
        %rev3A_449 = tpu.iota {dimensions = array<i32: 0>} : vector<16xi32>
        %rev3A_450 = arith.subi %rev3A_448, %rev3A_449 : vector<16xi32>
        %rev3A_451 = tpu.dynamic_gather %get3A_446[%rev3A_450] in [0] : vector<16xf32>, vector<16xi32> -> vector<16xf32>
        %mul3A_452 = arith.constant 16 : i32
        %mul3A_453 = arith.muli %mul3A_452, %scan3A_432 : i32
        %swap3A_454 = arith.index_cast %mul3A_453 : i32 to index
        %swap3A_455 = tpu.vector_load %arg4[%swap3A_454] {strides = array<i32>} : memref<32000xf32, #tpu.memory_space<vmem>>, vector<16xf32>,
        %swap3A_456 = vector.shape_cast %swap3A_455 : vector<16xf32> to vector<16xf32>
        %swap3A_457 = vector.shape_cast %rev3A_451 : vector<16xf32> to vector<16xf32>
        tpu.vector_store %arg4[%swap3A_454], %swap3A_457 {strides = array<i32>} : memref<32000xf32, #tpu.memory_space<vmem>>, vector<16xf32>,
        %rev3A_458 = arith.constant 15 : i32
        %rev3A_459 = vector.broadcast %rev3A_458 : i32 to vector<16xi32>
        %rev3A_460 = tpu.iota {dimensions = array<i32: 0>} : vector<16xi32>
        %rev3A_461 = arith.subi %rev3A_459, %rev3A_460 : vector<16xi32>
        %rev3A_462 = tpu.dynamic_gather %get3A_437[%rev3A_461] in [0] : vector<16xf32>, vector<16xi32> -> vector<16xf32>
        %add3A_463 = arith.constant 1 : i32
        %add3A_464 = arith.addi %scan3A_432, %add3A_463 : i32
        %mul3A_465 = arith.constant 16 : i32
        %mul3A_466 = arith.muli %mul3A_465, %add3A_464 : i32
        %sub3A_467 = arith.constant 32000 : i32
        %sub3A_468 = arith.subi %sub3A_467, %mul3A_466 : i32
        %swap3A_469 = arith.index_cast %sub3A_468 : i32 to index
        %swap3A_470 = tpu.vector_load %arg4[%swap3A_469] {strides = array<i32>} : memref<32000xf32, #tpu.memory_space<vmem>>, vector<16xf32>,
        %swap3A_471 = vector.shape_cast %swap3A_470 : vector<16xf32> to vector<16xf32>
        %swap3A_472 = vector.shape_cast %rev3A_462 : vector<16xf32> to vector<16xf32>
        tpu.vector_store %arg4[%swap3A_469], %swap3A_472 {strides = array<i32>} : memref<32000xf32, #tpu.memory_space<vmem>>, vector<16xf32>,
        %scan3A_473 = arith.constant 5 : i32
        %scan3A_474 = arith.addi %scan3A_268, %scan3A_473 : i32
        %mul3A_475 = arith.constant 16 : i32
        %mul3A_476 = arith.muli %mul3A_475, %scan3A_474 : i32
        %get3A_477 = arith.index_cast %mul3A_476 : i32 to index
        %get3A_478 = tpu.vector_load %arg4[%get3A_477] {strides = array<i32>} : memref<32000xf32, #tpu.memory_space<vmem>>, vector<16xf32>,
        %get3A_479 = vector.shape_cast %get3A_478 : vector<16xf32> to vector<16xf32>
        %add3A_480 = arith.constant 1 : i32
        %add3A_481 = arith.addi %scan3A_474, %add3A_480 : i32
        %mul3A_482 = arith.constant 16 : i32
        %mul3A_483 = arith.muli %mul3A_482, %add3A_481 : i32
        %sub3A_484 = arith.constant 32000 : i32
        %sub3A_485 = arith.subi %sub3A_484, %mul3A_483 : i32
        %get3A_486 = arith.index_cast %sub3A_485 : i32 to index
        %get3A_487 = tpu.vector_load %arg4[%get3A_486] {strides = array<i32>} : memref<32000xf32, #tpu.memory_space<vmem>>, vector<16xf32>,
        %get3A_488 = vector.shape_cast %get3A_487 : vector<16xf32> to vector<16xf32>
        %rev3A_489 = arith.constant 15 : i32
        %rev3A_490 = vector.broadcast %rev3A_489 : i32 to vector<16xi32>
        %rev3A_491 = tpu.iota {dimensions = array<i32: 0>} : vector<16xi32>
        %rev3A_492 = arith.subi %rev3A_490, %rev3A_491 : vector<16xi32>
        %rev3A_493 = tpu.dynamic_gather %get3A_488[%rev3A_492] in [0] : vector<16xf32>, vector<16xi32> -> vector<16xf32>
        %mul3A_494 = arith.constant 16 : i32
        %mul3A_495 = arith.muli %mul3A_494, %scan3A_474 : i32
        %swap3A_496 = arith.index_cast %mul3A_495 : i32 to index
        %swap3A_497 = tpu.vector_load %arg4[%swap3A_496] {strides = array<i32>} : memref<32000xf32, #tpu.memory_space<vmem>>, vector<16xf32>,
        %swap3A_498 = vector.shape_cast %swap3A_497 : vector<16xf32> to vector<16xf32>
        %swap3A_499 = vector.shape_cast %rev3A_493 : vector<16xf32> to vector<16xf32>
        tpu.vector_store %arg4[%swap3A_496], %swap3A_499 {strides = array<i32>} : memref<32000xf32, #tpu.memory_space<vmem>>, vector<16xf32>,
        %rev3A_500 = arith.constant 15 : i32
        %rev3A_501 = vector.broadcast %rev3A_500 : i32 to vector<16xi32>
        %rev3A_502 = tpu.iota {dimensions = array<i32: 0>} : vector<16xi32>
        %rev3A_503 = arith.subi %rev3A_501, %rev3A_502 : vector<16xi32>
        %rev3A_504 = tpu.dynamic_gather %get3A_479[%rev3A_503] in [0] : vector<16xf32>, vector<16xi32> -> vector<16xf32>
        %add3A_505 = arith.constant 1 : i32
        %add3A_506 = arith.addi %scan3A_474, %add3A_505 : i32
        %mul3A_507 = arith.constant 16 : i32
        %mul3A_508 = arith.muli %mul3A_507, %add3A_506 : i32
        %sub3A_509 = arith.constant 32000 : i32
        %sub3A_510 = arith.subi %sub3A_509, %mul3A_508 : i32
        %swap3A_511 = arith.index_cast %sub3A_510 : i32 to index
        %swap3A_512 = tpu.vector_load %arg4[%swap3A_511] {strides = array<i32>} : memref<32000xf32, #tpu.memory_space<vmem>>, vector<16xf32>,
        %swap3A_513 = vector.shape_cast %swap3A_512 : vector<16xf32> to vector<16xf32>
        %swap3A_514 = vector.shape_cast %rev3A_504 : vector<16xf32> to vector<16xf32>
        tpu.vector_store %arg4[%swap3A_511], %swap3A_514 {strides = array<i32>} : memref<32000xf32, #tpu.memory_space<vmem>>, vector<16xf32>,
        %scan3A_515 = arith.constant 6 : i32
        %scan3A_516 = arith.addi %scan3A_268, %scan3A_515 : i32
        %mul3A_517 = arith.constant 16 : i32
        %mul3A_518 = arith.muli %mul3A_517, %scan3A_516 : i32
        %get3A_519 = arith.index_cast %mul3A_518 : i32 to index
        %get3A_520 = tpu.vector_load %arg4[%get3A_519] {strides = array<i32>} : memref<32000xf32, #tpu.memory_space<vmem>>, vector<16xf32>,
        %get3A_521 = vector.shape_cast %get3A_520 : vector<16xf32> to vector<16xf32>
        %add3A_522 = arith.constant 1 : i32
        %add3A_523 = arith.addi %scan3A_516, %add3A_522 : i32
        %mul3A_524 = arith.constant 16 : i32
        %mul3A_525 = arith.muli %mul3A_524, %add3A_523 : i32
        %sub3A_526 = arith.constant 32000 : i32
        %sub3A_527 = arith.subi %sub3A_526, %mul3A_525 : i32
        %get3A_528 = arith.index_cast %sub3A_527 : i32 to index
        %get3A_529 = tpu.vector_load %arg4[%get3A_528] {strides = array<i32>} : memref<32000xf32, #tpu.memory_space<vmem>>, vector<16xf32>,
        %get3A_530 = vector.shape_cast %get3A_529 : vector<16xf32> to vector<16xf32>
        %rev3A_531 = arith.constant 15 : i32
        %rev3A_532 = vector.broadcast %rev3A_531 : i32 to vector<16xi32>
        %rev3A_533 = tpu.iota {dimensions = array<i32: 0>} : vector<16xi32>
        %rev3A_534 = arith.subi %rev3A_532, %rev3A_533 : vector<16xi32>
        %rev3A_535 = tpu.dynamic_gather %get3A_530[%rev3A_534] in [0] : vector<16xf32>, vector<16xi32> -> vector<16xf32>
        %mul3A_536 = arith.constant 16 : i32
        %mul3A_537 = arith.muli %mul3A_536, %scan3A_516 : i32
        %swap3A_538 = arith.index_cast %mul3A_537 : i32 to index
        %swap3A_539 = tpu.vector_load %arg4[%swap3A_538] {strides = array<i32>} : memref<32000xf32, #tpu.memory_space<vmem>>, vector<16xf32>,
        %swap3A_540 = vector.shape_cast %swap3A_539 : vector<16xf32> to vector<16xf32>
        %swap3A_541 = vector.shape_cast %rev3A_535 : vector<16xf32> to vector<16xf32>
        tpu.vector_store %arg4[%swap3A_538], %swap3A_541 {strides = array<i32>} : memref<32000xf32, #tpu.memory_space<vmem>>, vector<16xf32>,
        %rev3A_542 = arith.constant 15 : i32
        %rev3A_543 = vector.broadcast %rev3A_542 : i32 to vector<16xi32>
        %rev3A_544 = tpu.iota {dimensions = array<i32: 0>} : vector<16xi32>
        %rev3A_545 = arith.subi %rev3A_543, %rev3A_544 : vector<16xi32>
        %rev3A_546 = tpu.dynamic_gather %get3A_521[%rev3A_545] in [0] : vector<16xf32>, vector<16xi32> -> vector<16xf32>
        %add3A_547 = arith.constant 1 : i32
        %add3A_548 = arith.addi %scan3A_516, %add3A_547 : i32
        %mul3A_549 = arith.constant 16 : i32
        %mul3A_550 = arith.muli %mul3A_549, %add3A_548 : i32
        %sub3A_551 = arith.constant 32000 : i32
        %sub3A_552 = arith.subi %sub3A_551, %mul3A_550 : i32
        %swap3A_553 = arith.index_cast %sub3A_552 : i32 to index
        %swap3A_554 = tpu.vector_load %arg4[%swap3A_553] {strides = array<i32>} : memref<32000xf32, #tpu.memory_space<vmem>>, vector<16xf32>,
        %swap3A_555 = vector.shape_cast %swap3A_554 : vector<16xf32> to vector<16xf32>
        %swap3A_556 = vector.shape_cast %rev3A_546 : vector<16xf32> to vector<16xf32>
        tpu.vector_store %arg4[%swap3A_553], %swap3A_556 {strides = array<i32>} : memref<32000xf32, #tpu.memory_space<vmem>>, vector<16xf32>,
        %scan3A_557 = arith.constant 7 : i32
        %scan3A_558 = arith.addi %scan3A_268, %scan3A_557 : i32
        %mul3A_559 = arith.constant 16 : i32
        %mul3A_560 = arith.muli %mul3A_559, %scan3A_558 : i32
        %get3A_561 = arith.index_cast %mul3A_560 : i32 to index
        %get3A_562 = tpu.vector_load %arg4[%get3A_561] {strides = array<i32>} : memref<32000xf32, #tpu.memory_space<vmem>>, vector<16xf32>,
        %get3A_563 = vector.shape_cast %get3A_562 : vector<16xf32> to vector<16xf32>
        %add3A_564 = arith.constant 1 : i32
        %add3A_565 = arith.addi %scan3A_558, %add3A_564 : i32
        %mul3A_566 = arith.constant 16 : i32
        %mul3A_567 = arith.muli %mul3A_566, %add3A_565 : i32
        %sub3A_568 = arith.constant 32000 : i32
        %sub3A_569 = arith.subi %sub3A_568, %mul3A_567 : i32
        %get3A_570 = arith.index_cast %sub3A_569 : i32 to index
        %get3A_571 = tpu.vector_load %arg4[%get3A_570] {strides = array<i32>} : memref<32000xf32, #tpu.memory_space<vmem>>, vector<16xf32>,
        %get3A_572 = vector.shape_cast %get3A_571 : vector<16xf32> to vector<16xf32>
        %rev3A_573 = arith.constant 15 : i32
        %rev3A_574 = vector.broadcast %rev3A_573 : i32 to vector<16xi32>
        %rev3A_575 = tpu.iota {dimensions = array<i32: 0>} : vector<16xi32>
        %rev3A_576 = arith.subi %rev3A_574, %rev3A_575 : vector<16xi32>
        %rev3A_577 = tpu.dynamic_gather %get3A_572[%rev3A_576] in [0] : vector<16xf32>, vector<16xi32> -> vector<16xf32>
        %mul3A_578 = arith.constant 16 : i32
        %mul3A_579 = arith.muli %mul3A_578, %scan3A_558 : i32
        %swap3A_580 = arith.index_cast %mul3A_579 : i32 to index
        %swap3A_581 = tpu.vector_load %arg4[%swap3A_580] {strides = array<i32>} : memref<32000xf32, #tpu.memory_space<vmem>>, vector<16xf32>,
        %swap3A_582 = vector.shape_cast %swap3A_581 : vector<16xf32> to vector<16xf32>
        %swap3A_583 = vector.shape_cast %rev3A_577 : vector<16xf32> to vector<16xf32>
        tpu.vector_store %arg4[%swap3A_580], %swap3A_583 {strides = array<i32>} : memref<32000xf32, #tpu.memory_space<vmem>>, vector<16xf32>,
        %rev3A_584 = arith.constant 15 : i32
        %rev3A_585 = vector.broadcast %rev3A_584 : i32 to vector<16xi32>
        %rev3A_586 = tpu.iota {dimensions = array<i32: 0>} : vector<16xi32>
        %rev3A_587 = arith.subi %rev3A_585, %rev3A_586 : vector<16xi32>
        %rev3A_588 = tpu.dynamic_gather %get3A_563[%rev3A_587] in [0] : vector<16xf32>, vector<16xi32> -> vector<16xf32>
        %add3A_589 = arith.constant 1 : i32
        %add3A_590 = arith.addi %scan3A_558, %add3A_589 : i32
        %mul3A_591 = arith.constant 16 : i32
        %mul3A_592 = arith.muli %mul3A_591, %add3A_590 : i32
        %sub3A_593 = arith.constant 32000 : i32
        %sub3A_594 = arith.subi %sub3A_593, %mul3A_592 : i32
        %swap3A_595 = arith.index_cast %sub3A_594 : i32 to index
        %swap3A_596 = tpu.vector_load %arg4[%swap3A_595] {strides = array<i32>} : memref<32000xf32, #tpu.memory_space<vmem>>, vector<16xf32>,
        %swap3A_597 = vector.shape_cast %swap3A_596 : vector<16xf32> to vector<16xf32>
        %swap3A_598 = vector.shape_cast %rev3A_588 : vector<16xf32> to vector<16xf32>
        tpu.vector_store %arg4[%swap3A_595], %swap3A_598 {strides = array<i32>} : memref<32000xf32, #tpu.memory_space<vmem>>, vector<16xf32>,
      }
      %scan3A_141 = arith.constant 1000 : i32
      %dma_start3A_142 = arith.constant 128000 : i32
      %dma_start3A_143 = tpu.memref_slice %arg3[%select_n3A_118, %dma_start3A_142] : memref<128x160000xf32, #tpu.memory_space<hbm>> -> memref<1x32000xf32, #tpu.memory_space<hbm>>
      %dma_start3A_144 = tpu.memref_squeeze %dma_start3A_143 : memref<1x32000xf32, #tpu.memory_space<hbm>> -> memref<32000xf32, #tpu.memory_space<hbm>>
      %dma_start3A_145 = arith.constant 128000 : i32
      %dma_start3A_146 = tpu.memref_slice %arg3[%select_n3A_118, %dma_start3A_145] : memref<128x160000xf32, #tpu.memory_space<hbm>> -> memref<1x32000xf32, #tpu.memory_space<hbm>>
      %dma_start3A_147 = tpu.memref_squeeze %dma_start3A_146 : memref<1x32000xf32, #tpu.memory_space<hbm>> -> memref<32000xf32, #tpu.memory_space<hbm>>
      tpu.enqueue_dma source(%arg4 : memref<32000xf32, #tpu.memory_space<vmem>>) target(%dma_start3A_147 : memref<32000xf32, #tpu.memory_space<hbm>>) target_semaphore(%arg10 : memref<!tpu.dma_semaphore, #tpu.memory_space<semaphore_mem>>)
      %dma_start3A_148 = arith.constant 64000 : i32
      %dma_start3A_149 = tpu.memref_slice %arg2[%select_n3A_118, %dma_start3A_148] : memref<128x160000xf32, #tpu.memory_space<hbm>> -> memref<1x32000xf32, #tpu.memory_space<hbm>>
      %dma_start3A_150 = tpu.memref_squeeze %dma_start3A_149 : memref<1x32000xf32, #tpu.memory_space<hbm>> -> memref<32000xf32, #tpu.memory_space<hbm>>
      %dma_start3A_151 = arith.constant 64000 : i32
      %dma_start3A_152 = tpu.memref_slice %arg2[%select_n3A_118, %dma_start3A_151] : memref<128x160000xf32, #tpu.memory_space<hbm>> -> memref<1x32000xf32, #tpu.memory_space<hbm>>
      %dma_start3A_153 = tpu.memref_squeeze %dma_start3A_152 : memref<1x32000xf32, #tpu.memory_space<hbm>> -> memref<32000xf32, #tpu.memory_space<hbm>>
      tpu.enqueue_dma source(%dma_start3A_153 : memref<32000xf32, #tpu.memory_space<hbm>>) target(%arg6 : memref<32000xf32, #tpu.memory_space<vmem>>) target_semaphore(%arg9 : memref<!tpu.dma_semaphore, #tpu.memory_space<semaphore_mem>>)
      %dma_wait3A_154 = arith.constant 32000 : i32
      %dma_wait3A_155 = tpu.memref_slice %arg2[%select_n3A_118, %dma_wait3A_154] : memref<128x160000xf32, #tpu.memory_space<hbm>> -> memref<1x32000xf32, #tpu.memory_space<hbm>>
      %dma_wait3A_156 = tpu.memref_squeeze %dma_wait3A_155 : memref<1x32000xf32, #tpu.memory_space<hbm>> -> memref<32000xf32, #tpu.memory_space<hbm>>
      %dma_wait3A_157 = arith.constant 32000 : i32
      %dma_wait3A_158 = tpu.memref_slice %arg2[%select_n3A_118, %dma_wait3A_157] : memref<128x160000xf32, #tpu.memory_space<hbm>> -> memref<1x32000xf32, #tpu.memory_space<hbm>>
      %dma_wait3A_159 = tpu.memref_squeeze %dma_wait3A_158 : memref<1x32000xf32, #tpu.memory_space<hbm>> -> memref<32000xf32, #tpu.memory_space<hbm>>
      tpu.wait_dma2 semaphore(%arg8 : memref<!tpu.dma_semaphore, #tpu.memory_space<semaphore_mem>>) src(%dma_wait3A_159 : memref<32000xf32, #tpu.memory_space<hbm>>) dst(%arg5 : memref<32000xf32, #tpu.memory_space<vmem>>)
      %scan3A_160 = arith.constant 0 : i32
      %scan3A_161 = arith.constant 0 : i32
      %scan3A_162 = arith.constant 1000 : i32
      %scan3A_163 = arith.addi %scan3A_161, %scan3A_162 : i32
      %scan3A_164 = arith.constant 8 : i32
      scf.for %scan3A_268 = %scan3A_161 to %scan3A_163 step %scan3A_164  : i32 {
        %mul3A_269 = arith.constant 16 : i32
        %mul3A_270 = arith.muli %mul3A_269, %scan3A_268 : i32
        %get3A = arith.index_cast %mul3A_270 : i32 to index
        %get3A_271 = tpu.vector_load %arg5[%get3A] {strides = array<i32>} : memref<32000xf32, #tpu.memory_space<vmem>>, vector<16xf32>,
        %get3A_272 = vector.shape_cast %get3A_271 : vector<16xf32> to vector<16xf32>
        %add3A_273 = arith.constant 1 : i32
        %add3A_274 = arith.addi %scan3A_268, %add3A_273 : i32
        %mul3A_275 = arith.constant 16 : i32
        %mul3A_276 = arith.muli %mul3A_275, %add3A_274 : i32
        %sub3A = arith.constant 32000 : i32
        %sub3A_277 = arith.subi %sub3A, %mul3A_276 : i32
        %get3A_278 = arith.index_cast %sub3A_277 : i32 to index
        %get3A_279 = tpu.vector_load %arg5[%get3A_278] {strides = array<i32>} : memref<32000xf32, #tpu.memory_space<vmem>>, vector<16xf32>,
        %get3A_280 = vector.shape_cast %get3A_279 : vector<16xf32> to vector<16xf32>
        %rev3A = arith.constant 15 : i32
        %rev3A_281 = vector.broadcast %rev3A : i32 to vector<16xi32>
        %rev3A_282 = tpu.iota {dimensions = array<i32: 0>} : vector<16xi32>
        %rev3A_283 = arith.subi %rev3A_281, %rev3A_282 : vector<16xi32>
        %rev3A_284 = tpu.dynamic_gather %get3A_280[%rev3A_283] in [0] : vector<16xf32>, vector<16xi32> -> vector<16xf32>
        %mul3A_285 = arith.constant 16 : i32
        %mul3A_286 = arith.muli %mul3A_285, %scan3A_268 : i32
        %swap3A = arith.index_cast %mul3A_286 : i32 to index
        %swap3A_287 = tpu.vector_load %arg5[%swap3A] {strides = array<i32>} : memref<32000xf32, #tpu.memory_space<vmem>>, vector<16xf32>,
        %swap3A_288 = vector.shape_cast %swap3A_287 : vector<16xf32> to vector<16xf32>
        %swap3A_289 = vector.shape_cast %rev3A_284 : vector<16xf32> to vector<16xf32>
        tpu.vector_store %arg5[%swap3A], %swap3A_289 {strides = array<i32>} : memref<32000xf32, #tpu.memory_space<vmem>>, vector<16xf32>,
        %rev3A_290 = arith.constant 15 : i32
        %rev3A_291 = vector.broadcast %rev3A_290 : i32 to vector<16xi32>
        %rev3A_292 = tpu.iota {dimensions = array<i32: 0>} : vector<16xi32>
        %rev3A_293 = arith.subi %rev3A_291, %rev3A_292 : vector<16xi32>
        %rev3A_294 = tpu.dynamic_gather %get3A_272[%rev3A_293] in [0] : vector<16xf32>, vector<16xi32> -> vector<16xf32>
        %add3A_295 = arith.constant 1 : i32
        %add3A_296 = arith.addi %scan3A_268, %add3A_295 : i32
        %mul3A_297 = arith.constant 16 : i32
        %mul3A_298 = arith.muli %mul3A_297, %add3A_296 : i32
        %sub3A_299 = arith.constant 32000 : i32
        %sub3A_300 = arith.subi %sub3A_299, %mul3A_298 : i32
        %swap3A_301 = arith.index_cast %sub3A_300 : i32 to index
        %swap3A_302 = tpu.vector_load %arg5[%swap3A_301] {strides = array<i32>} : memref<32000xf32, #tpu.memory_space<vmem>>, vector<16xf32>,
        %swap3A_303 = vector.shape_cast %swap3A_302 : vector<16xf32> to vector<16xf32>
        %swap3A_304 = vector.shape_cast %rev3A_294 : vector<16xf32> to vector<16xf32>
        tpu.vector_store %arg5[%swap3A_301], %swap3A_304 {strides = array<i32>} : memref<32000xf32, #tpu.memory_space<vmem>>, vector<16xf32>,
        %scan3A_305 = arith.constant 1 : i32
        %scan3A_306 = arith.addi %scan3A_268, %scan3A_305 : i32
        %mul3A_307 = arith.constant 16 : i32
        %mul3A_308 = arith.muli %mul3A_307, %scan3A_306 : i32
        %get3A_309 = arith.index_cast %mul3A_308 : i32 to index
        %get3A_310 = tpu.vector_load %arg5[%get3A_309] {strides = array<i32>} : memref<32000xf32, #tpu.memory_space<vmem>>, vector<16xf32>,
        %get3A_311 = vector.shape_cast %get3A_310 : vector<16xf32> to vector<16xf32>
        %add3A_312 = arith.constant 1 : i32
        %add3A_313 = arith.addi %scan3A_306, %add3A_312 : i32
        %mul3A_314 = arith.constant 16 : i32
        %mul3A_315 = arith.muli %mul3A_314, %add3A_313 : i32
        %sub3A_316 = arith.constant 32000 : i32
        %sub3A_317 = arith.subi %sub3A_316, %mul3A_315 : i32
        %get3A_318 = arith.index_cast %sub3A_317 : i32 to index
        %get3A_319 = tpu.vector_load %arg5[%get3A_318] {strides = array<i32>} : memref<32000xf32, #tpu.memory_space<vmem>>, vector<16xf32>,
        %get3A_320 = vector.shape_cast %get3A_319 : vector<16xf32> to vector<16xf32>
        %rev3A_321 = arith.constant 15 : i32
        %rev3A_322 = vector.broadcast %rev3A_321 : i32 to vector<16xi32>
        %rev3A_323 = tpu.iota {dimensions = array<i32: 0>} : vector<16xi32>
        %rev3A_324 = arith.subi %rev3A_322, %rev3A_323 : vector<16xi32>
        %rev3A_325 = tpu.dynamic_gather %get3A_320[%rev3A_324] in [0] : vector<16xf32>, vector<16xi32> -> vector<16xf32>
        %mul3A_326 = arith.constant 16 : i32
        %mul3A_327 = arith.muli %mul3A_326, %scan3A_306 : i32
        %swap3A_328 = arith.index_cast %mul3A_327 : i32 to index
        %swap3A_329 = tpu.vector_load %arg5[%swap3A_328] {strides = array<i32>} : memref<32000xf32, #tpu.memory_space<vmem>>, vector<16xf32>,
        %swap3A_330 = vector.shape_cast %swap3A_329 : vector<16xf32> to vector<16xf32>
        %swap3A_331 = vector.shape_cast %rev3A_325 : vector<16xf32> to vector<16xf32>
        tpu.vector_store %arg5[%swap3A_328], %swap3A_331 {strides = array<i32>} : memref<32000xf32, #tpu.memory_space<vmem>>, vector<16xf32>,
        %rev3A_332 = arith.constant 15 : i32
        %rev3A_333 = vector.broadcast %rev3A_332 : i32 to vector<16xi32>
        %rev3A_334 = tpu.iota {dimensions = array<i32: 0>} : vector<16xi32>
        %rev3A_335 = arith.subi %rev3A_333, %rev3A_334 : vector<16xi32>
        %rev3A_336 = tpu.dynamic_gather %get3A_311[%rev3A_335] in [0] : vector<16xf32>, vector<16xi32> -> vector<16xf32>
        %add3A_337 = arith.constant 1 : i32
        %add3A_338 = arith.addi %scan3A_306, %add3A_337 : i32
        %mul3A_339 = arith.constant 16 : i32
        %mul3A_340 = arith.muli %mul3A_339, %add3A_338 : i32
        %sub3A_341 = arith.constant 32000 : i32
        %sub3A_342 = arith.subi %sub3A_341, %mul3A_340 : i32
        %swap3A_343 = arith.index_cast %sub3A_342 : i32 to index
        %swap3A_344 = tpu.vector_load %arg5[%swap3A_343] {strides = array<i32>} : memref<32000xf32, #tpu.memory_space<vmem>>, vector<16xf32>,
        %swap3A_345 = vector.shape_cast %swap3A_344 : vector<16xf32> to vector<16xf32>
        %swap3A_346 = vector.shape_cast %rev3A_336 : vector<16xf32> to vector<16xf32>
        tpu.vector_store %arg5[%swap3A_343], %swap3A_346 {strides = array<i32>} : memref<32000xf32, #tpu.memory_space<vmem>>, vector<16xf32>,
        %scan3A_347 = arith.constant 2 : i32
        %scan3A_348 = arith.addi %scan3A_268, %scan3A_347 : i32
        %mul3A_349 = arith.constant 16 : i32
        %mul3A_350 = arith.muli %mul3A_349, %scan3A_348 : i32
        %get3A_351 = arith.index_cast %mul3A_350 : i32 to index
        %get3A_352 = tpu.vector_load %arg5[%get3A_351] {strides = array<i32>} : memref<32000xf32, #tpu.memory_space<vmem>>, vector<16xf32>,
        %get3A_353 = vector.shape_cast %get3A_352 : vector<16xf32> to vector<16xf32>
        %add3A_354 = arith.constant 1 : i32
        %add3A_355 = arith.addi %scan3A_348, %add3A_354 : i32
        %mul3A_356 = arith.constant 16 : i32
        %mul3A_357 = arith.muli %mul3A_356, %add3A_355 : i32
        %sub3A_358 = arith.constant 32000 : i32
        %sub3A_359 = arith.subi %sub3A_358, %mul3A_357 : i32
        %get3A_360 = arith.index_cast %sub3A_359 : i32 to index
        %get3A_361 = tpu.vector_load %arg5[%get3A_360] {strides = array<i32>} : memref<32000xf32, #tpu.memory_space<vmem>>, vector<16xf32>,
        %get3A_362 = vector.shape_cast %get3A_361 : vector<16xf32> to vector<16xf32>
        %rev3A_363 = arith.constant 15 : i32
        %rev3A_364 = vector.broadcast %rev3A_363 : i32 to vector<16xi32>
        %rev3A_365 = tpu.iota {dimensions = array<i32: 0>} : vector<16xi32>
        %rev3A_366 = arith.subi %rev3A_364, %rev3A_365 : vector<16xi32>
        %rev3A_367 = tpu.dynamic_gather %get3A_362[%rev3A_366] in [0] : vector<16xf32>, vector<16xi32> -> vector<16xf32>
        %mul3A_368 = arith.constant 16 : i32
        %mul3A_369 = arith.muli %mul3A_368, %scan3A_348 : i32
        %swap3A_370 = arith.index_cast %mul3A_369 : i32 to index
        %swap3A_371 = tpu.vector_load %arg5[%swap3A_370] {strides = array<i32>} : memref<32000xf32, #tpu.memory_space<vmem>>, vector<16xf32>,
        %swap3A_372 = vector.shape_cast %swap3A_371 : vector<16xf32> to vector<16xf32>
        %swap3A_373 = vector.shape_cast %rev3A_367 : vector<16xf32> to vector<16xf32>
        tpu.vector_store %arg5[%swap3A_370], %swap3A_373 {strides = array<i32>} : memref<32000xf32, #tpu.memory_space<vmem>>, vector<16xf32>,
        %rev3A_374 = arith.constant 15 : i32
        %rev3A_375 = vector.broadcast %rev3A_374 : i32 to vector<16xi32>
        %rev3A_376 = tpu.iota {dimensions = array<i32: 0>} : vector<16xi32>
        %rev3A_377 = arith.subi %rev3A_375, %rev3A_376 : vector<16xi32>
        %rev3A_378 = tpu.dynamic_gather %get3A_353[%rev3A_377] in [0] : vector<16xf32>, vector<16xi32> -> vector<16xf32>
        %add3A_379 = arith.constant 1 : i32
        %add3A_380 = arith.addi %scan3A_348, %add3A_379 : i32
        %mul3A_381 = arith.constant 16 : i32
        %mul3A_382 = arith.muli %mul3A_381, %add3A_380 : i32
        %sub3A_383 = arith.constant 32000 : i32
        %sub3A_384 = arith.subi %sub3A_383, %mul3A_382 : i32
        %swap3A_385 = arith.index_cast %sub3A_384 : i32 to index
        %swap3A_386 = tpu.vector_load %arg5[%swap3A_385] {strides = array<i32>} : memref<32000xf32, #tpu.memory_space<vmem>>, vector<16xf32>,
        %swap3A_387 = vector.shape_cast %swap3A_386 : vector<16xf32> to vector<16xf32>
        %swap3A_388 = vector.shape_cast %rev3A_378 : vector<16xf32> to vector<16xf32>
        tpu.vector_store %arg5[%swap3A_385], %swap3A_388 {strides = array<i32>} : memref<32000xf32, #tpu.memory_space<vmem>>, vector<16xf32>,
        %scan3A_389 = arith.constant 3 : i32
        %scan3A_390 = arith.addi %scan3A_268, %scan3A_389 : i32
        %mul3A_391 = arith.constant 16 : i32
        %mul3A_392 = arith.muli %mul3A_391, %scan3A_390 : i32
        %get3A_393 = arith.index_cast %mul3A_392 : i32 to index
        %get3A_394 = tpu.vector_load %arg5[%get3A_393] {strides = array<i32>} : memref<32000xf32, #tpu.memory_space<vmem>>, vector<16xf32>,
        %get3A_395 = vector.shape_cast %get3A_394 : vector<16xf32> to vector<16xf32>
        %add3A_396 = arith.constant 1 : i32
        %add3A_397 = arith.addi %scan3A_390, %add3A_396 : i32
        %mul3A_398 = arith.constant 16 : i32
        %mul3A_399 = arith.muli %mul3A_398, %add3A_397 : i32
        %sub3A_400 = arith.constant 32000 : i32
        %sub3A_401 = arith.subi %sub3A_400, %mul3A_399 : i32
        %get3A_402 = arith.index_cast %sub3A_401 : i32 to index
        %get3A_403 = tpu.vector_load %arg5[%get3A_402] {strides = array<i32>} : memref<32000xf32, #tpu.memory_space<vmem>>, vector<16xf32>,
        %get3A_404 = vector.shape_cast %get3A_403 : vector<16xf32> to vector<16xf32>
        %rev3A_405 = arith.constant 15 : i32
        %rev3A_406 = vector.broadcast %rev3A_405 : i32 to vector<16xi32>
        %rev3A_407 = tpu.iota {dimensions = array<i32: 0>} : vector<16xi32>
        %rev3A_408 = arith.subi %rev3A_406, %rev3A_407 : vector<16xi32>
        %rev3A_409 = tpu.dynamic_gather %get3A_404[%rev3A_408] in [0] : vector<16xf32>, vector<16xi32> -> vector<16xf32>
        %mul3A_410 = arith.constant 16 : i32
        %mul3A_411 = arith.muli %mul3A_410, %scan3A_390 : i32
        %swap3A_412 = arith.index_cast %mul3A_411 : i32 to index
        %swap3A_413 = tpu.vector_load %arg5[%swap3A_412] {strides = array<i32>} : memref<32000xf32, #tpu.memory_space<vmem>>, vector<16xf32>,
        %swap3A_414 = vector.shape_cast %swap3A_413 : vector<16xf32> to vector<16xf32>
        %swap3A_415 = vector.shape_cast %rev3A_409 : vector<16xf32> to vector<16xf32>
        tpu.vector_store %arg5[%swap3A_412], %swap3A_415 {strides = array<i32>} : memref<32000xf32, #tpu.memory_space<vmem>>, vector<16xf32>,
        %rev3A_416 = arith.constant 15 : i32
        %rev3A_417 = vector.broadcast %rev3A_416 : i32 to vector<16xi32>
        %rev3A_418 = tpu.iota {dimensions = array<i32: 0>} : vector<16xi32>
        %rev3A_419 = arith.subi %rev3A_417, %rev3A_418 : vector<16xi32>
        %rev3A_420 = tpu.dynamic_gather %get3A_395[%rev3A_419] in [0] : vector<16xf32>, vector<16xi32> -> vector<16xf32>
        %add3A_421 = arith.constant 1 : i32
        %add3A_422 = arith.addi %scan3A_390, %add3A_421 : i32
        %mul3A_423 = arith.constant 16 : i32
        %mul3A_424 = arith.muli %mul3A_423, %add3A_422 : i32
        %sub3A_425 = arith.constant 32000 : i32
        %sub3A_426 = arith.subi %sub3A_425, %mul3A_424 : i32
        %swap3A_427 = arith.index_cast %sub3A_426 : i32 to index
        %swap3A_428 = tpu.vector_load %arg5[%swap3A_427] {strides = array<i32>} : memref<32000xf32, #tpu.memory_space<vmem>>, vector<16xf32>,
        %swap3A_429 = vector.shape_cast %swap3A_428 : vector<16xf32> to vector<16xf32>
        %swap3A_430 = vector.shape_cast %rev3A_420 : vector<16xf32> to vector<16xf32>
        tpu.vector_store %arg5[%swap3A_427], %swap3A_430 {strides = array<i32>} : memref<32000xf32, #tpu.memory_space<vmem>>, vector<16xf32>,
        %scan3A_431 = arith.constant 4 : i32
        %scan3A_432 = arith.addi %scan3A_268, %scan3A_431 : i32
        %mul3A_433 = arith.constant 16 : i32
        %mul3A_434 = arith.muli %mul3A_433, %scan3A_432 : i32
        %get3A_435 = arith.index_cast %mul3A_434 : i32 to index
        %get3A_436 = tpu.vector_load %arg5[%get3A_435] {strides = array<i32>} : memref<32000xf32, #tpu.memory_space<vmem>>, vector<16xf32>,
        %get3A_437 = vector.shape_cast %get3A_436 : vector<16xf32> to vector<16xf32>
        %add3A_438 = arith.constant 1 : i32
        %add3A_439 = arith.addi %scan3A_432, %add3A_438 : i32
        %mul3A_440 = arith.constant 16 : i32
        %mul3A_441 = arith.muli %mul3A_440, %add3A_439 : i32
        %sub3A_442 = arith.constant 32000 : i32
        %sub3A_443 = arith.subi %sub3A_442, %mul3A_441 : i32
        %get3A_444 = arith.index_cast %sub3A_443 : i32 to index
        %get3A_445 = tpu.vector_load %arg5[%get3A_444] {strides = array<i32>} : memref<32000xf32, #tpu.memory_space<vmem>>, vector<16xf32>,
        %get3A_446 = vector.shape_cast %get3A_445 : vector<16xf32> to vector<16xf32>
        %rev3A_447 = arith.constant 15 : i32
        %rev3A_448 = vector.broadcast %rev3A_447 : i32 to vector<16xi32>
        %rev3A_449 = tpu.iota {dimensions = array<i32: 0>} : vector<16xi32>
        %rev3A_450 = arith.subi %rev3A_448, %rev3A_449 : vector<16xi32>
        %rev3A_451 = tpu.dynamic_gather %get3A_446[%rev3A_450] in [0] : vector<16xf32>, vector<16xi32> -> vector<16xf32>
        %mul3A_452 = arith.constant 16 : i32
        %mul3A_453 = arith.muli %mul3A_452, %scan3A_432 : i32
        %swap3A_454 = arith.index_cast %mul3A_453 : i32 to index
        %swap3A_455 = tpu.vector_load %arg5[%swap3A_454] {strides = array<i32>} : memref<32000xf32, #tpu.memory_space<vmem>>, vector<16xf32>,
        %swap3A_456 = vector.shape_cast %swap3A_455 : vector<16xf32> to vector<16xf32>
        %swap3A_457 = vector.shape_cast %rev3A_451 : vector<16xf32> to vector<16xf32>
        tpu.vector_store %arg5[%swap3A_454], %swap3A_457 {strides = array<i32>} : memref<32000xf32, #tpu.memory_space<vmem>>, vector<16xf32>,
        %rev3A_458 = arith.constant 15 : i32
        %rev3A_459 = vector.broadcast %rev3A_458 : i32 to vector<16xi32>
        %rev3A_460 = tpu.iota {dimensions = array<i32: 0>} : vector<16xi32>
        %rev3A_461 = arith.subi %rev3A_459, %rev3A_460 : vector<16xi32>
        %rev3A_462 = tpu.dynamic_gather %get3A_437[%rev3A_461] in [0] : vector<16xf32>, vector<16xi32> -> vector<16xf32>
        %add3A_463 = arith.constant 1 : i32
        %add3A_464 = arith.addi %scan3A_432, %add3A_463 : i32
        %mul3A_465 = arith.constant 16 : i32
        %mul3A_466 = arith.muli %mul3A_465, %add3A_464 : i32
        %sub3A_467 = arith.constant 32000 : i32
        %sub3A_468 = arith.subi %sub3A_467, %mul3A_466 : i32
        %swap3A_469 = arith.index_cast %sub3A_468 : i32 to index
        %swap3A_470 = tpu.vector_load %arg5[%swap3A_469] {strides = array<i32>} : memref<32000xf32, #tpu.memory_space<vmem>>, vector<16xf32>,
        %swap3A_471 = vector.shape_cast %swap3A_470 : vector<16xf32> to vector<16xf32>
        %swap3A_472 = vector.shape_cast %rev3A_462 : vector<16xf32> to vector<16xf32>
        tpu.vector_store %arg5[%swap3A_469], %swap3A_472 {strides = array<i32>} : memref<32000xf32, #tpu.memory_space<vmem>>, vector<16xf32>,
        %scan3A_473 = arith.constant 5 : i32
        %scan3A_474 = arith.addi %scan3A_268, %scan3A_473 : i32
        %mul3A_475 = arith.constant 16 : i32
        %mul3A_476 = arith.muli %mul3A_475, %scan3A_474 : i32
        %get3A_477 = arith.index_cast %mul3A_476 : i32 to index
        %get3A_478 = tpu.vector_load %arg5[%get3A_477] {strides = array<i32>} : memref<32000xf32, #tpu.memory_space<vmem>>, vector<16xf32>,
        %get3A_479 = vector.shape_cast %get3A_478 : vector<16xf32> to vector<16xf32>
        %add3A_480 = arith.constant 1 : i32
        %add3A_481 = arith.addi %scan3A_474, %add3A_480 : i32
        %mul3A_482 = arith.constant 16 : i32
        %mul3A_483 = arith.muli %mul3A_482, %add3A_481 : i32
        %sub3A_484 = arith.constant 32000 : i32
        %sub3A_485 = arith.subi %sub3A_484, %mul3A_483 : i32
        %get3A_486 = arith.index_cast %sub3A_485 : i32 to index
        %get3A_487 = tpu.vector_load %arg5[%get3A_486] {strides = array<i32>} : memref<32000xf32, #tpu.memory_space<vmem>>, vector<16xf32>,
        %get3A_488 = vector.shape_cast %get3A_487 : vector<16xf32> to vector<16xf32>
        %rev3A_489 = arith.constant 15 : i32
        %rev3A_490 = vector.broadcast %rev3A_489 : i32 to vector<16xi32>
        %rev3A_491 = tpu.iota {dimensions = array<i32: 0>} : vector<16xi32>
        %rev3A_492 = arith.subi %rev3A_490, %rev3A_491 : vector<16xi32>
        %rev3A_493 = tpu.dynamic_gather %get3A_488[%rev3A_492] in [0] : vector<16xf32>, vector<16xi32> -> vector<16xf32>
        %mul3A_494 = arith.constant 16 : i32
        %mul3A_495 = arith.muli %mul3A_494, %scan3A_474 : i32
        %swap3A_496 = arith.index_cast %mul3A_495 : i32 to index
        %swap3A_497 = tpu.vector_load %arg5[%swap3A_496] {strides = array<i32>} : memref<32000xf32, #tpu.memory_space<vmem>>, vector<16xf32>,
        %swap3A_498 = vector.shape_cast %swap3A_497 : vector<16xf32> to vector<16xf32>
        %swap3A_499 = vector.shape_cast %rev3A_493 : vector<16xf32> to vector<16xf32>
        tpu.vector_store %arg5[%swap3A_496], %swap3A_499 {strides = array<i32>} : memref<32000xf32, #tpu.memory_space<vmem>>, vector<16xf32>,
        %rev3A_500 = arith.constant 15 : i32
        %rev3A_501 = vector.broadcast %rev3A_500 : i32 to vector<16xi32>
        %rev3A_502 = tpu.iota {dimensions = array<i32: 0>} : vector<16xi32>
        %rev3A_503 = arith.subi %rev3A_501, %rev3A_502 : vector<16xi32>
        %rev3A_504 = tpu.dynamic_gather %get3A_479[%rev3A_503] in [0] : vector<16xf32>, vector<16xi32> -> vector<16xf32>
        %add3A_505 = arith.constant 1 : i32
        %add3A_506 = arith.addi %scan3A_474, %add3A_505 : i32
        %mul3A_507 = arith.constant 16 : i32
        %mul3A_508 = arith.muli %mul3A_507, %add3A_506 : i32
        %sub3A_509 = arith.constant 32000 : i32
        %sub3A_510 = arith.subi %sub3A_509, %mul3A_508 : i32
        %swap3A_511 = arith.index_cast %sub3A_510 : i32 to index
        %swap3A_512 = tpu.vector_load %arg5[%swap3A_511] {strides = array<i32>} : memref<32000xf32, #tpu.memory_space<vmem>>, vector<16xf32>,
        %swap3A_513 = vector.shape_cast %swap3A_512 : vector<16xf32> to vector<16xf32>
        %swap3A_514 = vector.shape_cast %rev3A_504 : vector<16xf32> to vector<16xf32>
        tpu.vector_store %arg5[%swap3A_511], %swap3A_514 {strides = array<i32>} : memref<32000xf32, #tpu.memory_space<vmem>>, vector<16xf32>,
        %scan3A_515 = arith.constant 6 : i32
        %scan3A_516 = arith.addi %scan3A_268, %scan3A_515 : i32
        %mul3A_517 = arith.constant 16 : i32
        %mul3A_518 = arith.muli %mul3A_517, %scan3A_516 : i32
        %get3A_519 = arith.index_cast %mul3A_518 : i32 to index
        %get3A_520 = tpu.vector_load %arg5[%get3A_519] {strides = array<i32>} : memref<32000xf32, #tpu.memory_space<vmem>>, vector<16xf32>,
        %get3A_521 = vector.shape_cast %get3A_520 : vector<16xf32> to vector<16xf32>
        %add3A_522 = arith.constant 1 : i32
        %add3A_523 = arith.addi %scan3A_516, %add3A_522 : i32
        %mul3A_524 = arith.constant 16 : i32
        %mul3A_525 = arith.muli %mul3A_524, %add3A_523 : i32
        %sub3A_526 = arith.constant 32000 : i32
        %sub3A_527 = arith.subi %sub3A_526, %mul3A_525 : i32
        %get3A_528 = arith.index_cast %sub3A_527 : i32 to index
        %get3A_529 = tpu.vector_load %arg5[%get3A_528] {strides = array<i32>} : memref<32000xf32, #tpu.memory_space<vmem>>, vector<16xf32>,
        %get3A_530 = vector.shape_cast %get3A_529 : vector<16xf32> to vector<16xf32>
        %rev3A_531 = arith.constant 15 : i32
        %rev3A_532 = vector.broadcast %rev3A_531 : i32 to vector<16xi32>
        %rev3A_533 = tpu.iota {dimensions = array<i32: 0>} : vector<16xi32>
        %rev3A_534 = arith.subi %rev3A_532, %rev3A_533 : vector<16xi32>
        %rev3A_535 = tpu.dynamic_gather %get3A_530[%rev3A_534] in [0] : vector<16xf32>, vector<16xi32> -> vector<16xf32>
        %mul3A_536 = arith.constant 16 : i32
        %mul3A_537 = arith.muli %mul3A_536, %scan3A_516 : i32
        %swap3A_538 = arith.index_cast %mul3A_537 : i32 to index
        %swap3A_539 = tpu.vector_load %arg5[%swap3A_538] {strides = array<i32>} : memref<32000xf32, #tpu.memory_space<vmem>>, vector<16xf32>,
        %swap3A_540 = vector.shape_cast %swap3A_539 : vector<16xf32> to vector<16xf32>
        %swap3A_541 = vector.shape_cast %rev3A_535 : vector<16xf32> to vector<16xf32>
        tpu.vector_store %arg5[%swap3A_538], %swap3A_541 {strides = array<i32>} : memref<32000xf32, #tpu.memory_space<vmem>>, vector<16xf32>,
        %rev3A_542 = arith.constant 15 : i32
        %rev3A_543 = vector.broadcast %rev3A_542 : i32 to vector<16xi32>
        %rev3A_544 = tpu.iota {dimensions = array<i32: 0>} : vector<16xi32>
        %rev3A_545 = arith.subi %rev3A_543, %rev3A_544 : vector<16xi32>
        %rev3A_546 = tpu.dynamic_gather %get3A_521[%rev3A_545] in [0] : vector<16xf32>, vector<16xi32> -> vector<16xf32>
        %add3A_547 = arith.constant 1 : i32
        %add3A_548 = arith.addi %scan3A_516, %add3A_547 : i32
        %mul3A_549 = arith.constant 16 : i32
        %mul3A_550 = arith.muli %mul3A_549, %add3A_548 : i32
        %sub3A_551 = arith.constant 32000 : i32
        %sub3A_552 = arith.subi %sub3A_551, %mul3A_550 : i32
        %swap3A_553 = arith.index_cast %sub3A_552 : i32 to index
        %swap3A_554 = tpu.vector_load %arg5[%swap3A_553] {strides = array<i32>} : memref<32000xf32, #tpu.memory_space<vmem>>, vector<16xf32>,
        %swap3A_555 = vector.shape_cast %swap3A_554 : vector<16xf32> to vector<16xf32>
        %swap3A_556 = vector.shape_cast %rev3A_546 : vector<16xf32> to vector<16xf32>
        tpu.vector_store %arg5[%swap3A_553], %swap3A_556 {strides = array<i32>} : memref<32000xf32, #tpu.memory_space<vmem>>, vector<16xf32>,
        %scan3A_557 = arith.constant 7 : i32
        %scan3A_558 = arith.addi %scan3A_268, %scan3A_557 : i32
        %mul3A_559 = arith.constant 16 : i32
        %mul3A_560 = arith.muli %mul3A_559, %scan3A_558 : i32
        %get3A_561 = arith.index_cast %mul3A_560 : i32 to index
        %get3A_562 = tpu.vector_load %arg5[%get3A_561] {strides = array<i32>} : memref<32000xf32, #tpu.memory_space<vmem>>, vector<16xf32>,
        %get3A_563 = vector.shape_cast %get3A_562 : vector<16xf32> to vector<16xf32>
        %add3A_564 = arith.constant 1 : i32
        %add3A_565 = arith.addi %scan3A_558, %add3A_564 : i32
        %mul3A_566 = arith.constant 16 : i32
        %mul3A_567 = arith.muli %mul3A_566, %add3A_565 : i32
        %sub3A_568 = arith.constant 32000 : i32
        %sub3A_569 = arith.subi %sub3A_568, %mul3A_567 : i32
        %get3A_570 = arith.index_cast %sub3A_569 : i32 to index
        %get3A_571 = tpu.vector_load %arg5[%get3A_570] {strides = array<i32>} : memref<32000xf32, #tpu.memory_space<vmem>>, vector<16xf32>,
        %get3A_572 = vector.shape_cast %get3A_571 : vector<16xf32> to vector<16xf32>
        %rev3A_573 = arith.constant 15 : i32
        %rev3A_574 = vector.broadcast %rev3A_573 : i32 to vector<16xi32>
        %rev3A_575 = tpu.iota {dimensions = array<i32: 0>} : vector<16xi32>
        %rev3A_576 = arith.subi %rev3A_574, %rev3A_575 : vector<16xi32>
        %rev3A_577 = tpu.dynamic_gather %get3A_572[%rev3A_576] in [0] : vector<16xf32>, vector<16xi32> -> vector<16xf32>
        %mul3A_578 = arith.constant 16 : i32
        %mul3A_579 = arith.muli %mul3A_578, %scan3A_558 : i32
        %swap3A_580 = arith.index_cast %mul3A_579 : i32 to index
        %swap3A_581 = tpu.vector_load %arg5[%swap3A_580] {strides = array<i32>} : memref<32000xf32, #tpu.memory_space<vmem>>, vector<16xf32>,
        %swap3A_582 = vector.shape_cast %swap3A_581 : vector<16xf32> to vector<16xf32>
        %swap3A_583 = vector.shape_cast %rev3A_577 : vector<16xf32> to vector<16xf32>
        tpu.vector_store %arg5[%swap3A_580], %swap3A_583 {strides = array<i32>} : memref<32000xf32, #tpu.memory_space<vmem>>, vector<16xf32>,
        %rev3A_584 = arith.constant 15 : i32
        %rev3A_585 = vector.broadcast %rev3A_584 : i32 to vector<16xi32>
        %rev3A_586 = tpu.iota {dimensions = array<i32: 0>} : vector<16xi32>
        %rev3A_587 = arith.subi %rev3A_585, %rev3A_586 : vector<16xi32>
        %rev3A_588 = tpu.dynamic_gather %get3A_563[%rev3A_587] in [0] : vector<16xf32>, vector<16xi32> -> vector<16xf32>
        %add3A_589 = arith.constant 1 : i32
        %add3A_590 = arith.addi %scan3A_558, %add3A_589 : i32
        %mul3A_591 = arith.constant 16 : i32
        %mul3A_592 = arith.muli %mul3A_591, %add3A_590 : i32
        %sub3A_593 = arith.constant 32000 : i32
        %sub3A_594 = arith.subi %sub3A_593, %mul3A_592 : i32
        %swap3A_595 = arith.index_cast %sub3A_594 : i32 to index
        %swap3A_596 = tpu.vector_load %arg5[%swap3A_595] {strides = array<i32>} : memref<32000xf32, #tpu.memory_space<vmem>>, vector<16xf32>,
        %swap3A_597 = vector.shape_cast %swap3A_596 : vector<16xf32> to vector<16xf32>
        %swap3A_598 = vector.shape_cast %rev3A_588 : vector<16xf32> to vector<16xf32>
        tpu.vector_store %arg5[%swap3A_595], %swap3A_598 {strides = array<i32>} : memref<32000xf32, #tpu.memory_space<vmem>>, vector<16xf32>,
      }
      %scan3A_165 = arith.constant 1000 : i32
      %dma_start3A_166 = arith.constant 96000 : i32
      %dma_start3A_167 = tpu.memref_slice %arg3[%select_n3A_118, %dma_start3A_166] : memref<128x160000xf32, #tpu.memory_space<hbm>> -> memref<1x32000xf32, #tpu.memory_space<hbm>>
      %dma_start3A_168 = tpu.memref_squeeze %dma_start3A_167 : memref<1x32000xf32, #tpu.memory_space<hbm>> -> memref<32000xf32, #tpu.memory_space<hbm>>
      %dma_start3A_169 = arith.constant 96000 : i32
      %dma_start3A_170 = tpu.memref_slice %arg3[%select_n3A_118, %dma_start3A_169] : memref<128x160000xf32, #tpu.memory_space<hbm>> -> memref<1x32000xf32, #tpu.memory_space<hbm>>
      %dma_start3A_171 = tpu.memref_squeeze %dma_start3A_170 : memref<1x32000xf32, #tpu.memory_space<hbm>> -> memref<32000xf32, #tpu.memory_space<hbm>>
      tpu.enqueue_dma source(%arg5 : memref<32000xf32, #tpu.memory_space<vmem>>) target(%dma_start3A_171 : memref<32000xf32, #tpu.memory_space<hbm>>) target_semaphore(%arg11 : memref<!tpu.dma_semaphore, #tpu.memory_space<semaphore_mem>>)
      %dma_wait3A_172 = arith.constant 128000 : i32
      %dma_wait3A_173 = tpu.memref_slice %arg3[%select_n3A_118, %dma_wait3A_172] : memref<128x160000xf32, #tpu.memory_space<hbm>> -> memref<1x32000xf32, #tpu.memory_space<hbm>>
      %dma_wait3A_174 = tpu.memref_squeeze %dma_wait3A_173 : memref<1x32000xf32, #tpu.memory_space<hbm>> -> memref<32000xf32, #tpu.memory_space<hbm>>
      %dma_wait3A_175 = arith.constant 128000 : i32
      %dma_wait3A_176 = tpu.memref_slice %arg3[%select_n3A_118, %dma_wait3A_175] : memref<128x160000xf32, #tpu.memory_space<hbm>> -> memref<1x32000xf32, #tpu.memory_space<hbm>>
      %dma_wait3A_177 = tpu.memref_squeeze %dma_wait3A_176 : memref<1x32000xf32, #tpu.memory_space<hbm>> -> memref<32000xf32, #tpu.memory_space<hbm>>
      tpu.wait_dma2 semaphore(%arg10 : memref<!tpu.dma_semaphore, #tpu.memory_space<semaphore_mem>>) src(%arg4 : memref<32000xf32, #tpu.memory_space<vmem>>) dst(%dma_wait3A_177 : memref<32000xf32, #tpu.memory_space<hbm>>)
      %dma_start3A_178 = arith.constant 96000 : i32
      %dma_start3A_179 = tpu.memref_slice %arg2[%select_n3A_118, %dma_start3A_178] : memref<128x160000xf32, #tpu.memory_space<hbm>> -> memref<1x32000xf32, #tpu.memory_space<hbm>>
      %dma_start3A_180 = tpu.memref_squeeze %dma_start3A_179 : memref<1x32000xf32, #tpu.memory_space<hbm>> -> memref<32000xf32, #tpu.memory_space<hbm>>
      %dma_start3A_181 = arith.constant 96000 : i32
      %dma_start3A_182 = tpu.memref_slice %arg2[%select_n3A_118, %dma_start3A_181] : memref<128x160000xf32, #tpu.memory_space<hbm>> -> memref<1x32000xf32, #tpu.memory_space<hbm>>
      %dma_start3A_183 = tpu.memref_squeeze %dma_start3A_182 : memref<1x32000xf32, #tpu.memory_space<hbm>> -> memref<32000xf32, #tpu.memory_space<hbm>>
      tpu.enqueue_dma source(%dma_start3A_183 : memref<32000xf32, #tpu.memory_space<hbm>>) target(%arg4 : memref<32000xf32, #tpu.memory_space<vmem>>) target_semaphore(%arg7 : memref<!tpu.dma_semaphore, #tpu.memory_space<semaphore_mem>>)
      %dma_wait3A_184 = arith.constant 64000 : i32
      %dma_wait3A_185 = tpu.memref_slice %arg2[%select_n3A_118, %dma_wait3A_184] : memref<128x160000xf32, #tpu.memory_space<hbm>> -> memref<1x32000xf32, #tpu.memory_space<hbm>>
      %dma_wait3A_186 = tpu.memref_squeeze %dma_wait3A_185 : memref<1x32000xf32, #tpu.memory_space<hbm>> -> memref<32000xf32, #tpu.memory_space<hbm>>
      %dma_wait3A_187 = arith.constant 64000 : i32
      %dma_wait3A_188 = tpu.memref_slice %arg2[%select_n3A_118, %dma_wait3A_187] : memref<128x160000xf32, #tpu.memory_space<hbm>> -> memref<1x32000xf32, #tpu.memory_space<hbm>>
      %dma_wait3A_189 = tpu.memref_squeeze %dma_wait3A_188 : memref<1x32000xf32, #tpu.memory_space<hbm>> -> memref<32000xf32, #tpu.memory_space<hbm>>
      tpu.wait_dma2 semaphore(%arg9 : memref<!tpu.dma_semaphore, #tpu.memory_space<semaphore_mem>>) src(%dma_wait3A_189 : memref<32000xf32, #tpu.memory_space<hbm>>) dst(%arg6 : memref<32000xf32, #tpu.memory_space<vmem>>)
      %scan3A_190 = arith.constant 0 : i32
      %scan3A_191 = arith.constant 0 : i32
      %scan3A_192 = arith.constant 1000 : i32
      %scan3A_193 = arith.addi %scan3A_191, %scan3A_192 : i32
      %scan3A_194 = arith.constant 8 : i32
      scf.for %scan3A_268 = %scan3A_191 to %scan3A_193 step %scan3A_194  : i32 {
        %mul3A_269 = arith.constant 16 : i32
        %mul3A_270 = arith.muli %mul3A_269, %scan3A_268 : i32
        %get3A = arith.index_cast %mul3A_270 : i32 to index
        %get3A_271 = tpu.vector_load %arg6[%get3A] {strides = array<i32>} : memref<32000xf32, #tpu.memory_space<vmem>>, vector<16xf32>,
        %get3A_272 = vector.shape_cast %get3A_271 : vector<16xf32> to vector<16xf32>
        %add3A_273 = arith.constant 1 : i32
        %add3A_274 = arith.addi %scan3A_268, %add3A_273 : i32
        %mul3A_275 = arith.constant 16 : i32
        %mul3A_276 = arith.muli %mul3A_275, %add3A_274 : i32
        %sub3A = arith.constant 32000 : i32
        %sub3A_277 = arith.subi %sub3A, %mul3A_276 : i32
        %get3A_278 = arith.index_cast %sub3A_277 : i32 to index
        %get3A_279 = tpu.vector_load %arg6[%get3A_278] {strides = array<i32>} : memref<32000xf32, #tpu.memory_space<vmem>>, vector<16xf32>,
        %get3A_280 = vector.shape_cast %get3A_279 : vector<16xf32> to vector<16xf32>
        %rev3A = arith.constant 15 : i32
        %rev3A_281 = vector.broadcast %rev3A : i32 to vector<16xi32>
        %rev3A_282 = tpu.iota {dimensions = array<i32: 0>} : vector<16xi32>
        %rev3A_283 = arith.subi %rev3A_281, %rev3A_282 : vector<16xi32>
        %rev3A_284 = tpu.dynamic_gather %get3A_280[%rev3A_283] in [0] : vector<16xf32>, vector<16xi32> -> vector<16xf32>
        %mul3A_285 = arith.constant 16 : i32
        %mul3A_286 = arith.muli %mul3A_285, %scan3A_268 : i32
        %swap3A = arith.index_cast %mul3A_286 : i32 to index
        %swap3A_287 = tpu.vector_load %arg6[%swap3A] {strides = array<i32>} : memref<32000xf32, #tpu.memory_space<vmem>>, vector<16xf32>,
        %swap3A_288 = vector.shape_cast %swap3A_287 : vector<16xf32> to vector<16xf32>
        %swap3A_289 = vector.shape_cast %rev3A_284 : vector<16xf32> to vector<16xf32>
        tpu.vector_store %arg6[%swap3A], %swap3A_289 {strides = array<i32>} : memref<32000xf32, #tpu.memory_space<vmem>>, vector<16xf32>,
        %rev3A_290 = arith.constant 15 : i32
        %rev3A_291 = vector.broadcast %rev3A_290 : i32 to vector<16xi32>
        %rev3A_292 = tpu.iota {dimensions = array<i32: 0>} : vector<16xi32>
        %rev3A_293 = arith.subi %rev3A_291, %rev3A_292 : vector<16xi32>
        %rev3A_294 = tpu.dynamic_gather %get3A_272[%rev3A_293] in [0] : vector<16xf32>, vector<16xi32> -> vector<16xf32>
        %add3A_295 = arith.constant 1 : i32
        %add3A_296 = arith.addi %scan3A_268, %add3A_295 : i32
        %mul3A_297 = arith.constant 16 : i32
        %mul3A_298 = arith.muli %mul3A_297, %add3A_296 : i32
        %sub3A_299 = arith.constant 32000 : i32
        %sub3A_300 = arith.subi %sub3A_299, %mul3A_298 : i32
        %swap3A_301 = arith.index_cast %sub3A_300 : i32 to index
        %swap3A_302 = tpu.vector_load %arg6[%swap3A_301] {strides = array<i32>} : memref<32000xf32, #tpu.memory_space<vmem>>, vector<16xf32>,
        %swap3A_303 = vector.shape_cast %swap3A_302 : vector<16xf32> to vector<16xf32>
        %swap3A_304 = vector.shape_cast %rev3A_294 : vector<16xf32> to vector<16xf32>
        tpu.vector_store %arg6[%swap3A_301], %swap3A_304 {strides = array<i32>} : memref<32000xf32, #tpu.memory_space<vmem>>, vector<16xf32>,
        %scan3A_305 = arith.constant 1 : i32
        %scan3A_306 = arith.addi %scan3A_268, %scan3A_305 : i32
        %mul3A_307 = arith.constant 16 : i32
        %mul3A_308 = arith.muli %mul3A_307, %scan3A_306 : i32
        %get3A_309 = arith.index_cast %mul3A_308 : i32 to index
        %get3A_310 = tpu.vector_load %arg6[%get3A_309] {strides = array<i32>} : memref<32000xf32, #tpu.memory_space<vmem>>, vector<16xf32>,
        %get3A_311 = vector.shape_cast %get3A_310 : vector<16xf32> to vector<16xf32>
        %add3A_312 = arith.constant 1 : i32
        %add3A_313 = arith.addi %scan3A_306, %add3A_312 : i32
        %mul3A_314 = arith.constant 16 : i32
        %mul3A_315 = arith.muli %mul3A_314, %add3A_313 : i32
        %sub3A_316 = arith.constant 32000 : i32
        %sub3A_317 = arith.subi %sub3A_316, %mul3A_315 : i32
        %get3A_318 = arith.index_cast %sub3A_317 : i32 to index
        %get3A_319 = tpu.vector_load %arg6[%get3A_318] {strides = array<i32>} : memref<32000xf32, #tpu.memory_space<vmem>>, vector<16xf32>,
        %get3A_320 = vector.shape_cast %get3A_319 : vector<16xf32> to vector<16xf32>
        %rev3A_321 = arith.constant 15 : i32
        %rev3A_322 = vector.broadcast %rev3A_321 : i32 to vector<16xi32>
        %rev3A_323 = tpu.iota {dimensions = array<i32: 0>} : vector<16xi32>
        %rev3A_324 = arith.subi %rev3A_322, %rev3A_323 : vector<16xi32>
        %rev3A_325 = tpu.dynamic_gather %get3A_320[%rev3A_324] in [0] : vector<16xf32>, vector<16xi32> -> vector<16xf32>
        %mul3A_326 = arith.constant 16 : i32
        %mul3A_327 = arith.muli %mul3A_326, %scan3A_306 : i32
        %swap3A_328 = arith.index_cast %mul3A_327 : i32 to index
        %swap3A_329 = tpu.vector_load %arg6[%swap3A_328] {strides = array<i32>} : memref<32000xf32, #tpu.memory_space<vmem>>, vector<16xf32>,
        %swap3A_330 = vector.shape_cast %swap3A_329 : vector<16xf32> to vector<16xf32>
        %swap3A_331 = vector.shape_cast %rev3A_325 : vector<16xf32> to vector<16xf32>
        tpu.vector_store %arg6[%swap3A_328], %swap3A_331 {strides = array<i32>} : memref<32000xf32, #tpu.memory_space<vmem>>, vector<16xf32>,
        %rev3A_332 = arith.constant 15 : i32
        %rev3A_333 = vector.broadcast %rev3A_332 : i32 to vector<16xi32>
        %rev3A_334 = tpu.iota {dimensions = array<i32: 0>} : vector<16xi32>
        %rev3A_335 = arith.subi %rev3A_333, %rev3A_334 : vector<16xi32>
        %rev3A_336 = tpu.dynamic_gather %get3A_311[%rev3A_335] in [0] : vector<16xf32>, vector<16xi32> -> vector<16xf32>
        %add3A_337 = arith.constant 1 : i32
        %add3A_338 = arith.addi %scan3A_306, %add3A_337 : i32
        %mul3A_339 = arith.constant 16 : i32
        %mul3A_340 = arith.muli %mul3A_339, %add3A_338 : i32
        %sub3A_341 = arith.constant 32000 : i32
        %sub3A_342 = arith.subi %sub3A_341, %mul3A_340 : i32
        %swap3A_343 = arith.index_cast %sub3A_342 : i32 to index
        %swap3A_344 = tpu.vector_load %arg6[%swap3A_343] {strides = array<i32>} : memref<32000xf32, #tpu.memory_space<vmem>>, vector<16xf32>,
        %swap3A_345 = vector.shape_cast %swap3A_344 : vector<16xf32> to vector<16xf32>
        %swap3A_346 = vector.shape_cast %rev3A_336 : vector<16xf32> to vector<16xf32>
        tpu.vector_store %arg6[%swap3A_343], %swap3A_346 {strides = array<i32>} : memref<32000xf32, #tpu.memory_space<vmem>>, vector<16xf32>,
        %scan3A_347 = arith.constant 2 : i32
        %scan3A_348 = arith.addi %scan3A_268, %scan3A_347 : i32
        %mul3A_349 = arith.constant 16 : i32
        %mul3A_350 = arith.muli %mul3A_349, %scan3A_348 : i32
        %get3A_351 = arith.index_cast %mul3A_350 : i32 to index
        %get3A_352 = tpu.vector_load %arg6[%get3A_351] {strides = array<i32>} : memref<32000xf32, #tpu.memory_space<vmem>>, vector<16xf32>,
        %get3A_353 = vector.shape_cast %get3A_352 : vector<16xf32> to vector<16xf32>
        %add3A_354 = arith.constant 1 : i32
        %add3A_355 = arith.addi %scan3A_348, %add3A_354 : i32
        %mul3A_356 = arith.constant 16 : i32
        %mul3A_357 = arith.muli %mul3A_356, %add3A_355 : i32
        %sub3A_358 = arith.constant 32000 : i32
        %sub3A_359 = arith.subi %sub3A_358, %mul3A_357 : i32
        %get3A_360 = arith.index_cast %sub3A_359 : i32 to index
        %get3A_361 = tpu.vector_load %arg6[%get3A_360] {strides = array<i32>} : memref<32000xf32, #tpu.memory_space<vmem>>, vector<16xf32>,
        %get3A_362 = vector.shape_cast %get3A_361 : vector<16xf32> to vector<16xf32>
        %rev3A_363 = arith.constant 15 : i32
        %rev3A_364 = vector.broadcast %rev3A_363 : i32 to vector<16xi32>
        %rev3A_365 = tpu.iota {dimensions = array<i32: 0>} : vector<16xi32>
        %rev3A_366 = arith.subi %rev3A_364, %rev3A_365 : vector<16xi32>
        %rev3A_367 = tpu.dynamic_gather %get3A_362[%rev3A_366] in [0] : vector<16xf32>, vector<16xi32> -> vector<16xf32>
        %mul3A_368 = arith.constant 16 : i32
        %mul3A_369 = arith.muli %mul3A_368, %scan3A_348 : i32
        %swap3A_370 = arith.index_cast %mul3A_369 : i32 to index
        %swap3A_371 = tpu.vector_load %arg6[%swap3A_370] {strides = array<i32>} : memref<32000xf32, #tpu.memory_space<vmem>>, vector<16xf32>,
        %swap3A_372 = vector.shape_cast %swap3A_371 : vector<16xf32> to vector<16xf32>
        %swap3A_373 = vector.shape_cast %rev3A_367 : vector<16xf32> to vector<16xf32>
        tpu.vector_store %arg6[%swap3A_370], %swap3A_373 {strides = array<i32>} : memref<32000xf32, #tpu.memory_space<vmem>>, vector<16xf32>,
        %rev3A_374 = arith.constant 15 : i32
        %rev3A_375 = vector.broadcast %rev3A_374 : i32 to vector<16xi32>
        %rev3A_376 = tpu.iota {dimensions = array<i32: 0>} : vector<16xi32>
        %rev3A_377 = arith.subi %rev3A_375, %rev3A_376 : vector<16xi32>
        %rev3A_378 = tpu.dynamic_gather %get3A_353[%rev3A_377] in [0] : vector<16xf32>, vector<16xi32> -> vector<16xf32>
        %add3A_379 = arith.constant 1 : i32
        %add3A_380 = arith.addi %scan3A_348, %add3A_379 : i32
        %mul3A_381 = arith.constant 16 : i32
        %mul3A_382 = arith.muli %mul3A_381, %add3A_380 : i32
        %sub3A_383 = arith.constant 32000 : i32
        %sub3A_384 = arith.subi %sub3A_383, %mul3A_382 : i32
        %swap3A_385 = arith.index_cast %sub3A_384 : i32 to index
        %swap3A_386 = tpu.vector_load %arg6[%swap3A_385] {strides = array<i32>} : memref<32000xf32, #tpu.memory_space<vmem>>, vector<16xf32>,
        %swap3A_387 = vector.shape_cast %swap3A_386 : vector<16xf32> to vector<16xf32>
        %swap3A_388 = vector.shape_cast %rev3A_378 : vector<16xf32> to vector<16xf32>
        tpu.vector_store %arg6[%swap3A_385], %swap3A_388 {strides = array<i32>} : memref<32000xf32, #tpu.memory_space<vmem>>, vector<16xf32>,
        %scan3A_389 = arith.constant 3 : i32
        %scan3A_390 = arith.addi %scan3A_268, %scan3A_389 : i32
        %mul3A_391 = arith.constant 16 : i32
        %mul3A_392 = arith.muli %mul3A_391, %scan3A_390 : i32
        %get3A_393 = arith.index_cast %mul3A_392 : i32 to index
        %get3A_394 = tpu.vector_load %arg6[%get3A_393] {strides = array<i32>} : memref<32000xf32, #tpu.memory_space<vmem>>, vector<16xf32>,
        %get3A_395 = vector.shape_cast %get3A_394 : vector<16xf32> to vector<16xf32>
        %add3A_396 = arith.constant 1 : i32
        %add3A_397 = arith.addi %scan3A_390, %add3A_396 : i32
        %mul3A_398 = arith.constant 16 : i32
        %mul3A_399 = arith.muli %mul3A_398, %add3A_397 : i32
        %sub3A_400 = arith.constant 32000 : i32
        %sub3A_401 = arith.subi %sub3A_400, %mul3A_399 : i32
        %get3A_402 = arith.index_cast %sub3A_401 : i32 to index
        %get3A_403 = tpu.vector_load %arg6[%get3A_402] {strides = array<i32>} : memref<32000xf32, #tpu.memory_space<vmem>>, vector<16xf32>,
        %get3A_404 = vector.shape_cast %get3A_403 : vector<16xf32> to vector<16xf32>
        %rev3A_405 = arith.constant 15 : i32
        %rev3A_406 = vector.broadcast %rev3A_405 : i32 to vector<16xi32>
        %rev3A_407 = tpu.iota {dimensions = array<i32: 0>} : vector<16xi32>
        %rev3A_408 = arith.subi %rev3A_406, %rev3A_407 : vector<16xi32>
        %rev3A_409 = tpu.dynamic_gather %get3A_404[%rev3A_408] in [0] : vector<16xf32>, vector<16xi32> -> vector<16xf32>
        %mul3A_410 = arith.constant 16 : i32
        %mul3A_411 = arith.muli %mul3A_410, %scan3A_390 : i32
        %swap3A_412 = arith.index_cast %mul3A_411 : i32 to index
        %swap3A_413 = tpu.vector_load %arg6[%swap3A_412] {strides = array<i32>} : memref<32000xf32, #tpu.memory_space<vmem>>, vector<16xf32>,
        %swap3A_414 = vector.shape_cast %swap3A_413 : vector<16xf32> to vector<16xf32>
        %swap3A_415 = vector.shape_cast %rev3A_409 : vector<16xf32> to vector<16xf32>
        tpu.vector_store %arg6[%swap3A_412], %swap3A_415 {strides = array<i32>} : memref<32000xf32, #tpu.memory_space<vmem>>, vector<16xf32>,
        %rev3A_416 = arith.constant 15 : i32
        %rev3A_417 = vector.broadcast %rev3A_416 : i32 to vector<16xi32>
        %rev3A_418 = tpu.iota {dimensions = array<i32: 0>} : vector<16xi32>
        %rev3A_419 = arith.subi %rev3A_417, %rev3A_418 : vector<16xi32>
        %rev3A_420 = tpu.dynamic_gather %get3A_395[%rev3A_419] in [0] : vector<16xf32>, vector<16xi32> -> vector<16xf32>
        %add3A_421 = arith.constant 1 : i32
        %add3A_422 = arith.addi %scan3A_390, %add3A_421 : i32
        %mul3A_423 = arith.constant 16 : i32
        %mul3A_424 = arith.muli %mul3A_423, %add3A_422 : i32
        %sub3A_425 = arith.constant 32000 : i32
        %sub3A_426 = arith.subi %sub3A_425, %mul3A_424 : i32
        %swap3A_427 = arith.index_cast %sub3A_426 : i32 to index
        %swap3A_428 = tpu.vector_load %arg6[%swap3A_427] {strides = array<i32>} : memref<32000xf32, #tpu.memory_space<vmem>>, vector<16xf32>,
        %swap3A_429 = vector.shape_cast %swap3A_428 : vector<16xf32> to vector<16xf32>
        %swap3A_430 = vector.shape_cast %rev3A_420 : vector<16xf32> to vector<16xf32>
        tpu.vector_store %arg6[%swap3A_427], %swap3A_430 {strides = array<i32>} : memref<32000xf32, #tpu.memory_space<vmem>>, vector<16xf32>,
        %scan3A_431 = arith.constant 4 : i32
        %scan3A_432 = arith.addi %scan3A_268, %scan3A_431 : i32
        %mul3A_433 = arith.constant 16 : i32
        %mul3A_434 = arith.muli %mul3A_433, %scan3A_432 : i32
        %get3A_435 = arith.index_cast %mul3A_434 : i32 to index
        %get3A_436 = tpu.vector_load %arg6[%get3A_435] {strides = array<i32>} : memref<32000xf32, #tpu.memory_space<vmem>>, vector<16xf32>,
        %get3A_437 = vector.shape_cast %get3A_436 : vector<16xf32> to vector<16xf32>
        %add3A_438 = arith.constant 1 : i32
        %add3A_439 = arith.addi %scan3A_432, %add3A_438 : i32
        %mul3A_440 = arith.constant 16 : i32
        %mul3A_441 = arith.muli %mul3A_440, %add3A_439 : i32
        %sub3A_442 = arith.constant 32000 : i32
        %sub3A_443 = arith.subi %sub3A_442, %mul3A_441 : i32
        %get3A_444 = arith.index_cast %sub3A_443 : i32 to index
        %get3A_445 = tpu.vector_load %arg6[%get3A_444] {strides = array<i32>} : memref<32000xf32, #tpu.memory_space<vmem>>, vector<16xf32>,
        %get3A_446 = vector.shape_cast %get3A_445 : vector<16xf32> to vector<16xf32>
        %rev3A_447 = arith.constant 15 : i32
        %rev3A_448 = vector.broadcast %rev3A_447 : i32 to vector<16xi32>
        %rev3A_449 = tpu.iota {dimensions = array<i32: 0>} : vector<16xi32>
        %rev3A_450 = arith.subi %rev3A_448, %rev3A_449 : vector<16xi32>
        %rev3A_451 = tpu.dynamic_gather %get3A_446[%rev3A_450] in [0] : vector<16xf32>, vector<16xi32> -> vector<16xf32>
        %mul3A_452 = arith.constant 16 : i32
        %mul3A_453 = arith.muli %mul3A_452, %scan3A_432 : i32
        %swap3A_454 = arith.index_cast %mul3A_453 : i32 to index
        %swap3A_455 = tpu.vector_load %arg6[%swap3A_454] {strides = array<i32>} : memref<32000xf32, #tpu.memory_space<vmem>>, vector<16xf32>,
        %swap3A_456 = vector.shape_cast %swap3A_455 : vector<16xf32> to vector<16xf32>
        %swap3A_457 = vector.shape_cast %rev3A_451 : vector<16xf32> to vector<16xf32>
        tpu.vector_store %arg6[%swap3A_454], %swap3A_457 {strides = array<i32>} : memref<32000xf32, #tpu.memory_space<vmem>>, vector<16xf32>,
        %rev3A_458 = arith.constant 15 : i32
        %rev3A_459 = vector.broadcast %rev3A_458 : i32 to vector<16xi32>
        %rev3A_460 = tpu.iota {dimensions = array<i32: 0>} : vector<16xi32>
        %rev3A_461 = arith.subi %rev3A_459, %rev3A_460 : vector<16xi32>
        %rev3A_462 = tpu.dynamic_gather %get3A_437[%rev3A_461] in [0] : vector<16xf32>, vector<16xi32> -> vector<16xf32>
        %add3A_463 = arith.constant 1 : i32
        %add3A_464 = arith.addi %scan3A_432, %add3A_463 : i32
        %mul3A_465 = arith.constant 16 : i32
        %mul3A_466 = arith.muli %mul3A_465, %add3A_464 : i32
        %sub3A_467 = arith.constant 32000 : i32
        %sub3A_468 = arith.subi %sub3A_467, %mul3A_466 : i32
        %swap3A_469 = arith.index_cast %sub3A_468 : i32 to index
        %swap3A_470 = tpu.vector_load %arg6[%swap3A_469] {strides = array<i32>} : memref<32000xf32, #tpu.memory_space<vmem>>, vector<16xf32>,
        %swap3A_471 = vector.shape_cast %swap3A_470 : vector<16xf32> to vector<16xf32>
        %swap3A_472 = vector.shape_cast %rev3A_462 : vector<16xf32> to vector<16xf32>
        tpu.vector_store %arg6[%swap3A_469], %swap3A_472 {strides = array<i32>} : memref<32000xf32, #tpu.memory_space<vmem>>, vector<16xf32>,
        %scan3A_473 = arith.constant 5 : i32
        %scan3A_474 = arith.addi %scan3A_268, %scan3A_473 : i32
        %mul3A_475 = arith.constant 16 : i32
        %mul3A_476 = arith.muli %mul3A_475, %scan3A_474 : i32
        %get3A_477 = arith.index_cast %mul3A_476 : i32 to index
        %get3A_478 = tpu.vector_load %arg6[%get3A_477] {strides = array<i32>} : memref<32000xf32, #tpu.memory_space<vmem>>, vector<16xf32>,
        %get3A_479 = vector.shape_cast %get3A_478 : vector<16xf32> to vector<16xf32>
        %add3A_480 = arith.constant 1 : i32
        %add3A_481 = arith.addi %scan3A_474, %add3A_480 : i32
        %mul3A_482 = arith.constant 16 : i32
        %mul3A_483 = arith.muli %mul3A_482, %add3A_481 : i32
        %sub3A_484 = arith.constant 32000 : i32
        %sub3A_485 = arith.subi %sub3A_484, %mul3A_483 : i32
        %get3A_486 = arith.index_cast %sub3A_485 : i32 to index
        %get3A_487 = tpu.vector_load %arg6[%get3A_486] {strides = array<i32>} : memref<32000xf32, #tpu.memory_space<vmem>>, vector<16xf32>,
        %get3A_488 = vector.shape_cast %get3A_487 : vector<16xf32> to vector<16xf32>
        %rev3A_489 = arith.constant 15 : i32
        %rev3A_490 = vector.broadcast %rev3A_489 : i32 to vector<16xi32>
        %rev3A_491 = tpu.iota {dimensions = array<i32: 0>} : vector<16xi32>
        %rev3A_492 = arith.subi %rev3A_490, %rev3A_491 : vector<16xi32>
        %rev3A_493 = tpu.dynamic_gather %get3A_488[%rev3A_492] in [0] : vector<16xf32>, vector<16xi32> -> vector<16xf32>
        %mul3A_494 = arith.constant 16 : i32
        %mul3A_495 = arith.muli %mul3A_494, %scan3A_474 : i32
        %swap3A_496 = arith.index_cast %mul3A_495 : i32 to index
        %swap3A_497 = tpu.vector_load %arg6[%swap3A_496] {strides = array<i32>} : memref<32000xf32, #tpu.memory_space<vmem>>, vector<16xf32>,
        %swap3A_498 = vector.shape_cast %swap3A_497 : vector<16xf32> to vector<16xf32>
        %swap3A_499 = vector.shape_cast %rev3A_493 : vector<16xf32> to vector<16xf32>
        tpu.vector_store %arg6[%swap3A_496], %swap3A_499 {strides = array<i32>} : memref<32000xf32, #tpu.memory_space<vmem>>, vector<16xf32>,
        %rev3A_500 = arith.constant 15 : i32
        %rev3A_501 = vector.broadcast %rev3A_500 : i32 to vector<16xi32>
        %rev3A_502 = tpu.iota {dimensions = array<i32: 0>} : vector<16xi32>
        %rev3A_503 = arith.subi %rev3A_501, %rev3A_502 : vector<16xi32>
        %rev3A_504 = tpu.dynamic_gather %get3A_479[%rev3A_503] in [0] : vector<16xf32>, vector<16xi32> -> vector<16xf32>
        %add3A_505 = arith.constant 1 : i32
        %add3A_506 = arith.addi %scan3A_474, %add3A_505 : i32
        %mul3A_507 = arith.constant 16 : i32
        %mul3A_508 = arith.muli %mul3A_507, %add3A_506 : i32
        %sub3A_509 = arith.constant 32000 : i32
        %sub3A_510 = arith.subi %sub3A_509, %mul3A_508 : i32
        %swap3A_511 = arith.index_cast %sub3A_510 : i32 to index
        %swap3A_512 = tpu.vector_load %arg6[%swap3A_511] {strides = array<i32>} : memref<32000xf32, #tpu.memory_space<vmem>>, vector<16xf32>,
        %swap3A_513 = vector.shape_cast %swap3A_512 : vector<16xf32> to vector<16xf32>
        %swap3A_514 = vector.shape_cast %rev3A_504 : vector<16xf32> to vector<16xf32>
        tpu.vector_store %arg6[%swap3A_511], %swap3A_514 {strides = array<i32>} : memref<32000xf32, #tpu.memory_space<vmem>>, vector<16xf32>,
        %scan3A_515 = arith.constant 6 : i32
        %scan3A_516 = arith.addi %scan3A_268, %scan3A_515 : i32
        %mul3A_517 = arith.constant 16 : i32
        %mul3A_518 = arith.muli %mul3A_517, %scan3A_516 : i32
        %get3A_519 = arith.index_cast %mul3A_518 : i32 to index
        %get3A_520 = tpu.vector_load %arg6[%get3A_519] {strides = array<i32>} : memref<32000xf32, #tpu.memory_space<vmem>>, vector<16xf32>,
        %get3A_521 = vector.shape_cast %get3A_520 : vector<16xf32> to vector<16xf32>
        %add3A_522 = arith.constant 1 : i32
        %add3A_523 = arith.addi %scan3A_516, %add3A_522 : i32
        %mul3A_524 = arith.constant 16 : i32
        %mul3A_525 = arith.muli %mul3A_524, %add3A_523 : i32
        %sub3A_526 = arith.constant 32000 : i32
        %sub3A_527 = arith.subi %sub3A_526, %mul3A_525 : i32
        %get3A_528 = arith.index_cast %sub3A_527 : i32 to index
        %get3A_529 = tpu.vector_load %arg6[%get3A_528] {strides = array<i32>} : memref<32000xf32, #tpu.memory_space<vmem>>, vector<16xf32>,
        %get3A_530 = vector.shape_cast %get3A_529 : vector<16xf32> to vector<16xf32>
        %rev3A_531 = arith.constant 15 : i32
        %rev3A_532 = vector.broadcast %rev3A_531 : i32 to vector<16xi32>
        %rev3A_533 = tpu.iota {dimensions = array<i32: 0>} : vector<16xi32>
        %rev3A_534 = arith.subi %rev3A_532, %rev3A_533 : vector<16xi32>
        %rev3A_535 = tpu.dynamic_gather %get3A_530[%rev3A_534] in [0] : vector<16xf32>, vector<16xi32> -> vector<16xf32>
        %mul3A_536 = arith.constant 16 : i32
        %mul3A_537 = arith.muli %mul3A_536, %scan3A_516 : i32
        %swap3A_538 = arith.index_cast %mul3A_537 : i32 to index
        %swap3A_539 = tpu.vector_load %arg6[%swap3A_538] {strides = array<i32>} : memref<32000xf32, #tpu.memory_space<vmem>>, vector<16xf32>,
        %swap3A_540 = vector.shape_cast %swap3A_539 : vector<16xf32> to vector<16xf32>
        %swap3A_541 = vector.shape_cast %rev3A_535 : vector<16xf32> to vector<16xf32>
        tpu.vector_store %arg6[%swap3A_538], %swap3A_541 {strides = array<i32>} : memref<32000xf32, #tpu.memory_space<vmem>>, vector<16xf32>,
        %rev3A_542 = arith.constant 15 : i32
        %rev3A_543 = vector.broadcast %rev3A_542 : i32 to vector<16xi32>
        %rev3A_544 = tpu.iota {dimensions = array<i32: 0>} : vector<16xi32>
        %rev3A_545 = arith.subi %rev3A_543, %rev3A_544 : vector<16xi32>
        %rev3A_546 = tpu.dynamic_gather %get3A_521[%rev3A_545] in [0] : vector<16xf32>, vector<16xi32> -> vector<16xf32>
        %add3A_547 = arith.constant 1 : i32
        %add3A_548 = arith.addi %scan3A_516, %add3A_547 : i32
        %mul3A_549 = arith.constant 16 : i32
        %mul3A_550 = arith.muli %mul3A_549, %add3A_548 : i32
        %sub3A_551 = arith.constant 32000 : i32
        %sub3A_552 = arith.subi %sub3A_551, %mul3A_550 : i32
        %swap3A_553 = arith.index_cast %sub3A_552 : i32 to index
        %swap3A_554 = tpu.vector_load %arg6[%swap3A_553] {strides = array<i32>} : memref<32000xf32, #tpu.memory_space<vmem>>, vector<16xf32>,
        %swap3A_555 = vector.shape_cast %swap3A_554 : vector<16xf32> to vector<16xf32>
        %swap3A_556 = vector.shape_cast %rev3A_546 : vector<16xf32> to vector<16xf32>
        tpu.vector_store %arg6[%swap3A_553], %swap3A_556 {strides = array<i32>} : memref<32000xf32, #tpu.memory_space<vmem>>, vector<16xf32>,
        %scan3A_557 = arith.constant 7 : i32
        %scan3A_558 = arith.addi %scan3A_268, %scan3A_557 : i32
        %mul3A_559 = arith.constant 16 : i32
        %mul3A_560 = arith.muli %mul3A_559, %scan3A_558 : i32
        %get3A_561 = arith.index_cast %mul3A_560 : i32 to index
        %get3A_562 = tpu.vector_load %arg6[%get3A_561] {strides = array<i32>} : memref<32000xf32, #tpu.memory_space<vmem>>, vector<16xf32>,
        %get3A_563 = vector.shape_cast %get3A_562 : vector<16xf32> to vector<16xf32>
        %add3A_564 = arith.constant 1 : i32
        %add3A_565 = arith.addi %scan3A_558, %add3A_564 : i32
        %mul3A_566 = arith.constant 16 : i32
        %mul3A_567 = arith.muli %mul3A_566, %add3A_565 : i32
        %sub3A_568 = arith.constant 32000 : i32
        %sub3A_569 = arith.subi %sub3A_568, %mul3A_567 : i32
        %get3A_570 = arith.index_cast %sub3A_569 : i32 to index
        %get3A_571 = tpu.vector_load %arg6[%get3A_570] {strides = array<i32>} : memref<32000xf32, #tpu.memory_space<vmem>>, vector<16xf32>,
        %get3A_572 = vector.shape_cast %get3A_571 : vector<16xf32> to vector<16xf32>
        %rev3A_573 = arith.constant 15 : i32
        %rev3A_574 = vector.broadcast %rev3A_573 : i32 to vector<16xi32>
        %rev3A_575 = tpu.iota {dimensions = array<i32: 0>} : vector<16xi32>
        %rev3A_576 = arith.subi %rev3A_574, %rev3A_575 : vector<16xi32>
        %rev3A_577 = tpu.dynamic_gather %get3A_572[%rev3A_576] in [0] : vector<16xf32>, vector<16xi32> -> vector<16xf32>
        %mul3A_578 = arith.constant 16 : i32
        %mul3A_579 = arith.muli %mul3A_578, %scan3A_558 : i32
        %swap3A_580 = arith.index_cast %mul3A_579 : i32 to index
        %swap3A_581 = tpu.vector_load %arg6[%swap3A_580] {strides = array<i32>} : memref<32000xf32, #tpu.memory_space<vmem>>, vector<16xf32>,
        %swap3A_582 = vector.shape_cast %swap3A_581 : vector<16xf32> to vector<16xf32>
        %swap3A_583 = vector.shape_cast %rev3A_577 : vector<16xf32> to vector<16xf32>
        tpu.vector_store %arg6[%swap3A_580], %swap3A_583 {strides = array<i32>} : memref<32000xf32, #tpu.memory_space<vmem>>, vector<16xf32>,
        %rev3A_584 = arith.constant 15 : i32
        %rev3A_585 = vector.broadcast %rev3A_584 : i32 to vector<16xi32>
        %rev3A_586 = tpu.iota {dimensions = array<i32: 0>} : vector<16xi32>
        %rev3A_587 = arith.subi %rev3A_585, %rev3A_586 : vector<16xi32>
        %rev3A_588 = tpu.dynamic_gather %get3A_563[%rev3A_587] in [0] : vector<16xf32>, vector<16xi32> -> vector<16xf32>
        %add3A_589 = arith.constant 1 : i32
        %add3A_590 = arith.addi %scan3A_558, %add3A_589 : i32
        %mul3A_591 = arith.constant 16 : i32
        %mul3A_592 = arith.muli %mul3A_591, %add3A_590 : i32
        %sub3A_593 = arith.constant 32000 : i32
        %sub3A_594 = arith.subi %sub3A_593, %mul3A_592 : i32
        %swap3A_595 = arith.index_cast %sub3A_594 : i32 to index
        %swap3A_596 = tpu.vector_load %arg6[%swap3A_595] {strides = array<i32>} : memref<32000xf32, #tpu.memory_space<vmem>>, vector<16xf32>,
        %swap3A_597 = vector.shape_cast %swap3A_596 : vector<16xf32> to vector<16xf32>
        %swap3A_598 = vector.shape_cast %rev3A_588 : vector<16xf32> to vector<16xf32>
        tpu.vector_store %arg6[%swap3A_595], %swap3A_598 {strides = array<i32>} : memref<32000xf32, #tpu.memory_space<vmem>>, vector<16xf32>,
      }
      %scan3A_195 = arith.constant 1000 : i32
      %dma_start3A_196 = arith.constant 64000 : i32
      %dma_start3A_197 = tpu.memref_slice %arg3[%select_n3A_118, %dma_start3A_196] : memref<128x160000xf32, #tpu.memory_space<hbm>> -> memref<1x32000xf32, #tpu.memory_space<hbm>>
      %dma_start3A_198 = tpu.memref_squeeze %dma_start3A_197 : memref<1x32000xf32, #tpu.memory_space<hbm>> -> memref<32000xf32, #tpu.memory_space<hbm>>
      %dma_start3A_199 = arith.constant 64000 : i32
      %dma_start3A_200 = tpu.memref_slice %arg3[%select_n3A_118, %dma_start3A_199] : memref<128x160000xf32, #tpu.memory_space<hbm>> -> memref<1x32000xf32, #tpu.memory_space<hbm>>
      %dma_start3A_201 = tpu.memref_squeeze %dma_start3A_200 : memref<1x32000xf32, #tpu.memory_space<hbm>> -> memref<32000xf32, #tpu.memory_space<hbm>>
      tpu.enqueue_dma source(%arg6 : memref<32000xf32, #tpu.memory_space<vmem>>) target(%dma_start3A_201 : memref<32000xf32, #tpu.memory_space<hbm>>) target_semaphore(%arg12 : memref<!tpu.dma_semaphore, #tpu.memory_space<semaphore_mem>>)
      %dma_wait3A_202 = arith.constant 96000 : i32
      %dma_wait3A_203 = tpu.memref_slice %arg3[%select_n3A_118, %dma_wait3A_202] : memref<128x160000xf32, #tpu.memory_space<hbm>> -> memref<1x32000xf32, #tpu.memory_space<hbm>>
      %dma_wait3A_204 = tpu.memref_squeeze %dma_wait3A_203 : memref<1x32000xf32, #tpu.memory_space<hbm>> -> memref<32000xf32, #tpu.memory_space<hbm>>
      %dma_wait3A_205 = arith.constant 96000 : i32
      %dma_wait3A_206 = tpu.memref_slice %arg3[%select_n3A_118, %dma_wait3A_205] : memref<128x160000xf32, #tpu.memory_space<hbm>> -> memref<1x32000xf32, #tpu.memory_space<hbm>>
      %dma_wait3A_207 = tpu.memref_squeeze %dma_wait3A_206 : memref<1x32000xf32, #tpu.memory_space<hbm>> -> memref<32000xf32, #tpu.memory_space<hbm>>
      tpu.wait_dma2 semaphore(%arg11 : memref<!tpu.dma_semaphore, #tpu.memory_space<semaphore_mem>>) src(%arg5 : memref<32000xf32, #tpu.memory_space<vmem>>) dst(%dma_wait3A_207 : memref<32000xf32, #tpu.memory_space<hbm>>)
      %dma_start3A_208 = arith.constant 128000 : i32
      %dma_start3A_209 = tpu.memref_slice %arg2[%select_n3A_118, %dma_start3A_208] : memref<128x160000xf32, #tpu.memory_space<hbm>> -> memref<1x32000xf32, #tpu.memory_space<hbm>>
      %dma_start3A_210 = tpu.memref_squeeze %dma_start3A_209 : memref<1x32000xf32, #tpu.memory_space<hbm>> -> memref<32000xf32, #tpu.memory_space<hbm>>
      %dma_start3A_211 = arith.constant 128000 : i32
      %dma_start3A_212 = tpu.memref_slice %arg2[%select_n3A_118, %dma_start3A_211] : memref<128x160000xf32, #tpu.memory_space<hbm>> -> memref<1x32000xf32, #tpu.memory_space<hbm>>
      %dma_start3A_213 = tpu.memref_squeeze %dma_start3A_212 : memref<1x32000xf32, #tpu.memory_space<hbm>> -> memref<32000xf32, #tpu.memory_space<hbm>>
      tpu.enqueue_dma source(%dma_start3A_213 : memref<32000xf32, #tpu.memory_space<hbm>>) target(%arg5 : memref<32000xf32, #tpu.memory_space<vmem>>) target_semaphore(%arg8 : memref<!tpu.dma_semaphore, #tpu.memory_space<semaphore_mem>>)
      %dma_wait3A_214 = arith.constant 96000 : i32
      %dma_wait3A_215 = tpu.memref_slice %arg2[%select_n3A_118, %dma_wait3A_214] : memref<128x160000xf32, #tpu.memory_space<hbm>> -> memref<1x32000xf32, #tpu.memory_space<hbm>>
      %dma_wait3A_216 = tpu.memref_squeeze %dma_wait3A_215 : memref<1x32000xf32, #tpu.memory_space<hbm>> -> memref<32000xf32, #tpu.memory_space<hbm>>
      %dma_wait3A_217 = arith.constant 96000 : i32
      %dma_wait3A_218 = tpu.memref_slice %arg2[%select_n3A_118, %dma_wait3A_217] : memref<128x160000xf32, #tpu.memory_space<hbm>> -> memref<1x32000xf32, #tpu.memory_space<hbm>>
      %dma_wait3A_219 = tpu.memref_squeeze %dma_wait3A_218 : memref<1x32000xf32, #tpu.memory_space<hbm>> -> memref<32000xf32, #tpu.memory_space<hbm>>
      tpu.wait_dma2 semaphore(%arg7 : memref<!tpu.dma_semaphore, #tpu.memory_space<semaphore_mem>>) src(%dma_wait3A_219 : memref<32000xf32, #tpu.memory_space<hbm>>) dst(%arg4 : memref<32000xf32, #tpu.memory_space<vmem>>)
      %scan3A_220 = arith.constant 0 : i32
      %scan3A_221 = arith.constant 0 : i32
      %scan3A_222 = arith.constant 1000 : i32
      %scan3A_223 = arith.addi %scan3A_221, %scan3A_222 : i32
      %scan3A_224 = arith.constant 8 : i32
      scf.for %scan3A_268 = %scan3A_221 to %scan3A_223 step %scan3A_224  : i32 {
        %mul3A_269 = arith.constant 16 : i32
        %mul3A_270 = arith.muli %mul3A_269, %scan3A_268 : i32
        %get3A = arith.index_cast %mul3A_270 : i32 to index
        %get3A_271 = tpu.vector_load %arg4[%get3A] {strides = array<i32>} : memref<32000xf32, #tpu.memory_space<vmem>>, vector<16xf32>,
        %get3A_272 = vector.shape_cast %get3A_271 : vector<16xf32> to vector<16xf32>
        %add3A_273 = arith.constant 1 : i32
        %add3A_274 = arith.addi %scan3A_268, %add3A_273 : i32
        %mul3A_275 = arith.constant 16 : i32
        %mul3A_276 = arith.muli %mul3A_275, %add3A_274 : i32
        %sub3A = arith.constant 32000 : i32
        %sub3A_277 = arith.subi %sub3A, %mul3A_276 : i32
        %get3A_278 = arith.index_cast %sub3A_277 : i32 to index
        %get3A_279 = tpu.vector_load %arg4[%get3A_278] {strides = array<i32>} : memref<32000xf32, #tpu.memory_space<vmem>>, vector<16xf32>,
        %get3A_280 = vector.shape_cast %get3A_279 : vector<16xf32> to vector<16xf32>
        %rev3A = arith.constant 15 : i32
        %rev3A_281 = vector.broadcast %rev3A : i32 to vector<16xi32>
        %rev3A_282 = tpu.iota {dimensions = array<i32: 0>} : vector<16xi32>
        %rev3A_283 = arith.subi %rev3A_281, %rev3A_282 : vector<16xi32>
        %rev3A_284 = tpu.dynamic_gather %get3A_280[%rev3A_283] in [0] : vector<16xf32>, vector<16xi32> -> vector<16xf32>
        %mul3A_285 = arith.constant 16 : i32
        %mul3A_286 = arith.muli %mul3A_285, %scan3A_268 : i32
        %swap3A = arith.index_cast %mul3A_286 : i32 to index
        %swap3A_287 = tpu.vector_load %arg4[%swap3A] {strides = array<i32>} : memref<32000xf32, #tpu.memory_space<vmem>>, vector<16xf32>,
        %swap3A_288 = vector.shape_cast %swap3A_287 : vector<16xf32> to vector<16xf32>
        %swap3A_289 = vector.shape_cast %rev3A_284 : vector<16xf32> to vector<16xf32>
        tpu.vector_store %arg4[%swap3A], %swap3A_289 {strides = array<i32>} : memref<32000xf32, #tpu.memory_space<vmem>>, vector<16xf32>,
        %rev3A_290 = arith.constant 15 : i32
        %rev3A_291 = vector.broadcast %rev3A_290 : i32 to vector<16xi32>
        %rev3A_292 = tpu.iota {dimensions = array<i32: 0>} : vector<16xi32>
        %rev3A_293 = arith.subi %rev3A_291, %rev3A_292 : vector<16xi32>
        %rev3A_294 = tpu.dynamic_gather %get3A_272[%rev3A_293] in [0] : vector<16xf32>, vector<16xi32> -> vector<16xf32>
        %add3A_295 = arith.constant 1 : i32
        %add3A_296 = arith.addi %scan3A_268, %add3A_295 : i32
        %mul3A_297 = arith.constant 16 : i32
        %mul3A_298 = arith.muli %mul3A_297, %add3A_296 : i32
        %sub3A_299 = arith.constant 32000 : i32
        %sub3A_300 = arith.subi %sub3A_299, %mul3A_298 : i32
        %swap3A_301 = arith.index_cast %sub3A_300 : i32 to index
        %swap3A_302 = tpu.vector_load %arg4[%swap3A_301] {strides = array<i32>} : memref<32000xf32, #tpu.memory_space<vmem>>, vector<16xf32>,
        %swap3A_303 = vector.shape_cast %swap3A_302 : vector<16xf32> to vector<16xf32>
        %swap3A_304 = vector.shape_cast %rev3A_294 : vector<16xf32> to vector<16xf32>
        tpu.vector_store %arg4[%swap3A_301], %swap3A_304 {strides = array<i32>} : memref<32000xf32, #tpu.memory_space<vmem>>, vector<16xf32>,
        %scan3A_305 = arith.constant 1 : i32
        %scan3A_306 = arith.addi %scan3A_268, %scan3A_305 : i32
        %mul3A_307 = arith.constant 16 : i32
        %mul3A_308 = arith.muli %mul3A_307, %scan3A_306 : i32
        %get3A_309 = arith.index_cast %mul3A_308 : i32 to index
        %get3A_310 = tpu.vector_load %arg4[%get3A_309] {strides = array<i32>} : memref<32000xf32, #tpu.memory_space<vmem>>, vector<16xf32>,
        %get3A_311 = vector.shape_cast %get3A_310 : vector<16xf32> to vector<16xf32>
        %add3A_312 = arith.constant 1 : i32
        %add3A_313 = arith.addi %scan3A_306, %add3A_312 : i32
        %mul3A_314 = arith.constant 16 : i32
        %mul3A_315 = arith.muli %mul3A_314, %add3A_313 : i32
        %sub3A_316 = arith.constant 32000 : i32
        %sub3A_317 = arith.subi %sub3A_316, %mul3A_315 : i32
        %get3A_318 = arith.index_cast %sub3A_317 : i32 to index
        %get3A_319 = tpu.vector_load %arg4[%get3A_318] {strides = array<i32>} : memref<32000xf32, #tpu.memory_space<vmem>>, vector<16xf32>,
        %get3A_320 = vector.shape_cast %get3A_319 : vector<16xf32> to vector<16xf32>
        %rev3A_321 = arith.constant 15 : i32
        %rev3A_322 = vector.broadcast %rev3A_321 : i32 to vector<16xi32>
        %rev3A_323 = tpu.iota {dimensions = array<i32: 0>} : vector<16xi32>
        %rev3A_324 = arith.subi %rev3A_322, %rev3A_323 : vector<16xi32>
        %rev3A_325 = tpu.dynamic_gather %get3A_320[%rev3A_324] in [0] : vector<16xf32>, vector<16xi32> -> vector<16xf32>
        %mul3A_326 = arith.constant 16 : i32
        %mul3A_327 = arith.muli %mul3A_326, %scan3A_306 : i32
        %swap3A_328 = arith.index_cast %mul3A_327 : i32 to index
        %swap3A_329 = tpu.vector_load %arg4[%swap3A_328] {strides = array<i32>} : memref<32000xf32, #tpu.memory_space<vmem>>, vector<16xf32>,
        %swap3A_330 = vector.shape_cast %swap3A_329 : vector<16xf32> to vector<16xf32>
        %swap3A_331 = vector.shape_cast %rev3A_325 : vector<16xf32> to vector<16xf32>
        tpu.vector_store %arg4[%swap3A_328], %swap3A_331 {strides = array<i32>} : memref<32000xf32, #tpu.memory_space<vmem>>, vector<16xf32>,
        %rev3A_332 = arith.constant 15 : i32
        %rev3A_333 = vector.broadcast %rev3A_332 : i32 to vector<16xi32>
        %rev3A_334 = tpu.iota {dimensions = array<i32: 0>} : vector<16xi32>
        %rev3A_335 = arith.subi %rev3A_333, %rev3A_334 : vector<16xi32>
        %rev3A_336 = tpu.dynamic_gather %get3A_311[%rev3A_335] in [0] : vector<16xf32>, vector<16xi32> -> vector<16xf32>
        %add3A_337 = arith.constant 1 : i32
        %add3A_338 = arith.addi %scan3A_306, %add3A_337 : i32
        %mul3A_339 = arith.constant 16 : i32
        %mul3A_340 = arith.muli %mul3A_339, %add3A_338 : i32
        %sub3A_341 = arith.constant 32000 : i32
        %sub3A_342 = arith.subi %sub3A_341, %mul3A_340 : i32
        %swap3A_343 = arith.index_cast %sub3A_342 : i32 to index
        %swap3A_344 = tpu.vector_load %arg4[%swap3A_343] {strides = array<i32>} : memref<32000xf32, #tpu.memory_space<vmem>>, vector<16xf32>,
        %swap3A_345 = vector.shape_cast %swap3A_344 : vector<16xf32> to vector<16xf32>
        %swap3A_346 = vector.shape_cast %rev3A_336 : vector<16xf32> to vector<16xf32>
        tpu.vector_store %arg4[%swap3A_343], %swap3A_346 {strides = array<i32>} : memref<32000xf32, #tpu.memory_space<vmem>>, vector<16xf32>,
        %scan3A_347 = arith.constant 2 : i32
        %scan3A_348 = arith.addi %scan3A_268, %scan3A_347 : i32
        %mul3A_349 = arith.constant 16 : i32
        %mul3A_350 = arith.muli %mul3A_349, %scan3A_348 : i32
        %get3A_351 = arith.index_cast %mul3A_350 : i32 to index
        %get3A_352 = tpu.vector_load %arg4[%get3A_351] {strides = array<i32>} : memref<32000xf32, #tpu.memory_space<vmem>>, vector<16xf32>,
        %get3A_353 = vector.shape_cast %get3A_352 : vector<16xf32> to vector<16xf32>
        %add3A_354 = arith.constant 1 : i32
        %add3A_355 = arith.addi %scan3A_348, %add3A_354 : i32
        %mul3A_356 = arith.constant 16 : i32
        %mul3A_357 = arith.muli %mul3A_356, %add3A_355 : i32
        %sub3A_358 = arith.constant 32000 : i32
        %sub3A_359 = arith.subi %sub3A_358, %mul3A_357 : i32
        %get3A_360 = arith.index_cast %sub3A_359 : i32 to index
        %get3A_361 = tpu.vector_load %arg4[%get3A_360] {strides = array<i32>} : memref<32000xf32, #tpu.memory_space<vmem>>, vector<16xf32>,
        %get3A_362 = vector.shape_cast %get3A_361 : vector<16xf32> to vector<16xf32>
        %rev3A_363 = arith.constant 15 : i32
        %rev3A_364 = vector.broadcast %rev3A_363 : i32 to vector<16xi32>
        %rev3A_365 = tpu.iota {dimensions = array<i32: 0>} : vector<16xi32>
        %rev3A_366 = arith.subi %rev3A_364, %rev3A_365 : vector<16xi32>
        %rev3A_367 = tpu.dynamic_gather %get3A_362[%rev3A_366] in [0] : vector<16xf32>, vector<16xi32> -> vector<16xf32>
        %mul3A_368 = arith.constant 16 : i32
        %mul3A_369 = arith.muli %mul3A_368, %scan3A_348 : i32
        %swap3A_370 = arith.index_cast %mul3A_369 : i32 to index
        %swap3A_371 = tpu.vector_load %arg4[%swap3A_370] {strides = array<i32>} : memref<32000xf32, #tpu.memory_space<vmem>>, vector<16xf32>,
        %swap3A_372 = vector.shape_cast %swap3A_371 : vector<16xf32> to vector<16xf32>
        %swap3A_373 = vector.shape_cast %rev3A_367 : vector<16xf32> to vector<16xf32>
        tpu.vector_store %arg4[%swap3A_370], %swap3A_373 {strides = array<i32>} : memref<32000xf32, #tpu.memory_space<vmem>>, vector<16xf32>,
        %rev3A_374 = arith.constant 15 : i32
        %rev3A_375 = vector.broadcast %rev3A_374 : i32 to vector<16xi32>
        %rev3A_376 = tpu.iota {dimensions = array<i32: 0>} : vector<16xi32>
        %rev3A_377 = arith.subi %rev3A_375, %rev3A_376 : vector<16xi32>
        %rev3A_378 = tpu.dynamic_gather %get3A_353[%rev3A_377] in [0] : vector<16xf32>, vector<16xi32> -> vector<16xf32>
        %add3A_379 = arith.constant 1 : i32
        %add3A_380 = arith.addi %scan3A_348, %add3A_379 : i32
        %mul3A_381 = arith.constant 16 : i32
        %mul3A_382 = arith.muli %mul3A_381, %add3A_380 : i32
        %sub3A_383 = arith.constant 32000 : i32
        %sub3A_384 = arith.subi %sub3A_383, %mul3A_382 : i32
        %swap3A_385 = arith.index_cast %sub3A_384 : i32 to index
        %swap3A_386 = tpu.vector_load %arg4[%swap3A_385] {strides = array<i32>} : memref<32000xf32, #tpu.memory_space<vmem>>, vector<16xf32>,
        %swap3A_387 = vector.shape_cast %swap3A_386 : vector<16xf32> to vector<16xf32>
        %swap3A_388 = vector.shape_cast %rev3A_378 : vector<16xf32> to vector<16xf32>
        tpu.vector_store %arg4[%swap3A_385], %swap3A_388 {strides = array<i32>} : memref<32000xf32, #tpu.memory_space<vmem>>, vector<16xf32>,
        %scan3A_389 = arith.constant 3 : i32
        %scan3A_390 = arith.addi %scan3A_268, %scan3A_389 : i32
        %mul3A_391 = arith.constant 16 : i32
        %mul3A_392 = arith.muli %mul3A_391, %scan3A_390 : i32
        %get3A_393 = arith.index_cast %mul3A_392 : i32 to index
        %get3A_394 = tpu.vector_load %arg4[%get3A_393] {strides = array<i32>} : memref<32000xf32, #tpu.memory_space<vmem>>, vector<16xf32>,
        %get3A_395 = vector.shape_cast %get3A_394 : vector<16xf32> to vector<16xf32>
        %add3A_396 = arith.constant 1 : i32
        %add3A_397 = arith.addi %scan3A_390, %add3A_396 : i32
        %mul3A_398 = arith.constant 16 : i32
        %mul3A_399 = arith.muli %mul3A_398, %add3A_397 : i32
        %sub3A_400 = arith.constant 32000 : i32
        %sub3A_401 = arith.subi %sub3A_400, %mul3A_399 : i32
        %get3A_402 = arith.index_cast %sub3A_401 : i32 to index
        %get3A_403 = tpu.vector_load %arg4[%get3A_402] {strides = array<i32>} : memref<32000xf32, #tpu.memory_space<vmem>>, vector<16xf32>,
        %get3A_404 = vector.shape_cast %get3A_403 : vector<16xf32> to vector<16xf32>
        %rev3A_405 = arith.constant 15 : i32
        %rev3A_406 = vector.broadcast %rev3A_405 : i32 to vector<16xi32>
        %rev3A_407 = tpu.iota {dimensions = array<i32: 0>} : vector<16xi32>
        %rev3A_408 = arith.subi %rev3A_406, %rev3A_407 : vector<16xi32>
        %rev3A_409 = tpu.dynamic_gather %get3A_404[%rev3A_408] in [0] : vector<16xf32>, vector<16xi32> -> vector<16xf32>
        %mul3A_410 = arith.constant 16 : i32
        %mul3A_411 = arith.muli %mul3A_410, %scan3A_390 : i32
        %swap3A_412 = arith.index_cast %mul3A_411 : i32 to index
        %swap3A_413 = tpu.vector_load %arg4[%swap3A_412] {strides = array<i32>} : memref<32000xf32, #tpu.memory_space<vmem>>, vector<16xf32>,
        %swap3A_414 = vector.shape_cast %swap3A_413 : vector<16xf32> to vector<16xf32>
        %swap3A_415 = vector.shape_cast %rev3A_409 : vector<16xf32> to vector<16xf32>
        tpu.vector_store %arg4[%swap3A_412], %swap3A_415 {strides = array<i32>} : memref<32000xf32, #tpu.memory_space<vmem>>, vector<16xf32>,
        %rev3A_416 = arith.constant 15 : i32
        %rev3A_417 = vector.broadcast %rev3A_416 : i32 to vector<16xi32>
        %rev3A_418 = tpu.iota {dimensions = array<i32: 0>} : vector<16xi32>
        %rev3A_419 = arith.subi %rev3A_417, %rev3A_418 : vector<16xi32>
        %rev3A_420 = tpu.dynamic_gather %get3A_395[%rev3A_419] in [0] : vector<16xf32>, vector<16xi32> -> vector<16xf32>
        %add3A_421 = arith.constant 1 : i32
        %add3A_422 = arith.addi %scan3A_390, %add3A_421 : i32
        %mul3A_423 = arith.constant 16 : i32
        %mul3A_424 = arith.muli %mul3A_423, %add3A_422 : i32
        %sub3A_425 = arith.constant 32000 : i32
        %sub3A_426 = arith.subi %sub3A_425, %mul3A_424 : i32
        %swap3A_427 = arith.index_cast %sub3A_426 : i32 to index
        %swap3A_428 = tpu.vector_load %arg4[%swap3A_427] {strides = array<i32>} : memref<32000xf32, #tpu.memory_space<vmem>>, vector<16xf32>,
        %swap3A_429 = vector.shape_cast %swap3A_428 : vector<16xf32> to vector<16xf32>
        %swap3A_430 = vector.shape_cast %rev3A_420 : vector<16xf32> to vector<16xf32>
        tpu.vector_store %arg4[%swap3A_427], %swap3A_430 {strides = array<i32>} : memref<32000xf32, #tpu.memory_space<vmem>>, vector<16xf32>,
        %scan3A_431 = arith.constant 4 : i32
        %scan3A_432 = arith.addi %scan3A_268, %scan3A_431 : i32
        %mul3A_433 = arith.constant 16 : i32
        %mul3A_434 = arith.muli %mul3A_433, %scan3A_432 : i32
        %get3A_435 = arith.index_cast %mul3A_434 : i32 to index
        %get3A_436 = tpu.vector_load %arg4[%get3A_435] {strides = array<i32>} : memref<32000xf32, #tpu.memory_space<vmem>>, vector<16xf32>,
        %get3A_437 = vector.shape_cast %get3A_436 : vector<16xf32> to vector<16xf32>
        %add3A_438 = arith.constant 1 : i32
        %add3A_439 = arith.addi %scan3A_432, %add3A_438 : i32
        %mul3A_440 = arith.constant 16 : i32
        %mul3A_441 = arith.muli %mul3A_440, %add3A_439 : i32
        %sub3A_442 = arith.constant 32000 : i32
        %sub3A_443 = arith.subi %sub3A_442, %mul3A_441 : i32
        %get3A_444 = arith.index_cast %sub3A_443 : i32 to index
        %get3A_445 = tpu.vector_load %arg4[%get3A_444] {strides = array<i32>} : memref<32000xf32, #tpu.memory_space<vmem>>, vector<16xf32>,
        %get3A_446 = vector.shape_cast %get3A_445 : vector<16xf32> to vector<16xf32>
        %rev3A_447 = arith.constant 15 : i32
        %rev3A_448 = vector.broadcast %rev3A_447 : i32 to vector<16xi32>
        %rev3A_449 = tpu.iota {dimensions = array<i32: 0>} : vector<16xi32>
        %rev3A_450 = arith.subi %rev3A_448, %rev3A_449 : vector<16xi32>
        %rev3A_451 = tpu.dynamic_gather %get3A_446[%rev3A_450] in [0] : vector<16xf32>, vector<16xi32> -> vector<16xf32>
        %mul3A_452 = arith.constant 16 : i32
        %mul3A_453 = arith.muli %mul3A_452, %scan3A_432 : i32
        %swap3A_454 = arith.index_cast %mul3A_453 : i32 to index
        %swap3A_455 = tpu.vector_load %arg4[%swap3A_454] {strides = array<i32>} : memref<32000xf32, #tpu.memory_space<vmem>>, vector<16xf32>,
        %swap3A_456 = vector.shape_cast %swap3A_455 : vector<16xf32> to vector<16xf32>
        %swap3A_457 = vector.shape_cast %rev3A_451 : vector<16xf32> to vector<16xf32>
        tpu.vector_store %arg4[%swap3A_454], %swap3A_457 {strides = array<i32>} : memref<32000xf32, #tpu.memory_space<vmem>>, vector<16xf32>,
        %rev3A_458 = arith.constant 15 : i32
        %rev3A_459 = vector.broadcast %rev3A_458 : i32 to vector<16xi32>
        %rev3A_460 = tpu.iota {dimensions = array<i32: 0>} : vector<16xi32>
        %rev3A_461 = arith.subi %rev3A_459, %rev3A_460 : vector<16xi32>
        %rev3A_462 = tpu.dynamic_gather %get3A_437[%rev3A_461] in [0] : vector<16xf32>, vector<16xi32> -> vector<16xf32>
        %add3A_463 = arith.constant 1 : i32
        %add3A_464 = arith.addi %scan3A_432, %add3A_463 : i32
        %mul3A_465 = arith.constant 16 : i32
        %mul3A_466 = arith.muli %mul3A_465, %add3A_464 : i32
        %sub3A_467 = arith.constant 32000 : i32
        %sub3A_468 = arith.subi %sub3A_467, %mul3A_466 : i32
        %swap3A_469 = arith.index_cast %sub3A_468 : i32 to index
        %swap3A_470 = tpu.vector_load %arg4[%swap3A_469] {strides = array<i32>} : memref<32000xf32, #tpu.memory_space<vmem>>, vector<16xf32>,
        %swap3A_471 = vector.shape_cast %swap3A_470 : vector<16xf32> to vector<16xf32>
        %swap3A_472 = vector.shape_cast %rev3A_462 : vector<16xf32> to vector<16xf32>
        tpu.vector_store %arg4[%swap3A_469], %swap3A_472 {strides = array<i32>} : memref<32000xf32, #tpu.memory_space<vmem>>, vector<16xf32>,
        %scan3A_473 = arith.constant 5 : i32
        %scan3A_474 = arith.addi %scan3A_268, %scan3A_473 : i32
        %mul3A_475 = arith.constant 16 : i32
        %mul3A_476 = arith.muli %mul3A_475, %scan3A_474 : i32
        %get3A_477 = arith.index_cast %mul3A_476 : i32 to index
        %get3A_478 = tpu.vector_load %arg4[%get3A_477] {strides = array<i32>} : memref<32000xf32, #tpu.memory_space<vmem>>, vector<16xf32>,
        %get3A_479 = vector.shape_cast %get3A_478 : vector<16xf32> to vector<16xf32>
        %add3A_480 = arith.constant 1 : i32
        %add3A_481 = arith.addi %scan3A_474, %add3A_480 : i32
        %mul3A_482 = arith.constant 16 : i32
        %mul3A_483 = arith.muli %mul3A_482, %add3A_481 : i32
        %sub3A_484 = arith.constant 32000 : i32
        %sub3A_485 = arith.subi %sub3A_484, %mul3A_483 : i32
        %get3A_486 = arith.index_cast %sub3A_485 : i32 to index
        %get3A_487 = tpu.vector_load %arg4[%get3A_486] {strides = array<i32>} : memref<32000xf32, #tpu.memory_space<vmem>>, vector<16xf32>,
        %get3A_488 = vector.shape_cast %get3A_487 : vector<16xf32> to vector<16xf32>
        %rev3A_489 = arith.constant 15 : i32
        %rev3A_490 = vector.broadcast %rev3A_489 : i32 to vector<16xi32>
        %rev3A_491 = tpu.iota {dimensions = array<i32: 0>} : vector<16xi32>
        %rev3A_492 = arith.subi %rev3A_490, %rev3A_491 : vector<16xi32>
        %rev3A_493 = tpu.dynamic_gather %get3A_488[%rev3A_492] in [0] : vector<16xf32>, vector<16xi32> -> vector<16xf32>
        %mul3A_494 = arith.constant 16 : i32
        %mul3A_495 = arith.muli %mul3A_494, %scan3A_474 : i32
        %swap3A_496 = arith.index_cast %mul3A_495 : i32 to index
        %swap3A_497 = tpu.vector_load %arg4[%swap3A_496] {strides = array<i32>} : memref<32000xf32, #tpu.memory_space<vmem>>, vector<16xf32>,
        %swap3A_498 = vector.shape_cast %swap3A_497 : vector<16xf32> to vector<16xf32>
        %swap3A_499 = vector.shape_cast %rev3A_493 : vector<16xf32> to vector<16xf32>
        tpu.vector_store %arg4[%swap3A_496], %swap3A_499 {strides = array<i32>} : memref<32000xf32, #tpu.memory_space<vmem>>, vector<16xf32>,
        %rev3A_500 = arith.constant 15 : i32
        %rev3A_501 = vector.broadcast %rev3A_500 : i32 to vector<16xi32>
        %rev3A_502 = tpu.iota {dimensions = array<i32: 0>} : vector<16xi32>
        %rev3A_503 = arith.subi %rev3A_501, %rev3A_502 : vector<16xi32>
        %rev3A_504 = tpu.dynamic_gather %get3A_479[%rev3A_503] in [0] : vector<16xf32>, vector<16xi32> -> vector<16xf32>
        %add3A_505 = arith.constant 1 : i32
        %add3A_506 = arith.addi %scan3A_474, %add3A_505 : i32
        %mul3A_507 = arith.constant 16 : i32
        %mul3A_508 = arith.muli %mul3A_507, %add3A_506 : i32
        %sub3A_509 = arith.constant 32000 : i32
        %sub3A_510 = arith.subi %sub3A_509, %mul3A_508 : i32
        %swap3A_511 = arith.index_cast %sub3A_510 : i32 to index
        %swap3A_512 = tpu.vector_load %arg4[%swap3A_511] {strides = array<i32>} : memref<32000xf32, #tpu.memory_space<vmem>>, vector<16xf32>,
        %swap3A_513 = vector.shape_cast %swap3A_512 : vector<16xf32> to vector<16xf32>
        %swap3A_514 = vector.shape_cast %rev3A_504 : vector<16xf32> to vector<16xf32>
        tpu.vector_store %arg4[%swap3A_511], %swap3A_514 {strides = array<i32>} : memref<32000xf32, #tpu.memory_space<vmem>>, vector<16xf32>,
        %scan3A_515 = arith.constant 6 : i32
        %scan3A_516 = arith.addi %scan3A_268, %scan3A_515 : i32
        %mul3A_517 = arith.constant 16 : i32
        %mul3A_518 = arith.muli %mul3A_517, %scan3A_516 : i32
        %get3A_519 = arith.index_cast %mul3A_518 : i32 to index
        %get3A_520 = tpu.vector_load %arg4[%get3A_519] {strides = array<i32>} : memref<32000xf32, #tpu.memory_space<vmem>>, vector<16xf32>,
        %get3A_521 = vector.shape_cast %get3A_520 : vector<16xf32> to vector<16xf32>
        %add3A_522 = arith.constant 1 : i32
        %add3A_523 = arith.addi %scan3A_516, %add3A_522 : i32
        %mul3A_524 = arith.constant 16 : i32
        %mul3A_525 = arith.muli %mul3A_524, %add3A_523 : i32
        %sub3A_526 = arith.constant 32000 : i32
        %sub3A_527 = arith.subi %sub3A_526, %mul3A_525 : i32
        %get3A_528 = arith.index_cast %sub3A_527 : i32 to index
        %get3A_529 = tpu.vector_load %arg4[%get3A_528] {strides = array<i32>} : memref<32000xf32, #tpu.memory_space<vmem>>, vector<16xf32>,
        %get3A_530 = vector.shape_cast %get3A_529 : vector<16xf32> to vector<16xf32>
        %rev3A_531 = arith.constant 15 : i32
        %rev3A_532 = vector.broadcast %rev3A_531 : i32 to vector<16xi32>
        %rev3A_533 = tpu.iota {dimensions = array<i32: 0>} : vector<16xi32>
        %rev3A_534 = arith.subi %rev3A_532, %rev3A_533 : vector<16xi32>
        %rev3A_535 = tpu.dynamic_gather %get3A_530[%rev3A_534] in [0] : vector<16xf32>, vector<16xi32> -> vector<16xf32>
        %mul3A_536 = arith.constant 16 : i32
        %mul3A_537 = arith.muli %mul3A_536, %scan3A_516 : i32
        %swap3A_538 = arith.index_cast %mul3A_537 : i32 to index
        %swap3A_539 = tpu.vector_load %arg4[%swap3A_538] {strides = array<i32>} : memref<32000xf32, #tpu.memory_space<vmem>>, vector<16xf32>,
        %swap3A_540 = vector.shape_cast %swap3A_539 : vector<16xf32> to vector<16xf32>
        %swap3A_541 = vector.shape_cast %rev3A_535 : vector<16xf32> to vector<16xf32>
        tpu.vector_store %arg4[%swap3A_538], %swap3A_541 {strides = array<i32>} : memref<32000xf32, #tpu.memory_space<vmem>>, vector<16xf32>,
        %rev3A_542 = arith.constant 15 : i32
        %rev3A_543 = vector.broadcast %rev3A_542 : i32 to vector<16xi32>
        %rev3A_544 = tpu.iota {dimensions = array<i32: 0>} : vector<16xi32>
        %rev3A_545 = arith.subi %rev3A_543, %rev3A_544 : vector<16xi32>
        %rev3A_546 = tpu.dynamic_gather %get3A_521[%rev3A_545] in [0] : vector<16xf32>, vector<16xi32> -> vector<16xf32>
        %add3A_547 = arith.constant 1 : i32
        %add3A_548 = arith.addi %scan3A_516, %add3A_547 : i32
        %mul3A_549 = arith.constant 16 : i32
        %mul3A_550 = arith.muli %mul3A_549, %add3A_548 : i32
        %sub3A_551 = arith.constant 32000 : i32
        %sub3A_552 = arith.subi %sub3A_551, %mul3A_550 : i32
        %swap3A_553 = arith.index_cast %sub3A_552 : i32 to index
        %swap3A_554 = tpu.vector_load %arg4[%swap3A_553] {strides = array<i32>} : memref<32000xf32, #tpu.memory_space<vmem>>, vector<16xf32>,
        %swap3A_555 = vector.shape_cast %swap3A_554 : vector<16xf32> to vector<16xf32>
        %swap3A_556 = vector.shape_cast %rev3A_546 : vector<16xf32> to vector<16xf32>
        tpu.vector_store %arg4[%swap3A_553], %swap3A_556 {strides = array<i32>} : memref<32000xf32, #tpu.memory_space<vmem>>, vector<16xf32>,
        %scan3A_557 = arith.constant 7 : i32
        %scan3A_558 = arith.addi %scan3A_268, %scan3A_557 : i32
        %mul3A_559 = arith.constant 16 : i32
        %mul3A_560 = arith.muli %mul3A_559, %scan3A_558 : i32
        %get3A_561 = arith.index_cast %mul3A_560 : i32 to index
        %get3A_562 = tpu.vector_load %arg4[%get3A_561] {strides = array<i32>} : memref<32000xf32, #tpu.memory_space<vmem>>, vector<16xf32>,
        %get3A_563 = vector.shape_cast %get3A_562 : vector<16xf32> to vector<16xf32>
        %add3A_564 = arith.constant 1 : i32
        %add3A_565 = arith.addi %scan3A_558, %add3A_564 : i32
        %mul3A_566 = arith.constant 16 : i32
        %mul3A_567 = arith.muli %mul3A_566, %add3A_565 : i32
        %sub3A_568 = arith.constant 32000 : i32
        %sub3A_569 = arith.subi %sub3A_568, %mul3A_567 : i32
        %get3A_570 = arith.index_cast %sub3A_569 : i32 to index
        %get3A_571 = tpu.vector_load %arg4[%get3A_570] {strides = array<i32>} : memref<32000xf32, #tpu.memory_space<vmem>>, vector<16xf32>,
        %get3A_572 = vector.shape_cast %get3A_571 : vector<16xf32> to vector<16xf32>
        %rev3A_573 = arith.constant 15 : i32
        %rev3A_574 = vector.broadcast %rev3A_573 : i32 to vector<16xi32>
        %rev3A_575 = tpu.iota {dimensions = array<i32: 0>} : vector<16xi32>
        %rev3A_576 = arith.subi %rev3A_574, %rev3A_575 : vector<16xi32>
        %rev3A_577 = tpu.dynamic_gather %get3A_572[%rev3A_576] in [0] : vector<16xf32>, vector<16xi32> -> vector<16xf32>
        %mul3A_578 = arith.constant 16 : i32
        %mul3A_579 = arith.muli %mul3A_578, %scan3A_558 : i32
        %swap3A_580 = arith.index_cast %mul3A_579 : i32 to index
        %swap3A_581 = tpu.vector_load %arg4[%swap3A_580] {strides = array<i32>} : memref<32000xf32, #tpu.memory_space<vmem>>, vector<16xf32>,
        %swap3A_582 = vector.shape_cast %swap3A_581 : vector<16xf32> to vector<16xf32>
        %swap3A_583 = vector.shape_cast %rev3A_577 : vector<16xf32> to vector<16xf32>
        tpu.vector_store %arg4[%swap3A_580], %swap3A_583 {strides = array<i32>} : memref<32000xf32, #tpu.memory_space<vmem>>, vector<16xf32>,
        %rev3A_584 = arith.constant 15 : i32
        %rev3A_585 = vector.broadcast %rev3A_584 : i32 to vector<16xi32>
        %rev3A_586 = tpu.iota {dimensions = array<i32: 0>} : vector<16xi32>
        %rev3A_587 = arith.subi %rev3A_585, %rev3A_586 : vector<16xi32>
        %rev3A_588 = tpu.dynamic_gather %get3A_563[%rev3A_587] in [0] : vector<16xf32>, vector<16xi32> -> vector<16xf32>
        %add3A_589 = arith.constant 1 : i32
        %add3A_590 = arith.addi %scan3A_558, %add3A_589 : i32
        %mul3A_591 = arith.constant 16 : i32
        %mul3A_592 = arith.muli %mul3A_591, %add3A_590 : i32
        %sub3A_593 = arith.constant 32000 : i32
        %sub3A_594 = arith.subi %sub3A_593, %mul3A_592 : i32
        %swap3A_595 = arith.index_cast %sub3A_594 : i32 to index
        %swap3A_596 = tpu.vector_load %arg4[%swap3A_595] {strides = array<i32>} : memref<32000xf32, #tpu.memory_space<vmem>>, vector<16xf32>,
        %swap3A_597 = vector.shape_cast %swap3A_596 : vector<16xf32> to vector<16xf32>
        %swap3A_598 = vector.shape_cast %rev3A_588 : vector<16xf32> to vector<16xf32>
        tpu.vector_store %arg4[%swap3A_595], %swap3A_598 {strides = array<i32>} : memref<32000xf32, #tpu.memory_space<vmem>>, vector<16xf32>,
      }
      %scan3A_225 = arith.constant 1000 : i32
      %dma_start3A_226 = arith.constant 32000 : i32
      %dma_start3A_227 = tpu.memref_slice %arg3[%select_n3A_118, %dma_start3A_226] : memref<128x160000xf32, #tpu.memory_space<hbm>> -> memref<1x32000xf32, #tpu.memory_space<hbm>>
      %dma_start3A_228 = tpu.memref_squeeze %dma_start3A_227 : memref<1x32000xf32, #tpu.memory_space<hbm>> -> memref<32000xf32, #tpu.memory_space<hbm>>
      %dma_start3A_229 = arith.constant 32000 : i32
      %dma_start3A_230 = tpu.memref_slice %arg3[%select_n3A_118, %dma_start3A_229] : memref<128x160000xf32, #tpu.memory_space<hbm>> -> memref<1x32000xf32, #tpu.memory_space<hbm>>
      %dma_start3A_231 = tpu.memref_squeeze %dma_start3A_230 : memref<1x32000xf32, #tpu.memory_space<hbm>> -> memref<32000xf32, #tpu.memory_space<hbm>>
      tpu.enqueue_dma source(%arg4 : memref<32000xf32, #tpu.memory_space<vmem>>) target(%dma_start3A_231 : memref<32000xf32, #tpu.memory_space<hbm>>) target_semaphore(%arg10 : memref<!tpu.dma_semaphore, #tpu.memory_space<semaphore_mem>>)
      %dma_wait3A_232 = arith.constant 128000 : i32
      %dma_wait3A_233 = tpu.memref_slice %arg2[%select_n3A_118, %dma_wait3A_232] : memref<128x160000xf32, #tpu.memory_space<hbm>> -> memref<1x32000xf32, #tpu.memory_space<hbm>>
      %dma_wait3A_234 = tpu.memref_squeeze %dma_wait3A_233 : memref<1x32000xf32, #tpu.memory_space<hbm>> -> memref<32000xf32, #tpu.memory_space<hbm>>
      %dma_wait3A_235 = arith.constant 128000 : i32
      %dma_wait3A_236 = tpu.memref_slice %arg2[%select_n3A_118, %dma_wait3A_235] : memref<128x160000xf32, #tpu.memory_space<hbm>> -> memref<1x32000xf32, #tpu.memory_space<hbm>>
      %dma_wait3A_237 = tpu.memref_squeeze %dma_wait3A_236 : memref<1x32000xf32, #tpu.memory_space<hbm>> -> memref<32000xf32, #tpu.memory_space<hbm>>
      tpu.wait_dma2 semaphore(%arg8 : memref<!tpu.dma_semaphore, #tpu.memory_space<semaphore_mem>>) src(%dma_wait3A_237 : memref<32000xf32, #tpu.memory_space<hbm>>) dst(%arg5 : memref<32000xf32, #tpu.memory_space<vmem>>)
      %scan3A_238 = arith.constant 0 : i32
      %scan3A_239 = arith.constant 0 : i32
      %scan3A_240 = arith.constant 1000 : i32
      %scan3A_241 = arith.addi %scan3A_239, %scan3A_240 : i32
      %scan3A_242 = arith.constant 8 : i32
      scf.for %scan3A_268 = %scan3A_239 to %scan3A_241 step %scan3A_242  : i32 {
        %mul3A_269 = arith.constant 16 : i32
        %mul3A_270 = arith.muli %mul3A_269, %scan3A_268 : i32
        %get3A = arith.index_cast %mul3A_270 : i32 to index
        %get3A_271 = tpu.vector_load %arg5[%get3A] {strides = array<i32>} : memref<32000xf32, #tpu.memory_space<vmem>>, vector<16xf32>,
        %get3A_272 = vector.shape_cast %get3A_271 : vector<16xf32> to vector<16xf32>
        %add3A_273 = arith.constant 1 : i32
        %add3A_274 = arith.addi %scan3A_268, %add3A_273 : i32
        %mul3A_275 = arith.constant 16 : i32
        %mul3A_276 = arith.muli %mul3A_275, %add3A_274 : i32
        %sub3A = arith.constant 32000 : i32
        %sub3A_277 = arith.subi %sub3A, %mul3A_276 : i32
        %get3A_278 = arith.index_cast %sub3A_277 : i32 to index
        %get3A_279 = tpu.vector_load %arg5[%get3A_278] {strides = array<i32>} : memref<32000xf32, #tpu.memory_space<vmem>>, vector<16xf32>,
        %get3A_280 = vector.shape_cast %get3A_279 : vector<16xf32> to vector<16xf32>
        %rev3A = arith.constant 15 : i32
        %rev3A_281 = vector.broadcast %rev3A : i32 to vector<16xi32>
        %rev3A_282 = tpu.iota {dimensions = array<i32: 0>} : vector<16xi32>
        %rev3A_283 = arith.subi %rev3A_281, %rev3A_282 : vector<16xi32>
        %rev3A_284 = tpu.dynamic_gather %get3A_280[%rev3A_283] in [0] : vector<16xf32>, vector<16xi32> -> vector<16xf32>
        %mul3A_285 = arith.constant 16 : i32
        %mul3A_286 = arith.muli %mul3A_285, %scan3A_268 : i32
        %swap3A = arith.index_cast %mul3A_286 : i32 to index
        %swap3A_287 = tpu.vector_load %arg5[%swap3A] {strides = array<i32>} : memref<32000xf32, #tpu.memory_space<vmem>>, vector<16xf32>,
        %swap3A_288 = vector.shape_cast %swap3A_287 : vector<16xf32> to vector<16xf32>
        %swap3A_289 = vector.shape_cast %rev3A_284 : vector<16xf32> to vector<16xf32>
        tpu.vector_store %arg5[%swap3A], %swap3A_289 {strides = array<i32>} : memref<32000xf32, #tpu.memory_space<vmem>>, vector<16xf32>,
        %rev3A_290 = arith.constant 15 : i32
        %rev3A_291 = vector.broadcast %rev3A_290 : i32 to vector<16xi32>
        %rev3A_292 = tpu.iota {dimensions = array<i32: 0>} : vector<16xi32>
        %rev3A_293 = arith.subi %rev3A_291, %rev3A_292 : vector<16xi32>
        %rev3A_294 = tpu.dynamic_gather %get3A_272[%rev3A_293] in [0] : vector<16xf32>, vector<16xi32> -> vector<16xf32>
        %add3A_295 = arith.constant 1 : i32
        %add3A_296 = arith.addi %scan3A_268, %add3A_295 : i32
        %mul3A_297 = arith.constant 16 : i32
        %mul3A_298 = arith.muli %mul3A_297, %add3A_296 : i32
        %sub3A_299 = arith.constant 32000 : i32
        %sub3A_300 = arith.subi %sub3A_299, %mul3A_298 : i32
        %swap3A_301 = arith.index_cast %sub3A_300 : i32 to index
        %swap3A_302 = tpu.vector_load %arg5[%swap3A_301] {strides = array<i32>} : memref<32000xf32, #tpu.memory_space<vmem>>, vector<16xf32>,
        %swap3A_303 = vector.shape_cast %swap3A_302 : vector<16xf32> to vector<16xf32>
        %swap3A_304 = vector.shape_cast %rev3A_294 : vector<16xf32> to vector<16xf32>
        tpu.vector_store %arg5[%swap3A_301], %swap3A_304 {strides = array<i32>} : memref<32000xf32, #tpu.memory_space<vmem>>, vector<16xf32>,
        %scan3A_305 = arith.constant 1 : i32
        %scan3A_306 = arith.addi %scan3A_268, %scan3A_305 : i32
        %mul3A_307 = arith.constant 16 : i32
        %mul3A_308 = arith.muli %mul3A_307, %scan3A_306 : i32
        %get3A_309 = arith.index_cast %mul3A_308 : i32 to index
        %get3A_310 = tpu.vector_load %arg5[%get3A_309] {strides = array<i32>} : memref<32000xf32, #tpu.memory_space<vmem>>, vector<16xf32>,
        %get3A_311 = vector.shape_cast %get3A_310 : vector<16xf32> to vector<16xf32>
        %add3A_312 = arith.constant 1 : i32
        %add3A_313 = arith.addi %scan3A_306, %add3A_312 : i32
        %mul3A_314 = arith.constant 16 : i32
        %mul3A_315 = arith.muli %mul3A_314, %add3A_313 : i32
        %sub3A_316 = arith.constant 32000 : i32
        %sub3A_317 = arith.subi %sub3A_316, %mul3A_315 : i32
        %get3A_318 = arith.index_cast %sub3A_317 : i32 to index
        %get3A_319 = tpu.vector_load %arg5[%get3A_318] {strides = array<i32>} : memref<32000xf32, #tpu.memory_space<vmem>>, vector<16xf32>,
        %get3A_320 = vector.shape_cast %get3A_319 : vector<16xf32> to vector<16xf32>
        %rev3A_321 = arith.constant 15 : i32
        %rev3A_322 = vector.broadcast %rev3A_321 : i32 to vector<16xi32>
        %rev3A_323 = tpu.iota {dimensions = array<i32: 0>} : vector<16xi32>
        %rev3A_324 = arith.subi %rev3A_322, %rev3A_323 : vector<16xi32>
        %rev3A_325 = tpu.dynamic_gather %get3A_320[%rev3A_324] in [0] : vector<16xf32>, vector<16xi32> -> vector<16xf32>
        %mul3A_326 = arith.constant 16 : i32
        %mul3A_327 = arith.muli %mul3A_326, %scan3A_306 : i32
        %swap3A_328 = arith.index_cast %mul3A_327 : i32 to index
        %swap3A_329 = tpu.vector_load %arg5[%swap3A_328] {strides = array<i32>} : memref<32000xf32, #tpu.memory_space<vmem>>, vector<16xf32>,
        %swap3A_330 = vector.shape_cast %swap3A_329 : vector<16xf32> to vector<16xf32>
        %swap3A_331 = vector.shape_cast %rev3A_325 : vector<16xf32> to vector<16xf32>
        tpu.vector_store %arg5[%swap3A_328], %swap3A_331 {strides = array<i32>} : memref<32000xf32, #tpu.memory_space<vmem>>, vector<16xf32>,
        %rev3A_332 = arith.constant 15 : i32
        %rev3A_333 = vector.broadcast %rev3A_332 : i32 to vector<16xi32>
        %rev3A_334 = tpu.iota {dimensions = array<i32: 0>} : vector<16xi32>
        %rev3A_335 = arith.subi %rev3A_333, %rev3A_334 : vector<16xi32>
        %rev3A_336 = tpu.dynamic_gather %get3A_311[%rev3A_335] in [0] : vector<16xf32>, vector<16xi32> -> vector<16xf32>
        %add3A_337 = arith.constant 1 : i32
        %add3A_338 = arith.addi %scan3A_306, %add3A_337 : i32
        %mul3A_339 = arith.constant 16 : i32
        %mul3A_340 = arith.muli %mul3A_339, %add3A_338 : i32
        %sub3A_341 = arith.constant 32000 : i32
        %sub3A_342 = arith.subi %sub3A_341, %mul3A_340 : i32
        %swap3A_343 = arith.index_cast %sub3A_342 : i32 to index
        %swap3A_344 = tpu.vector_load %arg5[%swap3A_343] {strides = array<i32>} : memref<32000xf32, #tpu.memory_space<vmem>>, vector<16xf32>,
        %swap3A_345 = vector.shape_cast %swap3A_344 : vector<16xf32> to vector<16xf32>
        %swap3A_346 = vector.shape_cast %rev3A_336 : vector<16xf32> to vector<16xf32>
        tpu.vector_store %arg5[%swap3A_343], %swap3A_346 {strides = array<i32>} : memref<32000xf32, #tpu.memory_space<vmem>>, vector<16xf32>,
        %scan3A_347 = arith.constant 2 : i32
        %scan3A_348 = arith.addi %scan3A_268, %scan3A_347 : i32
        %mul3A_349 = arith.constant 16 : i32
        %mul3A_350 = arith.muli %mul3A_349, %scan3A_348 : i32
        %get3A_351 = arith.index_cast %mul3A_350 : i32 to index
        %get3A_352 = tpu.vector_load %arg5[%get3A_351] {strides = array<i32>} : memref<32000xf32, #tpu.memory_space<vmem>>, vector<16xf32>,
        %get3A_353 = vector.shape_cast %get3A_352 : vector<16xf32> to vector<16xf32>
        %add3A_354 = arith.constant 1 : i32
        %add3A_355 = arith.addi %scan3A_348, %add3A_354 : i32
        %mul3A_356 = arith.constant 16 : i32
        %mul3A_357 = arith.muli %mul3A_356, %add3A_355 : i32
        %sub3A_358 = arith.constant 32000 : i32
        %sub3A_359 = arith.subi %sub3A_358, %mul3A_357 : i32
        %get3A_360 = arith.index_cast %sub3A_359 : i32 to index
        %get3A_361 = tpu.vector_load %arg5[%get3A_360] {strides = array<i32>} : memref<32000xf32, #tpu.memory_space<vmem>>, vector<16xf32>,
        %get3A_362 = vector.shape_cast %get3A_361 : vector<16xf32> to vector<16xf32>
        %rev3A_363 = arith.constant 15 : i32
        %rev3A_364 = vector.broadcast %rev3A_363 : i32 to vector<16xi32>
        %rev3A_365 = tpu.iota {dimensions = array<i32: 0>} : vector<16xi32>
        %rev3A_366 = arith.subi %rev3A_364, %rev3A_365 : vector<16xi32>
        %rev3A_367 = tpu.dynamic_gather %get3A_362[%rev3A_366] in [0] : vector<16xf32>, vector<16xi32> -> vector<16xf32>
        %mul3A_368 = arith.constant 16 : i32
        %mul3A_369 = arith.muli %mul3A_368, %scan3A_348 : i32
        %swap3A_370 = arith.index_cast %mul3A_369 : i32 to index
        %swap3A_371 = tpu.vector_load %arg5[%swap3A_370] {strides = array<i32>} : memref<32000xf32, #tpu.memory_space<vmem>>, vector<16xf32>,
        %swap3A_372 = vector.shape_cast %swap3A_371 : vector<16xf32> to vector<16xf32>
        %swap3A_373 = vector.shape_cast %rev3A_367 : vector<16xf32> to vector<16xf32>
        tpu.vector_store %arg5[%swap3A_370], %swap3A_373 {strides = array<i32>} : memref<32000xf32, #tpu.memory_space<vmem>>, vector<16xf32>,
        %rev3A_374 = arith.constant 15 : i32
        %rev3A_375 = vector.broadcast %rev3A_374 : i32 to vector<16xi32>
        %rev3A_376 = tpu.iota {dimensions = array<i32: 0>} : vector<16xi32>
        %rev3A_377 = arith.subi %rev3A_375, %rev3A_376 : vector<16xi32>
        %rev3A_378 = tpu.dynamic_gather %get3A_353[%rev3A_377] in [0] : vector<16xf32>, vector<16xi32> -> vector<16xf32>
        %add3A_379 = arith.constant 1 : i32
        %add3A_380 = arith.addi %scan3A_348, %add3A_379 : i32
        %mul3A_381 = arith.constant 16 : i32
        %mul3A_382 = arith.muli %mul3A_381, %add3A_380 : i32
        %sub3A_383 = arith.constant 32000 : i32
        %sub3A_384 = arith.subi %sub3A_383, %mul3A_382 : i32
        %swap3A_385 = arith.index_cast %sub3A_384 : i32 to index
        %swap3A_386 = tpu.vector_load %arg5[%swap3A_385] {strides = array<i32>} : memref<32000xf32, #tpu.memory_space<vmem>>, vector<16xf32>,
        %swap3A_387 = vector.shape_cast %swap3A_386 : vector<16xf32> to vector<16xf32>
        %swap3A_388 = vector.shape_cast %rev3A_378 : vector<16xf32> to vector<16xf32>
        tpu.vector_store %arg5[%swap3A_385], %swap3A_388 {strides = array<i32>} : memref<32000xf32, #tpu.memory_space<vmem>>, vector<16xf32>,
        %scan3A_389 = arith.constant 3 : i32
        %scan3A_390 = arith.addi %scan3A_268, %scan3A_389 : i32
        %mul3A_391 = arith.constant 16 : i32
        %mul3A_392 = arith.muli %mul3A_391, %scan3A_390 : i32
        %get3A_393 = arith.index_cast %mul3A_392 : i32 to index
        %get3A_394 = tpu.vector_load %arg5[%get3A_393] {strides = array<i32>} : memref<32000xf32, #tpu.memory_space<vmem>>, vector<16xf32>,
        %get3A_395 = vector.shape_cast %get3A_394 : vector<16xf32> to vector<16xf32>
        %add3A_396 = arith.constant 1 : i32
        %add3A_397 = arith.addi %scan3A_390, %add3A_396 : i32
        %mul3A_398 = arith.constant 16 : i32
        %mul3A_399 = arith.muli %mul3A_398, %add3A_397 : i32
        %sub3A_400 = arith.constant 32000 : i32
        %sub3A_401 = arith.subi %sub3A_400, %mul3A_399 : i32
        %get3A_402 = arith.index_cast %sub3A_401 : i32 to index
        %get3A_403 = tpu.vector_load %arg5[%get3A_402] {strides = array<i32>} : memref<32000xf32, #tpu.memory_space<vmem>>, vector<16xf32>,
        %get3A_404 = vector.shape_cast %get3A_403 : vector<16xf32> to vector<16xf32>
        %rev3A_405 = arith.constant 15 : i32
        %rev3A_406 = vector.broadcast %rev3A_405 : i32 to vector<16xi32>
        %rev3A_407 = tpu.iota {dimensions = array<i32: 0>} : vector<16xi32>
        %rev3A_408 = arith.subi %rev3A_406, %rev3A_407 : vector<16xi32>
        %rev3A_409 = tpu.dynamic_gather %get3A_404[%rev3A_408] in [0] : vector<16xf32>, vector<16xi32> -> vector<16xf32>
        %mul3A_410 = arith.constant 16 : i32
        %mul3A_411 = arith.muli %mul3A_410, %scan3A_390 : i32
        %swap3A_412 = arith.index_cast %mul3A_411 : i32 to index
        %swap3A_413 = tpu.vector_load %arg5[%swap3A_412] {strides = array<i32>} : memref<32000xf32, #tpu.memory_space<vmem>>, vector<16xf32>,
        %swap3A_414 = vector.shape_cast %swap3A_413 : vector<16xf32> to vector<16xf32>
        %swap3A_415 = vector.shape_cast %rev3A_409 : vector<16xf32> to vector<16xf32>
        tpu.vector_store %arg5[%swap3A_412], %swap3A_415 {strides = array<i32>} : memref<32000xf32, #tpu.memory_space<vmem>>, vector<16xf32>,
        %rev3A_416 = arith.constant 15 : i32
        %rev3A_417 = vector.broadcast %rev3A_416 : i32 to vector<16xi32>
        %rev3A_418 = tpu.iota {dimensions = array<i32: 0>} : vector<16xi32>
        %rev3A_419 = arith.subi %rev3A_417, %rev3A_418 : vector<16xi32>
        %rev3A_420 = tpu.dynamic_gather %get3A_395[%rev3A_419] in [0] : vector<16xf32>, vector<16xi32> -> vector<16xf32>
        %add3A_421 = arith.constant 1 : i32
        %add3A_422 = arith.addi %scan3A_390, %add3A_421 : i32
        %mul3A_423 = arith.constant 16 : i32
        %mul3A_424 = arith.muli %mul3A_423, %add3A_422 : i32
        %sub3A_425 = arith.constant 32000 : i32
        %sub3A_426 = arith.subi %sub3A_425, %mul3A_424 : i32
        %swap3A_427 = arith.index_cast %sub3A_426 : i32 to index
        %swap3A_428 = tpu.vector_load %arg5[%swap3A_427] {strides = array<i32>} : memref<32000xf32, #tpu.memory_space<vmem>>, vector<16xf32>,
        %swap3A_429 = vector.shape_cast %swap3A_428 : vector<16xf32> to vector<16xf32>
        %swap3A_430 = vector.shape_cast %rev3A_420 : vector<16xf32> to vector<16xf32>
        tpu.vector_store %arg5[%swap3A_427], %swap3A_430 {strides = array<i32>} : memref<32000xf32, #tpu.memory_space<vmem>>, vector<16xf32>,
        %scan3A_431 = arith.constant 4 : i32
        %scan3A_432 = arith.addi %scan3A_268, %scan3A_431 : i32
        %mul3A_433 = arith.constant 16 : i32
        %mul3A_434 = arith.muli %mul3A_433, %scan3A_432 : i32
        %get3A_435 = arith.index_cast %mul3A_434 : i32 to index
        %get3A_436 = tpu.vector_load %arg5[%get3A_435] {strides = array<i32>} : memref<32000xf32, #tpu.memory_space<vmem>>, vector<16xf32>,
        %get3A_437 = vector.shape_cast %get3A_436 : vector<16xf32> to vector<16xf32>
        %add3A_438 = arith.constant 1 : i32
        %add3A_439 = arith.addi %scan3A_432, %add3A_438 : i32
        %mul3A_440 = arith.constant 16 : i32
        %mul3A_441 = arith.muli %mul3A_440, %add3A_439 : i32
        %sub3A_442 = arith.constant 32000 : i32
        %sub3A_443 = arith.subi %sub3A_442, %mul3A_441 : i32
        %get3A_444 = arith.index_cast %sub3A_443 : i32 to index
        %get3A_445 = tpu.vector_load %arg5[%get3A_444] {strides = array<i32>} : memref<32000xf32, #tpu.memory_space<vmem>>, vector<16xf32>,
        %get3A_446 = vector.shape_cast %get3A_445 : vector<16xf32> to vector<16xf32>
        %rev3A_447 = arith.constant 15 : i32
        %rev3A_448 = vector.broadcast %rev3A_447 : i32 to vector<16xi32>
        %rev3A_449 = tpu.iota {dimensions = array<i32: 0>} : vector<16xi32>
        %rev3A_450 = arith.subi %rev3A_448, %rev3A_449 : vector<16xi32>
        %rev3A_451 = tpu.dynamic_gather %get3A_446[%rev3A_450] in [0] : vector<16xf32>, vector<16xi32> -> vector<16xf32>
        %mul3A_452 = arith.constant 16 : i32
        %mul3A_453 = arith.muli %mul3A_452, %scan3A_432 : i32
        %swap3A_454 = arith.index_cast %mul3A_453 : i32 to index
        %swap3A_455 = tpu.vector_load %arg5[%swap3A_454] {strides = array<i32>} : memref<32000xf32, #tpu.memory_space<vmem>>, vector<16xf32>,
        %swap3A_456 = vector.shape_cast %swap3A_455 : vector<16xf32> to vector<16xf32>
        %swap3A_457 = vector.shape_cast %rev3A_451 : vector<16xf32> to vector<16xf32>
        tpu.vector_store %arg5[%swap3A_454], %swap3A_457 {strides = array<i32>} : memref<32000xf32, #tpu.memory_space<vmem>>, vector<16xf32>,
        %rev3A_458 = arith.constant 15 : i32
        %rev3A_459 = vector.broadcast %rev3A_458 : i32 to vector<16xi32>
        %rev3A_460 = tpu.iota {dimensions = array<i32: 0>} : vector<16xi32>
        %rev3A_461 = arith.subi %rev3A_459, %rev3A_460 : vector<16xi32>
        %rev3A_462 = tpu.dynamic_gather %get3A_437[%rev3A_461] in [0] : vector<16xf32>, vector<16xi32> -> vector<16xf32>
        %add3A_463 = arith.constant 1 : i32
        %add3A_464 = arith.addi %scan3A_432, %add3A_463 : i32
        %mul3A_465 = arith.constant 16 : i32
        %mul3A_466 = arith.muli %mul3A_465, %add3A_464 : i32
        %sub3A_467 = arith.constant 32000 : i32
        %sub3A_468 = arith.subi %sub3A_467, %mul3A_466 : i32
        %swap3A_469 = arith.index_cast %sub3A_468 : i32 to index
        %swap3A_470 = tpu.vector_load %arg5[%swap3A_469] {strides = array<i32>} : memref<32000xf32, #tpu.memory_space<vmem>>, vector<16xf32>,
        %swap3A_471 = vector.shape_cast %swap3A_470 : vector<16xf32> to vector<16xf32>
        %swap3A_472 = vector.shape_cast %rev3A_462 : vector<16xf32> to vector<16xf32>
        tpu.vector_store %arg5[%swap3A_469], %swap3A_472 {strides = array<i32>} : memref<32000xf32, #tpu.memory_space<vmem>>, vector<16xf32>,
        %scan3A_473 = arith.constant 5 : i32
        %scan3A_474 = arith.addi %scan3A_268, %scan3A_473 : i32
        %mul3A_475 = arith.constant 16 : i32
        %mul3A_476 = arith.muli %mul3A_475, %scan3A_474 : i32
        %get3A_477 = arith.index_cast %mul3A_476 : i32 to index
        %get3A_478 = tpu.vector_load %arg5[%get3A_477] {strides = array<i32>} : memref<32000xf32, #tpu.memory_space<vmem>>, vector<16xf32>,
        %get3A_479 = vector.shape_cast %get3A_478 : vector<16xf32> to vector<16xf32>
        %add3A_480 = arith.constant 1 : i32
        %add3A_481 = arith.addi %scan3A_474, %add3A_480 : i32
        %mul3A_482 = arith.constant 16 : i32
        %mul3A_483 = arith.muli %mul3A_482, %add3A_481 : i32
        %sub3A_484 = arith.constant 32000 : i32
        %sub3A_485 = arith.subi %sub3A_484, %mul3A_483 : i32
        %get3A_486 = arith.index_cast %sub3A_485 : i32 to index
        %get3A_487 = tpu.vector_load %arg5[%get3A_486] {strides = array<i32>} : memref<32000xf32, #tpu.memory_space<vmem>>, vector<16xf32>,
        %get3A_488 = vector.shape_cast %get3A_487 : vector<16xf32> to vector<16xf32>
        %rev3A_489 = arith.constant 15 : i32
        %rev3A_490 = vector.broadcast %rev3A_489 : i32 to vector<16xi32>
        %rev3A_491 = tpu.iota {dimensions = array<i32: 0>} : vector<16xi32>
        %rev3A_492 = arith.subi %rev3A_490, %rev3A_491 : vector<16xi32>
        %rev3A_493 = tpu.dynamic_gather %get3A_488[%rev3A_492] in [0] : vector<16xf32>, vector<16xi32> -> vector<16xf32>
        %mul3A_494 = arith.constant 16 : i32
        %mul3A_495 = arith.muli %mul3A_494, %scan3A_474 : i32
        %swap3A_496 = arith.index_cast %mul3A_495 : i32 to index
        %swap3A_497 = tpu.vector_load %arg5[%swap3A_496] {strides = array<i32>} : memref<32000xf32, #tpu.memory_space<vmem>>, vector<16xf32>,
        %swap3A_498 = vector.shape_cast %swap3A_497 : vector<16xf32> to vector<16xf32>
        %swap3A_499 = vector.shape_cast %rev3A_493 : vector<16xf32> to vector<16xf32>
        tpu.vector_store %arg5[%swap3A_496], %swap3A_499 {strides = array<i32>} : memref<32000xf32, #tpu.memory_space<vmem>>, vector<16xf32>,
        %rev3A_500 = arith.constant 15 : i32
        %rev3A_501 = vector.broadcast %rev3A_500 : i32 to vector<16xi32>
        %rev3A_502 = tpu.iota {dimensions = array<i32: 0>} : vector<16xi32>
        %rev3A_503 = arith.subi %rev3A_501, %rev3A_502 : vector<16xi32>
        %rev3A_504 = tpu.dynamic_gather %get3A_479[%rev3A_503] in [0] : vector<16xf32>, vector<16xi32> -> vector<16xf32>
        %add3A_505 = arith.constant 1 : i32
        %add3A_506 = arith.addi %scan3A_474, %add3A_505 : i32
        %mul3A_507 = arith.constant 16 : i32
        %mul3A_508 = arith.muli %mul3A_507, %add3A_506 : i32
        %sub3A_509 = arith.constant 32000 : i32
        %sub3A_510 = arith.subi %sub3A_509, %mul3A_508 : i32
        %swap3A_511 = arith.index_cast %sub3A_510 : i32 to index
        %swap3A_512 = tpu.vector_load %arg5[%swap3A_511] {strides = array<i32>} : memref<32000xf32, #tpu.memory_space<vmem>>, vector<16xf32>,
        %swap3A_513 = vector.shape_cast %swap3A_512 : vector<16xf32> to vector<16xf32>
        %swap3A_514 = vector.shape_cast %rev3A_504 : vector<16xf32> to vector<16xf32>
        tpu.vector_store %arg5[%swap3A_511], %swap3A_514 {strides = array<i32>} : memref<32000xf32, #tpu.memory_space<vmem>>, vector<16xf32>,
        %scan3A_515 = arith.constant 6 : i32
        %scan3A_516 = arith.addi %scan3A_268, %scan3A_515 : i32
        %mul3A_517 = arith.constant 16 : i32
        %mul3A_518 = arith.muli %mul3A_517, %scan3A_516 : i32
        %get3A_519 = arith.index_cast %mul3A_518 : i32 to index
        %get3A_520 = tpu.vector_load %arg5[%get3A_519] {strides = array<i32>} : memref<32000xf32, #tpu.memory_space<vmem>>, vector<16xf32>,
        %get3A_521 = vector.shape_cast %get3A_520 : vector<16xf32> to vector<16xf32>
        %add3A_522 = arith.constant 1 : i32
        %add3A_523 = arith.addi %scan3A_516, %add3A_522 : i32
        %mul3A_524 = arith.constant 16 : i32
        %mul3A_525 = arith.muli %mul3A_524, %add3A_523 : i32
        %sub3A_526 = arith.constant 32000 : i32
        %sub3A_527 = arith.subi %sub3A_526, %mul3A_525 : i32
        %get3A_528 = arith.index_cast %sub3A_527 : i32 to index
        %get3A_529 = tpu.vector_load %arg5[%get3A_528] {strides = array<i32>} : memref<32000xf32, #tpu.memory_space<vmem>>, vector<16xf32>,
        %get3A_530 = vector.shape_cast %get3A_529 : vector<16xf32> to vector<16xf32>
        %rev3A_531 = arith.constant 15 : i32
        %rev3A_532 = vector.broadcast %rev3A_531 : i32 to vector<16xi32>
        %rev3A_533 = tpu.iota {dimensions = array<i32: 0>} : vector<16xi32>
        %rev3A_534 = arith.subi %rev3A_532, %rev3A_533 : vector<16xi32>
        %rev3A_535 = tpu.dynamic_gather %get3A_530[%rev3A_534] in [0] : vector<16xf32>, vector<16xi32> -> vector<16xf32>
        %mul3A_536 = arith.constant 16 : i32
        %mul3A_537 = arith.muli %mul3A_536, %scan3A_516 : i32
        %swap3A_538 = arith.index_cast %mul3A_537 : i32 to index
        %swap3A_539 = tpu.vector_load %arg5[%swap3A_538] {strides = array<i32>} : memref<32000xf32, #tpu.memory_space<vmem>>, vector<16xf32>,
        %swap3A_540 = vector.shape_cast %swap3A_539 : vector<16xf32> to vector<16xf32>
        %swap3A_541 = vector.shape_cast %rev3A_535 : vector<16xf32> to vector<16xf32>
        tpu.vector_store %arg5[%swap3A_538], %swap3A_541 {strides = array<i32>} : memref<32000xf32, #tpu.memory_space<vmem>>, vector<16xf32>,
        %rev3A_542 = arith.constant 15 : i32
        %rev3A_543 = vector.broadcast %rev3A_542 : i32 to vector<16xi32>
        %rev3A_544 = tpu.iota {dimensions = array<i32: 0>} : vector<16xi32>
        %rev3A_545 = arith.subi %rev3A_543, %rev3A_544 : vector<16xi32>
        %rev3A_546 = tpu.dynamic_gather %get3A_521[%rev3A_545] in [0] : vector<16xf32>, vector<16xi32> -> vector<16xf32>
        %add3A_547 = arith.constant 1 : i32
        %add3A_548 = arith.addi %scan3A_516, %add3A_547 : i32
        %mul3A_549 = arith.constant 16 : i32
        %mul3A_550 = arith.muli %mul3A_549, %add3A_548 : i32
        %sub3A_551 = arith.constant 32000 : i32
        %sub3A_552 = arith.subi %sub3A_551, %mul3A_550 : i32
        %swap3A_553 = arith.index_cast %sub3A_552 : i32 to index
        %swap3A_554 = tpu.vector_load %arg5[%swap3A_553] {strides = array<i32>} : memref<32000xf32, #tpu.memory_space<vmem>>, vector<16xf32>,
        %swap3A_555 = vector.shape_cast %swap3A_554 : vector<16xf32> to vector<16xf32>
        %swap3A_556 = vector.shape_cast %rev3A_546 : vector<16xf32> to vector<16xf32>
        tpu.vector_store %arg5[%swap3A_553], %swap3A_556 {strides = array<i32>} : memref<32000xf32, #tpu.memory_space<vmem>>, vector<16xf32>,
        %scan3A_557 = arith.constant 7 : i32
        %scan3A_558 = arith.addi %scan3A_268, %scan3A_557 : i32
        %mul3A_559 = arith.constant 16 : i32
        %mul3A_560 = arith.muli %mul3A_559, %scan3A_558 : i32
        %get3A_561 = arith.index_cast %mul3A_560 : i32 to index
        %get3A_562 = tpu.vector_load %arg5[%get3A_561] {strides = array<i32>} : memref<32000xf32, #tpu.memory_space<vmem>>, vector<16xf32>,
        %get3A_563 = vector.shape_cast %get3A_562 : vector<16xf32> to vector<16xf32>
        %add3A_564 = arith.constant 1 : i32
        %add3A_565 = arith.addi %scan3A_558, %add3A_564 : i32
        %mul3A_566 = arith.constant 16 : i32
        %mul3A_567 = arith.muli %mul3A_566, %add3A_565 : i32
        %sub3A_568 = arith.constant 32000 : i32
        %sub3A_569 = arith.subi %sub3A_568, %mul3A_567 : i32
        %get3A_570 = arith.index_cast %sub3A_569 : i32 to index
        %get3A_571 = tpu.vector_load %arg5[%get3A_570] {strides = array<i32>} : memref<32000xf32, #tpu.memory_space<vmem>>, vector<16xf32>,
        %get3A_572 = vector.shape_cast %get3A_571 : vector<16xf32> to vector<16xf32>
        %rev3A_573 = arith.constant 15 : i32
        %rev3A_574 = vector.broadcast %rev3A_573 : i32 to vector<16xi32>
        %rev3A_575 = tpu.iota {dimensions = array<i32: 0>} : vector<16xi32>
        %rev3A_576 = arith.subi %rev3A_574, %rev3A_575 : vector<16xi32>
        %rev3A_577 = tpu.dynamic_gather %get3A_572[%rev3A_576] in [0] : vector<16xf32>, vector<16xi32> -> vector<16xf32>
        %mul3A_578 = arith.constant 16 : i32
        %mul3A_579 = arith.muli %mul3A_578, %scan3A_558 : i32
        %swap3A_580 = arith.index_cast %mul3A_579 : i32 to index
        %swap3A_581 = tpu.vector_load %arg5[%swap3A_580] {strides = array<i32>} : memref<32000xf32, #tpu.memory_space<vmem>>, vector<16xf32>,
        %swap3A_582 = vector.shape_cast %swap3A_581 : vector<16xf32> to vector<16xf32>
        %swap3A_583 = vector.shape_cast %rev3A_577 : vector<16xf32> to vector<16xf32>
        tpu.vector_store %arg5[%swap3A_580], %swap3A_583 {strides = array<i32>} : memref<32000xf32, #tpu.memory_space<vmem>>, vector<16xf32>,
        %rev3A_584 = arith.constant 15 : i32
        %rev3A_585 = vector.broadcast %rev3A_584 : i32 to vector<16xi32>
        %rev3A_586 = tpu.iota {dimensions = array<i32: 0>} : vector<16xi32>
        %rev3A_587 = arith.subi %rev3A_585, %rev3A_586 : vector<16xi32>
        %rev3A_588 = tpu.dynamic_gather %get3A_563[%rev3A_587] in [0] : vector<16xf32>, vector<16xi32> -> vector<16xf32>
        %add3A_589 = arith.constant 1 : i32
        %add3A_590 = arith.addi %scan3A_558, %add3A_589 : i32
        %mul3A_591 = arith.constant 16 : i32
        %mul3A_592 = arith.muli %mul3A_591, %add3A_590 : i32
        %sub3A_593 = arith.constant 32000 : i32
        %sub3A_594 = arith.subi %sub3A_593, %mul3A_592 : i32
        %swap3A_595 = arith.index_cast %sub3A_594 : i32 to index
        %swap3A_596 = tpu.vector_load %arg5[%swap3A_595] {strides = array<i32>} : memref<32000xf32, #tpu.memory_space<vmem>>, vector<16xf32>,
        %swap3A_597 = vector.shape_cast %swap3A_596 : vector<16xf32> to vector<16xf32>
        %swap3A_598 = vector.shape_cast %rev3A_588 : vector<16xf32> to vector<16xf32>
        tpu.vector_store %arg5[%swap3A_595], %swap3A_598 {strides = array<i32>} : memref<32000xf32, #tpu.memory_space<vmem>>, vector<16xf32>,
      }
      %scan3A_243 = arith.constant 1000 : i32
      %dma_start3A_244 = arith.constant 0 : i32
      %dma_start3A_245 = tpu.memref_slice %arg3[%select_n3A_118, %dma_start3A_244] : memref<128x160000xf32, #tpu.memory_space<hbm>> -> memref<1x32000xf32, #tpu.memory_space<hbm>>
      %dma_start3A_246 = tpu.memref_squeeze %dma_start3A_245 : memref<1x32000xf32, #tpu.memory_space<hbm>> -> memref<32000xf32, #tpu.memory_space<hbm>>
      %dma_start3A_247 = arith.constant 0 : i32
      %dma_start3A_248 = tpu.memref_slice %arg3[%select_n3A_118, %dma_start3A_247] : memref<128x160000xf32, #tpu.memory_space<hbm>> -> memref<1x32000xf32, #tpu.memory_space<hbm>>
      %dma_start3A_249 = tpu.memref_squeeze %dma_start3A_248 : memref<1x32000xf32, #tpu.memory_space<hbm>> -> memref<32000xf32, #tpu.memory_space<hbm>>
      tpu.enqueue_dma source(%arg5 : memref<32000xf32, #tpu.memory_space<vmem>>) target(%dma_start3A_249 : memref<32000xf32, #tpu.memory_space<hbm>>) target_semaphore(%arg11 : memref<!tpu.dma_semaphore, #tpu.memory_space<semaphore_mem>>)
      %dma_wait3A_250 = arith.constant 64000 : i32
      %dma_wait3A_251 = tpu.memref_slice %arg3[%select_n3A_118, %dma_wait3A_250] : memref<128x160000xf32, #tpu.memory_space<hbm>> -> memref<1x32000xf32, #tpu.memory_space<hbm>>
      %dma_wait3A_252 = tpu.memref_squeeze %dma_wait3A_251 : memref<1x32000xf32, #tpu.memory_space<hbm>> -> memref<32000xf32, #tpu.memory_space<hbm>>
      %dma_wait3A_253 = arith.constant 64000 : i32
      %dma_wait3A_254 = tpu.memref_slice %arg3[%select_n3A_118, %dma_wait3A_253] : memref<128x160000xf32, #tpu.memory_space<hbm>> -> memref<1x32000xf32, #tpu.memory_space<hbm>>
      %dma_wait3A_255 = tpu.memref_squeeze %dma_wait3A_254 : memref<1x32000xf32, #tpu.memory_space<hbm>> -> memref<32000xf32, #tpu.memory_space<hbm>>
      tpu.wait_dma2 semaphore(%arg12 : memref<!tpu.dma_semaphore, #tpu.memory_space<semaphore_mem>>) src(%arg6 : memref<32000xf32, #tpu.memory_space<vmem>>) dst(%dma_wait3A_255 : memref<32000xf32, #tpu.memory_space<hbm>>)
      %dma_wait3A_256 = arith.constant 32000 : i32
      %dma_wait3A_257 = tpu.memref_slice %arg3[%select_n3A_118, %dma_wait3A_256] : memref<128x160000xf32, #tpu.memory_space<hbm>> -> memref<1x32000xf32, #tpu.memory_space<hbm>>
      %dma_wait3A_258 = tpu.memref_squeeze %dma_wait3A_257 : memref<1x32000xf32, #tpu.memory_space<hbm>> -> memref<32000xf32, #tpu.memory_space<hbm>>
      %dma_wait3A_259 = arith.constant 32000 : i32
      %dma_wait3A_260 = tpu.memref_slice %arg3[%select_n3A_118, %dma_wait3A_259] : memref<128x160000xf32, #tpu.memory_space<hbm>> -> memref<1x32000xf32, #tpu.memory_space<hbm>>
      %dma_wait3A_261 = tpu.memref_squeeze %dma_wait3A_260 : memref<1x32000xf32, #tpu.memory_space<hbm>> -> memref<32000xf32, #tpu.memory_space<hbm>>
      tpu.wait_dma2 semaphore(%arg10 : memref<!tpu.dma_semaphore, #tpu.memory_space<semaphore_mem>>) src(%arg4 : memref<32000xf32, #tpu.memory_space<vmem>>) dst(%dma_wait3A_261 : memref<32000xf32, #tpu.memory_space<hbm>>)
      %dma_wait3A_262 = arith.constant 0 : i32
      %dma_wait3A_263 = tpu.memref_slice %arg3[%select_n3A_118, %dma_wait3A_262] : memref<128x160000xf32, #tpu.memory_space<hbm>> -> memref<1x32000xf32, #tpu.memory_space<hbm>>
      %dma_wait3A_264 = tpu.memref_squeeze %dma_wait3A_263 : memref<1x32000xf32, #tpu.memory_space<hbm>> -> memref<32000xf32, #tpu.memory_space<hbm>>
      %dma_wait3A_265 = arith.constant 0 : i32
      %dma_wait3A_266 = tpu.memref_slice %arg3[%select_n3A_118, %dma_wait3A_265] : memref<128x160000xf32, #tpu.memory_space<hbm>> -> memref<1x32000xf32, #tpu.memory_space<hbm>>
      %dma_wait3A_267 = tpu.memref_squeeze %dma_wait3A_266 : memref<1x32000xf32, #tpu.memory_space<hbm>> -> memref<32000xf32, #tpu.memory_space<hbm>>
      tpu.wait_dma2 semaphore(%arg11 : memref<!tpu.dma_semaphore, #tpu.memory_space<semaphore_mem>>) src(%arg5 : memref<32000xf32, #tpu.memory_space<vmem>>) dst(%dma_wait3A_267 : memref<32000xf32, #tpu.memory_space<hbm>>)
    } else {
    }
    return
  }
}

module attributes {stable_mosaic.version = 14 : i64} {
  func.func @_tc_mixed_body(%arg0: i32, %arg1: memref<39xi32, #tpu.memory_space<smem>>, %arg2: memref<80x2xi32, #tpu.memory_space<smem>>, %arg3: memref<80x9xf32, #tpu.memory_space<smem>>, %arg4: memref<2000x128xf32, #tpu.memory_space<vmem>>, %arg5: memref<2000x128xf32, #tpu.memory_space<vmem>>, %arg6: memref<160000x128xf32, #tpu.memory_space<any>>, %arg7: memref<2000x128xf32, #tpu.memory_space<vmem>>) attributes {dimension_semantics = [#tpu.dimension_semantics<arbitrary>], iteration_bounds = array<i64: 39>, scalar_prefetch = 3 : i64, scratch_operands = 0 : i64, tpu.core_type = #tpu.core_type<tc>, window_params = [{transform_indices = @transform_0, window_bounds = array<i64: 2000, 128>}, {transform_indices = @transform_1, window_bounds = array<i64: 2000, 128>}, {}, {transform_indices = @transform_3, window_bounds = array<i64: 2000, 128>}]} {
    %get3A = arith.index_cast %arg0 : i32 to index
    %get3A_0 = memref.load %arg1[%get3A] : memref<39xi32, #tpu.memory_space<smem>>
    %iota3A = tpu.iota {dimensions = array<i32: 0>} : vector<2000x128xi32>
    %get3A_1 = arith.index_cast %get3A_0 : i32 to index
    %get3A_2 = arith.constant 0 : index
    %get3A_3 = memref.load %arg2[%get3A_1, %get3A_2] : memref<80x2xi32, #tpu.memory_space<smem>>
    %lt3A = vector.broadcast %get3A_3 : i32 to vector<2000x128xi32>
    %lt3A_4 = arith.cmpi slt, %iota3A, %lt3A : vector<2000x128xi32>
    %get3A_5 = arith.index_cast %get3A_0 : i32 to index
    %get3A_6 = arith.constant 1 : index
    %get3A_7 = memref.load %arg2[%get3A_5, %get3A_6] : memref<80x2xi32, #tpu.memory_space<smem>>
    %lt3A_8 = vector.broadcast %get3A_7 : i32 to vector<2000x128xi32>
    %lt3A_9 = arith.cmpi slt, %iota3A, %lt3A_8 : vector<2000x128xi32>
    %get3A_10 = arith.constant 0 : index
    %get3A_11 = arith.constant 0 : index
    %get3A_12 = vector.load %arg4[%get3A_10, %get3A_11] : memref<2000x128xf32, #tpu.memory_space<vmem>>, vector<2000x128xf32>
    %get3A_13 = arith.index_cast %get3A_0 : i32 to index
    %get3A_14 = arith.constant 2 : index
    %get3A_15 = memref.load %arg3[%get3A_13, %get3A_14] : memref<80x9xf32, #tpu.memory_space<smem>>
    %get3A_16 = arith.index_cast %get3A_0 : i32 to index
    %get3A_17 = arith.constant 1 : index
    %get3A_18 = memref.load %arg3[%get3A_16, %get3A_17] : memref<80x9xf32, #tpu.memory_space<smem>>
    %broadcast_in_dim3A = vector.broadcast %get3A_18 : f32 to vector<2000x128xf32>
    %broadcast_in_dim3A_19 = vector.broadcast %get3A_15 : f32 to vector<2000x128xf32>
    %select_n3A = arith.select %lt3A_9, %broadcast_in_dim3A, %broadcast_in_dim3A_19 : vector<2000x128xi1>, vector<2000x128xf32>
    %get3A_20 = arith.index_cast %get3A_0 : i32 to index
    %get3A_21 = arith.constant 0 : index
    %get3A_22 = memref.load %arg3[%get3A_20, %get3A_21] : memref<80x9xf32, #tpu.memory_space<smem>>
    %broadcast_in_dim3A_23 = vector.broadcast %get3A_22 : f32 to vector<2000x128xf32>
    %select_n3A_24 = arith.select %lt3A_4, %broadcast_in_dim3A_23, %select_n3A : vector<2000x128xi1>, vector<2000x128xf32>
    %mul3A = arith.mulf %select_n3A_24, %get3A_12 : vector<2000x128xf32>
    %get3A_25 = arith.index_cast %get3A_0 : i32 to index
    %get3A_26 = arith.constant 5 : index
    %get3A_27 = memref.load %arg3[%get3A_25, %get3A_26] : memref<80x9xf32, #tpu.memory_space<smem>>
    %get3A_28 = arith.index_cast %get3A_0 : i32 to index
    %get3A_29 = arith.constant 4 : index
    %get3A_30 = memref.load %arg3[%get3A_28, %get3A_29] : memref<80x9xf32, #tpu.memory_space<smem>>
    %broadcast_in_dim3A_31 = vector.broadcast %get3A_30 : f32 to vector<2000x128xf32>
    %broadcast_in_dim3A_32 = vector.broadcast %get3A_27 : f32 to vector<2000x128xf32>
    %select_n3A_33 = arith.select %lt3A_9, %broadcast_in_dim3A_31, %broadcast_in_dim3A_32 : vector<2000x128xi1>, vector<2000x128xf32>
    %get3A_34 = arith.index_cast %get3A_0 : i32 to index
    %get3A_35 = arith.constant 3 : index
    %get3A_36 = memref.load %arg3[%get3A_34, %get3A_35] : memref<80x9xf32, #tpu.memory_space<smem>>
    %broadcast_in_dim3A_37 = vector.broadcast %get3A_36 : f32 to vector<2000x128xf32>
    %select_n3A_38 = arith.select %lt3A_4, %broadcast_in_dim3A_37, %select_n3A_33 : vector<2000x128xi1>, vector<2000x128xf32>
    %mul3A_39 = arith.constant 3.000000e+00 : f32
    %mul3A_40 = vector.broadcast %mul3A_39 : f32 to vector<2000x128xf32>
    %mul3A_41 = arith.mulf %mul3A_40, %get3A_12 : vector<2000x128xf32>
    %tanh3A = math.tanh %mul3A_41 : vector<2000x128xf32>
    %mul3A_42 = arith.constant 0.333333343 : f32
    %mul3A_43 = vector.broadcast %mul3A_42 : f32 to vector<2000x128xf32>
    %mul3A_44 = arith.mulf %tanh3A, %mul3A_43 : vector<2000x128xf32>
    %mul3A_45 = arith.mulf %select_n3A_38, %mul3A_44 : vector<2000x128xf32>
    %add3A = arith.addf %mul3A, %mul3A_45 : vector<2000x128xf32>
    %get3A_46 = arith.index_cast %get3A_0 : i32 to index
    %get3A_47 = arith.constant 8 : index
    %get3A_48 = memref.load %arg3[%get3A_46, %get3A_47] : memref<80x9xf32, #tpu.memory_space<smem>>
    %get3A_49 = arith.index_cast %get3A_0 : i32 to index
    %get3A_50 = arith.constant 7 : index
    %get3A_51 = memref.load %arg3[%get3A_49, %get3A_50] : memref<80x9xf32, #tpu.memory_space<smem>>
    %broadcast_in_dim3A_52 = vector.broadcast %get3A_51 : f32 to vector<2000x128xf32>
    %broadcast_in_dim3A_53 = vector.broadcast %get3A_48 : f32 to vector<2000x128xf32>
    %select_n3A_54 = arith.select %lt3A_9, %broadcast_in_dim3A_52, %broadcast_in_dim3A_53 : vector<2000x128xi1>, vector<2000x128xf32>
    %get3A_55 = arith.index_cast %get3A_0 : i32 to index
    %get3A_56 = arith.constant 6 : index
    %get3A_57 = memref.load %arg3[%get3A_55, %get3A_56] : memref<80x9xf32, #tpu.memory_space<smem>>
    %broadcast_in_dim3A_58 = vector.broadcast %get3A_57 : f32 to vector<2000x128xf32>
    %select_n3A_59 = arith.select %lt3A_4, %broadcast_in_dim3A_58, %select_n3A_54 : vector<2000x128xi1>, vector<2000x128xf32>
    %gt3A = arith.constant 5.000000e-01 : f32
    %gt3A_60 = vector.broadcast %gt3A : f32 to vector<2000x128xf32>
    %gt3A_61 = arith.cmpf ogt, %select_n3A_59, %gt3A_60 : vector<2000x128xf32>
    %get3A_62 = arith.constant 0 : index
    %get3A_63 = arith.constant 0 : index
    %get3A_64 = vector.load %arg5[%get3A_62, %get3A_63] : memref<2000x128xf32, #tpu.memory_space<vmem>>, vector<2000x128xf32>
    %select_n3A_65 = arith.select %gt3A_61, %get3A_64, %add3A : vector<2000x128xi1>, vector<2000x128xf32>
    %swap3A = arith.constant 0 : index
    %swap3A_66 = arith.constant 0 : index
    %swap3A_67 = vector.load %arg7[%swap3A, %swap3A_66] : memref<2000x128xf32, #tpu.memory_space<vmem>>, vector<2000x128xf32>
    tpu.vector_store %arg7[%swap3A, %swap3A_66], %select_n3A_65 {strides = array<i32>} : memref<2000x128xf32, #tpu.memory_space<vmem>>, vector<2000x128xf32>,
    return
  }
  func.func @transform_0(%arg0: i32, %arg1: memref<39xi32, #tpu.memory_space<smem>>, %arg2: memref<80x2xi32, #tpu.memory_space<smem>>, %arg3: memref<80x9xf32, #tpu.memory_space<smem>>) -> (i32, i32) {
    %get3A = arith.index_cast %arg0 : i32 to index
    %get3A_0 = memref.load %arg1[%get3A] : memref<39xi32, #tpu.memory_space<smem>>
    %c0_i32 = arith.constant 0 : i32
    %c0_i32_1 = arith.constant 0 : i32
    return %get3A_0, %c0_i32 : i32, i32
  }
  func.func @transform_1(%arg0: i32, %arg1: memref<39xi32, #tpu.memory_space<smem>>, %arg2: memref<80x2xi32, #tpu.memory_space<smem>>, %arg3: memref<80x9xf32, #tpu.memory_space<smem>>) -> (i32, i32) {
    %get3A = arith.index_cast %arg0 : i32 to index
    %get3A_0 = memref.load %arg1[%get3A] : memref<39xi32, #tpu.memory_space<smem>>
    %c0_i32 = arith.constant 0 : i32
    %c0_i32_1 = arith.constant 0 : i32
    return %get3A_0, %c0_i32 : i32, i32
  }
  func.func @transform_3(%arg0: i32, %arg1: memref<39xi32, #tpu.memory_space<smem>>, %arg2: memref<80x2xi32, #tpu.memory_space<smem>>, %arg3: memref<80x9xf32, #tpu.memory_space<smem>>) -> (i32, i32) {
    %get3A = arith.index_cast %arg0 : i32 to index
    %get3A_0 = memref.load %arg1[%get3A] : memref<39xi32, #tpu.memory_space<smem>>
    %c0_i32 = arith.constant 0 : i32
    %c0_i32_1 = arith.constant 0 : i32
    return %get3A_0, %c0_i32 : i32, i32
  }
}

module attributes {stable_mosaic.version = 14 : i64} {
  func.func @_tc_pure_body(%arg0: i32, %arg1: memref<41xi32, #tpu.memory_space<smem>>, %arg2: memref<80x2xi32, #tpu.memory_space<smem>>, %arg3: memref<80x9xf32, #tpu.memory_space<smem>>, %arg4: memref<2000x128xf32, #tpu.memory_space<vmem>>, %arg5: memref<2000x128xf32, #tpu.memory_space<vmem>>) attributes {dimension_semantics = [#tpu.dimension_semantics<arbitrary>], iteration_bounds = array<i64: 41>, scalar_prefetch = 3 : i64, scratch_operands = 0 : i64, tpu.core_type = #tpu.core_type<tc>, window_params = [{transform_indices = @transform_0, window_bounds = array<i64: 2000, 128>}, {transform_indices = @transform_1, window_bounds = array<i64: 2000, 128>}]} {
    %get3A = arith.index_cast %arg0 : i32 to index
    %get3A_0 = memref.load %arg1[%get3A] : memref<41xi32, #tpu.memory_space<smem>>
    %iota3A = tpu.iota {dimensions = array<i32: 0>} : vector<2000x128xi32>
    %get3A_1 = arith.index_cast %get3A_0 : i32 to index
    %get3A_2 = arith.constant 0 : index
    %get3A_3 = memref.load %arg2[%get3A_1, %get3A_2] : memref<80x2xi32, #tpu.memory_space<smem>>
    %lt3A = vector.broadcast %get3A_3 : i32 to vector<2000x128xi32>
    %lt3A_4 = arith.cmpi slt, %iota3A, %lt3A : vector<2000x128xi32>
    %get3A_5 = arith.index_cast %get3A_0 : i32 to index
    %get3A_6 = arith.constant 1 : index
    %get3A_7 = memref.load %arg2[%get3A_5, %get3A_6] : memref<80x2xi32, #tpu.memory_space<smem>>
    %lt3A_8 = vector.broadcast %get3A_7 : i32 to vector<2000x128xi32>
    %lt3A_9 = arith.cmpi slt, %iota3A, %lt3A_8 : vector<2000x128xi32>
    %get3A_10 = arith.constant 0 : index
    %get3A_11 = arith.constant 0 : index
    %get3A_12 = vector.load %arg4[%get3A_10, %get3A_11] : memref<2000x128xf32, #tpu.memory_space<vmem>>, vector<2000x128xf32>
    %get3A_13 = arith.index_cast %get3A_0 : i32 to index
    %get3A_14 = arith.constant 2 : index
    %get3A_15 = memref.load %arg3[%get3A_13, %get3A_14] : memref<80x9xf32, #tpu.memory_space<smem>>
    %get3A_16 = arith.index_cast %get3A_0 : i32 to index
    %get3A_17 = arith.constant 1 : index
    %get3A_18 = memref.load %arg3[%get3A_16, %get3A_17] : memref<80x9xf32, #tpu.memory_space<smem>>
    %broadcast_in_dim3A = vector.broadcast %get3A_18 : f32 to vector<2000x128xf32>
    %broadcast_in_dim3A_19 = vector.broadcast %get3A_15 : f32 to vector<2000x128xf32>
    %select_n3A = arith.select %lt3A_9, %broadcast_in_dim3A, %broadcast_in_dim3A_19 : vector<2000x128xi1>, vector<2000x128xf32>
    %get3A_20 = arith.index_cast %get3A_0 : i32 to index
    %get3A_21 = arith.constant 0 : index
    %get3A_22 = memref.load %arg3[%get3A_20, %get3A_21] : memref<80x9xf32, #tpu.memory_space<smem>>
    %broadcast_in_dim3A_23 = vector.broadcast %get3A_22 : f32 to vector<2000x128xf32>
    %select_n3A_24 = arith.select %lt3A_4, %broadcast_in_dim3A_23, %select_n3A : vector<2000x128xi1>, vector<2000x128xf32>
    %mul3A = arith.mulf %select_n3A_24, %get3A_12 : vector<2000x128xf32>
    %get3A_25 = arith.index_cast %get3A_0 : i32 to index
    %get3A_26 = arith.constant 5 : index
    %get3A_27 = memref.load %arg3[%get3A_25, %get3A_26] : memref<80x9xf32, #tpu.memory_space<smem>>
    %get3A_28 = arith.index_cast %get3A_0 : i32 to index
    %get3A_29 = arith.constant 4 : index
    %get3A_30 = memref.load %arg3[%get3A_28, %get3A_29] : memref<80x9xf32, #tpu.memory_space<smem>>
    %broadcast_in_dim3A_31 = vector.broadcast %get3A_30 : f32 to vector<2000x128xf32>
    %broadcast_in_dim3A_32 = vector.broadcast %get3A_27 : f32 to vector<2000x128xf32>
    %select_n3A_33 = arith.select %lt3A_9, %broadcast_in_dim3A_31, %broadcast_in_dim3A_32 : vector<2000x128xi1>, vector<2000x128xf32>
    %get3A_34 = arith.index_cast %get3A_0 : i32 to index
    %get3A_35 = arith.constant 3 : index
    %get3A_36 = memref.load %arg3[%get3A_34, %get3A_35] : memref<80x9xf32, #tpu.memory_space<smem>>
    %broadcast_in_dim3A_37 = vector.broadcast %get3A_36 : f32 to vector<2000x128xf32>
    %select_n3A_38 = arith.select %lt3A_4, %broadcast_in_dim3A_37, %select_n3A_33 : vector<2000x128xi1>, vector<2000x128xf32>
    %mul3A_39 = arith.constant 3.000000e+00 : f32
    %mul3A_40 = vector.broadcast %mul3A_39 : f32 to vector<2000x128xf32>
    %mul3A_41 = arith.mulf %mul3A_40, %get3A_12 : vector<2000x128xf32>
    %tanh3A = math.tanh %mul3A_41 : vector<2000x128xf32>
    %mul3A_42 = arith.constant 0.333333343 : f32
    %mul3A_43 = vector.broadcast %mul3A_42 : f32 to vector<2000x128xf32>
    %mul3A_44 = arith.mulf %tanh3A, %mul3A_43 : vector<2000x128xf32>
    %mul3A_45 = arith.mulf %select_n3A_38, %mul3A_44 : vector<2000x128xf32>
    %add3A = arith.addf %mul3A, %mul3A_45 : vector<2000x128xf32>
    %swap3A = arith.constant 0 : index
    %swap3A_46 = arith.constant 0 : index
    %swap3A_47 = vector.load %arg5[%swap3A, %swap3A_46] : memref<2000x128xf32, #tpu.memory_space<vmem>>, vector<2000x128xf32>
    tpu.vector_store %arg5[%swap3A, %swap3A_46], %add3A {strides = array<i32>} : memref<2000x128xf32, #tpu.memory_space<vmem>>, vector<2000x128xf32>,
    return
  }
  func.func @transform_0(%arg0: i32, %arg1: memref<41xi32, #tpu.memory_space<smem>>, %arg2: memref<80x2xi32, #tpu.memory_space<smem>>, %arg3: memref<80x9xf32, #tpu.memory_space<smem>>) -> (i32, i32) {
    %get3A = arith.index_cast %arg0 : i32 to index
    %get3A_0 = memref.load %arg1[%get3A] : memref<41xi32, #tpu.memory_space<smem>>
    %c0_i32 = arith.constant 0 : i32
    %c0_i32_1 = arith.constant 0 : i32
    return %get3A_0, %c0_i32 : i32, i32
  }
  func.func @transform_1(%arg0: i32, %arg1: memref<41xi32, #tpu.memory_space<smem>>, %arg2: memref<80x2xi32, #tpu.memory_space<smem>>, %arg3: memref<80x9xf32, #tpu.memory_space<smem>>) -> (i32, i32) {
    %get3A = arith.index_cast %arg0 : i32 to index
    %get3A_0 = memref.load %arg1[%get3A] : memref<41xi32, #tpu.memory_space<smem>>
    %c0_i32 = arith.constant 0 : i32
    %c0_i32_1 = arith.constant 0 : i32
    return %get3A_0, %c0_i32 : i32, i32
  }
}

</mosaic_0001>

<sc_bundles>
// kernel: kernel.5.cloned.1.call-start
scs
__scs_entry_jumppad:
0x0: {  	(pc) =	sbr.rel $0x88, $3  }
0x1: {  	(tag) =	ssettag $0x0;
	lr =	simm.s32 $0x1  }
0x2: {  	[smem:$0x3FA0] =	sst lr;
	_ =	strace $0xD0000000  }
0x3: {  	_ = 	snop  }
0x4: {  	_ = 	snop  }
0x5: {  	_ = 	snop  }
0x6: {  	_ = 	snop  }
0x7: {  	_ = 	snop  }
__scs_overlays_trampoline_lowered:
0x8: {  	[smem:$0x3FAF] =	sst s0  }
0x9: {  	[smem:$0x3FB0] =	sst s1  }
0xa: {  	[smem:$0x3FB1] =	sst s2  }
0xb: {  	[smem:$0x3FB2] =	sst s3  }
0xc: {  	[smem:$0x3FB3] =	sst s4  }
0xd: {  	[smem:$0x3FB4] =	sst s5  }
0xe: {  	[smem:$0x3FB5] =	sst s6  }
0xf: {  	[smem:$0x3FB6] =	sst s7  }
0x10: {  	[smem:$0x3FB7] =	sst s8  }
0x11: {  	[smem:$0x3FB8] =	sst s9;
	s0 =	simm.s32 @!p0 $0x0  }
0x12: {  	s1 =	sld [smem:$0x3F9E];
	s0 =	simm.s32 @p0 $0x1  }
0x13: {  	[smem:$0x3FB9] =	sst s0;
	s0 =	simm.s32 @!p1 $0x0  }
0x14: {  	s2 =	sld [smem:$0x3F9D];
	s0 =	simm.s32 @p1 $0x1  }
0x15: {  	[smem:$0x3FBA] =	sst s0;
	s0 =	simm.s32 @!p2 $0x0  }
0x16: {  	s3 =	sld [smem:$0x3FDB];
	s0 =	simm.s32 @p2 $0x1  }
0x17: {  	s4 =	simm.s32 $0x1BF5;
	[smem:$0x3FBC] =	sst s0  }
0x18: {  	s0 =	sld [smem:$0x3F9F];
	_ =	swait.ge [sflag:s4], $0x0  }
0x19: {  	s7 =	sld [smem:$0x3FA0]  }
0x1a: {  	s8 =	sadd.s32 $0xFFFFE003, lr  }
0x1b: {  	s9 =	sadd.s32 $0xFFFFFEF7, lr;
	s5 =	simm.s32 $0xFFFFFFFF;
	p2 =	slt.u32 s8, $0xFFFFF086  }
0x1c: {  	p1 =	slt.u32 s9, $0xF7A;
	s5 =	simm.s32 @!p2 $0x0  }
0x1d: {  	s5 =	simm.s32 @p1 $0x1;
	p0 =	seq.s32 s7, s2  }
0x1e: {  	s7 =	smul.u32 @!p0 $0xF7A, s2;
	p2 =	seq.s32 @!p0 s5, $0x0  }
0x1f: {  	s9 =	smul.u32 $0xF7A, s1;
	s8 =	simm.s32 @!p0 $0x1BF5;
	p2 =	por !p2, p0  }
0x20: {  	[sflag:s8] =	ssyncset.s32 @!p0 $0xFFFFF086;
	s6 =	sadd.s32 @!p0 s3, s7;
	s7 =	simm.s32 @!p0 $0x108  }
0x21: {  	s3 =	sadd.s32 s3, s9;
	s6 =	sadd.s32 @!p0 $0x88, s6;
	s7 =	simm.s32 @p2 $0x1082  }
0x22: {  	[simem:s7], [sflag:s8] =	dma.local @!p0 [hbm:s6], $0xF7A  }
0x23: {  	s9 =	sor.u32 $0xD0000000, s2;
	s6 =	simm.s32 $0x108;
	_ =	swait.ge @!p0 [sflag:s8], $0x0  }
0x24: {  	s3 =	sadd.s32 $0x88, s3;
	s6 =	simm.s32 @!p1 $0x1082;
	[sflag:s4] =	ssyncset.s32 $0xFFFFF086  }
0x25: {  	[simem:s6], [sflag:s4] =	dma.local [hbm:s3], $0xF7A  }
0x26: {  	[smem:$0x3FA0] =	sst s1;
	(tag) =	ssettag s2;
	_ =	strace s9  }
0x27: {  	s1 =	sld [smem:$0x3FB0]  }
0x28: {  	s2 =	sld [smem:$0x3FB1]  }
0x29: {  	s4 =	sld [smem:$0x3FB3]  }
0x2a: {  	p0 =	seq.s32 s5, $0x0;
	s5 =	sld [smem:$0x3FB4]  }
0x2b: {  	s6 =	sld [smem:$0x3FB5]  }
0x2c: {  	s7 =	sld [smem:$0x3FB6]  }
0x2d: {  	s3 =	simm.s32 $0x108;
	s8 =	sld [smem:$0x3FB7]  }
0x2e: {  	s3 =	simm.s32 @!p0 $0x1082;
	s9 =	sld [smem:$0x3FB8]  }
0x2f: {  	lr =	sadd.s32 s0, s3;
	s0 =	sld [smem:$0x3FAF]  }
0x30: {  	s3 =	sld [smem:$0x3FB2]  }
0x31: {  	[smem:$0x3FBB] =	sst s10  }
0x32: {  	s10 =	sld [smem:$0x3FB9];
	_ =	sdelay $0x3  }
0x33: {  	p0 =	seq.s32 s10, $0x1;
	s10 =	sld [smem:$0x3FBB];
	_ =	sdelay $0x3  }
0x34: {  	[smem:$0x3FBB] =	sst s10  }
0x35: {  	s10 =	sld [smem:$0x3FBA];
	_ =	sdelay $0x3  }
0x36: {  	p1 =	seq.s32 s10, $0x1;
	s10 =	sld [smem:$0x3FBB];
	_ =	sdelay $0x3  }
0x37: {  	[smem:$0x3FBB] =	sst s10  }
0x38: {  	s10 =	sld [smem:$0x3FBC]  }
0x39: {  	_ = 	snop;
	(pc) =	sbr.ind lr, $3  }
0x3a: {  	_ = 	snop  }
0x3b: {  	_ = 	snop  }
0x3c: {  	p2 =	seq.s32 s10, $0x1;
	s10 =	sld [smem:$0x3FBB]  }
0x3d: {  	_ =	shalt  }
0x3e: {  	_ =	shalt  }
0x3f: {  	_ =	shalt  }
0x40: {  	_ =	shalt  }
0x41: {  	_ =	shalt  }
0x42: {  	_ =	shalt  }
0x43: {  	_ =	shalt  }
0x44: {  	_ =	shalt  }
0x45: {  	_ =	shalt  }
0x46: {  	_ =	shalt  }
0x47: {  	_ =	shalt  }
0x48: {  	_ =	shalt  }
0x49: {  	_ =	shalt  }
0x4a: {  	_ =	shalt  }
0x4b: {  	_ =	shalt  }
0x4c: {  	_ =	shalt  }
0x4d: {  	_ =	shalt  }
0x4e: {  	_ =	shalt  }
0x4f: {  	_ =	shalt  }
0x50: {  	_ =	shalt  }
0x51: {  	_ =	shalt  }
0x52: {  	_ =	shalt  }
0x53: {  	_ =	shalt  }
0x54: {  	_ =	shalt  }
0x55: {  	_ =	shalt  }
0x56: {  	_ =	shalt  }
0x57: {  	_ =	shalt  }
0x58: {  	_ =	shalt  }
0x59: {  	_ =	shalt  }
0x5a: {  	_ =	shalt  }
0x5b: {  	_ =	shalt  }
0x5c: {  	_ =	shalt  }
0x5d: {  	_ =	shalt  }
0x5e: {  	_ =	shalt  }
0x5f: {  	_ =	shalt  }
0x60: {  	_ =	shalt  }
0x61: {  	_ =	shalt  }
0x62: {  	_ =	shalt  }
0x63: {  	_ =	shalt  }
0x64: {  	_ =	shalt  }
0x65: {  	_ =	shalt  }
0x66: {  	_ =	shalt  }
0x67: {  	_ =	shalt  }
0x68: {  	_ =	shalt  }
0x69: {  	_ =	shalt  }
0x6a: {  	_ =	shalt  }
0x6b: {  	_ =	shalt  }
0x6c: {  	_ =	shalt  }
0x6d: {  	_ =	shalt  }
0x6e: {  	_ =	shalt  }
0x6f: {  	_ =	shalt  }
0x70: {  	_ =	shalt  }
0x71: {  	_ =	shalt  }
0x72: {  	_ =	shalt  }
0x73: {  	_ =	shalt  }
0x74: {  	_ =	shalt  }
0x75: {  	_ =	shalt  }
0x76: {  	_ =	shalt  }
0x77: {  	_ =	shalt  }
0x78: {  	_ =	shalt  }
0x79: {  	_ =	shalt  }
0x7a: {  	_ =	shalt  }
0x7b: {  	_ =	shalt  }
0x7c: {  	_ =	shalt  }
0x7d: {  	_ =	shalt  }
0x7e: {  	_ =	shalt  }
0x7f: {  	_ =	shalt  }
0x80: {  	_ =	shalt  }
0x81: {  	_ =	shalt  }
0x82: {  	_ =	shalt  }
0x83: {  	_ =	shalt  }
0x84: {  	_ =	shalt  }
0x85: {  	_ =	shalt  }
0x86: {  	_ =	shalt  }
0x87: {  	_ =	shalt  }
.Lfunc_end0:
.L_simem_size_0:
called_computation_lowered:
.L_overlay_start_0:
0x88: {  	s2 =	sld [smem:$0x3FD9]  }
0x89: {  	s3 =	sld [smem:$0x3FFE];
	_ =	sdelay $0x1  }
0x8a: {  	s1 =	srdreg.scid  }
0x8b: {  	s0 =	sand.u32 $0x1, s1  }
0x8c: {  	s17 =	sshll.u32 s0, $0xA;
	s2 =	sadd.s32 s3, s2  }
0x8d: {  	s2 =	sadd.s32 s2, s17  }
0x8e: {  	[smem:$0x3FC7] =	sst s2  }
0x8f: {  	_ = 	snop  }
0x90: {  	s2 =	sld [smem:$0x3FC9];
	(tm) =	ssettm $0x1  }
0x91: {  	s18 =	sld [smem:$0x3FFB];
	_ =	sdelay $0x3  }
0x92: {  	_ =	strace s18  }
0x93: {  	s3 =	sld [smem:$0x3FFC];
	_ =	sdelay $0x3  }
0x94: {  	_ =	strace s3  }
0x95: {  	s3 =	sld [smem:$0x3FFD];
	_ =	sdelay $0x3  }
0x96: {  	_ =	strace s3  }
0x97: {  	_ =	strace $0x8FFFFFFF  }
0x98: {  	s19 =	sld [smem:$0x3FDB];
	_ =	sdelay $0x1  }
0x99: {  	s4 =	simm.s32 $_scs_section_size  }
0x9a: {  	s5 =	simm.s32 $_size__tile_overlayer_lowered;
	s6 =	simm.s32 $_tile_overlayer_lowered  }
0x9b: {  	s22 =	simm.s32 $0x1BFF;
	s21 =	sshll.u32 s6, $0x1;
	s3 =	sadd.s32 s4, s19  }
0x9c: {  	s7 =	simm.s32 $0x0;
	s20 =	sshll.u32 s5, $0x1;
	s5 =	sadd.s32 s21, s3  }
0x9d: {  	[timem:s7], [sflag:s22] =	dma.local [hbm:s5], s20  }
0x9e: {  	_ =	swait.ge [sflag:s22], s20  }
0x9f: {  	s4 =	ssub.s32 $0x0, s20;
	[sflag:s22] =	ssyncset.done $0x0  }
0xa0: {  	[sflag:s22] =	ssyncadd.s32 s4;
	_ =	sdelay $0x1  }
0xa1: {  	s23 =	simm.s32 $0x1B8B  }
0xa2: {  	_ =	swait.ge [sflag:s23], $0x1  }
0xa3: {  	[sflag:s23] =	ssyncset.done $0x0  }
0xa4: {  	s25 =	simm.s32 $0x1B8E;
	s24 =	sld [smem:$0x3FFE];
	[sflag:s23] =	ssyncadd.s32 $0xFFFFFFFF  }
0xa5: {  	s26 =	simm.s32 $execute0_lowered;
	[smem:$0x3FD2] =	sst s25  }
0xa6: {  	s5 =	sshll.u32 s26, $0x1;
	_ =	strace $0x80000046;
	[dreg:$0x1] =	wrdreg $0xFFFFFFFF  }
0xa7: {  	s28 =	simm.s32 $_size_execute0_lowered;
	s3 =	sadd.s32 s3, s5;
	[dreg:$0x0] =	wrdreg $0x0  }
0xa8: {  	s5 =	sshll.u32 s28, $0x1;
	[dreg:$0x2] =	wrdreg s3  }
0xa9: {  	[dreg:$0x3] =	wrdreg s5  }
0xaa: {  	[dreg:$0x4] =	wrdreg $0xC0  }
0xab: {  	_ =	task [dreg:s7], $0x5FFFF  }
0xac: {  	[dreg:$0x1] =	wrdreg $0xFFFFFFFF  }
0xad: {  	[dreg:$0x0] =	wrdreg $0x60  }
0xae: {  	[dreg:$0x2] =	wrdreg s2  }
0xaf: {  	[dreg:$0x3] =	wrdreg s24  }
0xb0: {  	[dreg:$0x4] =	wrdreg $0x9  }
0xb1: {  	_ =	task.clear_ibuf [dreg:s7], $0x5FFFF;
	_ =	strace $0x90000046  }
0xb2: {  	s29 =	simm.s32 $0x9;
	_ =	strace $0x80000048  }
0xb3: {  	_ =	swait.ge [sflag:s29], $0x1  }
0xb4: {  	[sflag:s29] =	ssyncadd.s32 $0xFFFFFFFF  }
0xb5: {  	_ =	strace $0x90000048  }
0xb6: {  	_ =	sfence  }
0xb7: {  	s30 =	sld [smem:$0x0];
	_ =	sdelay $0x2  }
0xb8: {  	s31 =	sshll.u32 s1, $0xD;
	s1 =	sshrl.u32 s1, $0x2  }
0xb9: {  	s3 =	sand.u32 $0x4000, s31;
	s1 =	sadd.s32 s1, s30  }
0xba: {  	s0 =	sor.u32 s3, s0;
	s1 =	sshll.u32 s1, $0x11  }
0xbb: {  	s0 =	sor.u32 s1, s0  }
0xbc: {  	s0 =	sadd.s32 $0x8F2B, s0  }
0xbd: {  	[sflag:s0] =	ssyncadd.remote.s32 $0x1  }
0xbe: {  	_ =	sfence.sel $0xFFFF  }
0xbf: {  	[dreg:$0x0] =	wrdreg $0xFFFFFFFF;
	(pc) =	sbr.abs _section_cstart, $3  }
0xc0: {  	[dreg:$0x1] =	wrdreg $0xFFFFFFFF  }
0xc1: {  	_ =	task.clear_ibuf [dreg:s7], $0x2FFFF;
	_ =	strace $0x9FFFFFFF  }
0xc2: {  	(tm) =	ssettm $0x7FFFFFFF  }
0xc3: {  	_ =	shalt  }
tec
execute0_lowered:
.L_overlay_start_1:
0x0: {  	(tag) =	ssettag $0x1  }
0x1: {  	s1 =	srdreg.scid;
	s0 =	stileid.u32  }
0x2: {  	s9 =	sand.u32 $0x1, s1;
	s4 =	sshll.u32 s0, $0x1  }
0x3: {  	s4 =	sor.u32 s9, s4  }
0x4: {  	p0 =	seq.s32 s4, $0x1F  }
.Ltmp0:
0x5: {  	_ = 	snop;
	(pc) =	sbr.rel @p0 .LBB2_13-.Ltmp0, $4  }
0x6: {  	s11 =	rddreg [dreg:$0x0]  }
0x7: {  	s3 =	rddreg [dreg:$0x1];
	s2 =	simm.s32 $0x0  }
0x8: {  	[smem:$0x7FF] =	sst s2  }
0x9: {  	s1 =	rddreg [dreg:$0x2];
	_ =	strace $0x80000047  }
0xa: {  	p0 =	seq.s32 s4, $0x1;
	s5 =	simm.s32 $0x298100  }
0xb: {  	s5 =	simm.s32 @!p0 $0x111700;
	p0 =	seq.s32 s4, $0x2  }
0xc: {  	s5 =	simm.s32 @p0 $0x334500;
	p0 =	seq.s32 s4, $0x3  }
0xd: {  	s5 =	simm.s32 @p0 $0x35B600;
	p0 =	seq.s32 s4, $0x4  }
0xe: {  	s5 =	simm.s32 @p0 $0x3A9800;
	p0 =	seq.s32 s4, $0x5  }
0xf: {  	s5 =	simm.s32 @p0 $0x41EB00;
	p0 =	seq.s32 s4, $0x6  }
0x10: {  	s5 =	simm.s32 @p0 $0x493E00;
	p0 =	seq.s32 s4, $0x7  }
0x11: {  	s5 =	simm.s32 @p0 $0x4BAF00;
	p0 =	seq.s32 s4, $0x8  }
0x12: {  	s5 =	simm.s32 @p0 $0x57E400;
	p0 =	seq.s32 s4, $0x9  }
0x13: {  	s5 =	simm.s32 @p0 $0x5CC600;
	p0 =	seq.s32 s4, $0xA  }
0x14: {  	s5 =	simm.s32 @p0 $0x5F3700;
	p0 =	seq.s32 s4, $0xB  }
0x15: {  	s5 =	simm.s32 @p0 $0x61A800;
	p0 =	seq.s32 s4, $0xC  }
0x16: {  	s5 =	simm.s32 @p0 $0x668A00;
	p0 =	seq.s32 s4, $0xD  }
0x17: {  	s5 =	simm.s32 @p0 $0x72BF00;
	p0 =	seq.s32 s4, $0xE  }
0x18: {  	s5 =	simm.s32 @p0 $0x864700;
	p0 =	seq.s32 s4, $0xF  }
0x19: {  	s5 =	simm.s32 @p0 $0xA39300;
	p0 =	seq.s32 s4, $0x10  }
0x1a: {  	s5 =	simm.s32 @p0 $0xAD5700;
	p0 =	seq.s32 s4, $0x11  }
0x1b: {  	s5 =	simm.s32 @p0 $0xB4AA00;
	p0 =	seq.s32 s4, $0x12  }
0x1c: {  	s5 =	simm.s32 @p0 $0xC0DF00;
	p0 =	seq.s32 s4, $0x13  }
0x1d: {  	s5 =	simm.s32 @p0 $0xC35000;
	p0 =	seq.s32 s4, $0x14  }
0x1e: {  	s5 =	simm.s32 @p0 $0xCAA300;
	p0 =	seq.s32 s4, $0x15  }
0x1f: {  	s5 =	simm.s32 @p0 $0xCF8500;
	p0 =	seq.s32 s4, $0x16  }
0x20: {  	s5 =	simm.s32 @p0 $0xD94900;
	p0 =	seq.s32 s4, $0x17  }
0x21: {  	s5 =	simm.s32 @p0 $0xEA6000;
	p0 =	seq.s32 s4, $0x18  }
0x22: {  	s13 =	sadd.s32 $0xC00, s3;
	s5 =	simm.s32 @p0 $0xECD100;
	p0 =	seq.s32 s4, $0x19  }
0x23: {  	s3 =	sadd.s32 $0x3FEA, s0;
	s5 =	simm.s32 @p0 $0xF1B300;
	p0 =	seq.s32 s4, $0x1A  }
0x24: {  	s18 =	ssub.s32 $0x2, s9;
	s5 =	simm.s32 @p0 $0x1053B00;
	p0 =	seq.s32 s4, $0x1B  }
0x25: {  	s19 =	simm.s32 $0x4;
	s5 =	simm.s32 @p0 $0x1117000;
	p0 =	seq.s32 s4, $0x1C  }
0x26: {  	s20 =	simm.s32 $0x3;
	s5 =	simm.s32 @p0 $0x118C300;
	p0 =	seq.s32 s4, $0x1D  }
0x27: {  	s21 =	simm.s32 $0x5;
	s5 =	simm.s32 @p0 $0x1276900;
	p0 =	seq.s32 s4, $0x1E  }
0x28: {  	s22 =	simm.s32 $0x6;
	s30 =	sshrl.u32 s18, $0x1;
	s5 =	simm.s32 @p0 $0x1312D00  }
0x29: {  	s23 =	simm.s32 $0x0;
	s31 =	ssub.s32 s18, s30;
	s14 =	sshrl.u32 s5, $0x3  }
0x2a: {  	s18 =	simm.s32 $0x2;
	s15 =	sand.u32 $0x7, s5;
	s12 =	sadd.s32 $0xFA0, s14  }
0x2b: {  	s4 =	sadd.s32 s11, s14;
	s16 =	sadd.s32 $0x3E80, s14;
	s10 =	sadd.s32 $0x1F40, s14  }
0x2c: {  	s17 =	sadd.s32 $0x2EE0, s14;
	p0 =	seq.s32 s15, $0x0;
	s15 =	simm.s32 $0x7D00  }
0x2d: {  	v0 =	vlaneseq.u32;
	s5 =	sadd.s32 s11, s12;
	s6 =	sadd.s32 s13, s16;
	s7 =	sadd.s32 s11, s10  }
0x2e: {  	v0 =	vmul.u32 $0xFFFFFFFF, v0;
	s8 =	sadd.s32 s13, s17;
	s9 =	sadd.s32 s11, s17;
	s10 =	sadd.s32 s13, s10  }
0x2f: {  	s11 =	sadd.s32 s11, s16;
	s12 =	sadd.s32 s13, s12;
	s13 =	sadd.s32 s13, s14  }
0x30: {  	v0 =	vadd.s32 $0xF, v0;
	s14 =	smax.u32 s31, $0x1;
	s16 =	simm.s32 $0x1;
	s17 =	simm.s32 $0xFA00  }
.LBB2_2:
0x31: {  	s24 =	sld [smem:$0x7FF];
	_ =	sdelay $0x2  }
0x32: {  	p1 =	sne.s32 @!p0 s24, $0x1  }
0x33: {  	p1 =	por !p1, p0  }
0x34: {  	s24 =	sor.u32 @!p1 $0x100000, s3  }
0x35: {  	[smem:s24], [sflag:$0x0] =	smem.add.s32 @!p1 $0xAA;
	s24 =	simm.s32 @!p1 $0x0  }
0x36: {  	s25 =	simm.s32 @!p1 $0x1;
	_ =	swait.done @!p1 [sflag:s24]  }
0x37: {  	[smem:$0x7FF] =	sst @!p1 s25  }
0x38: {  	_ =	sint @!p1 $0x2  }
0x39: {  	_ =	swait.notdone @!p1 [sflag:s24]  }
0x3a: {  	s24 =	sld [smem:$0x7FF];
	_ =	sdelay $0x1  }
0x3b: {  	[tilespmem:s2], [sflag:$0x1] =	stream.linear.gather [hbm4b:s4+s2], $0x7D00, $0x38;
	[tilespmem:$0x17700] =	vst v63  }
0x3c: {  	p1 =	sne.s32 @!p0 s24, $0x1  }
0x3d: {  	p1 =	por !p1, p0  }
0x3e: {  	s24 =	sor.u32 @!p1 $0x100000, s3  }
0x3f: {  	[smem:s24], [sflag:$0x0] =	smem.add.s32 @!p1 $0xAA;
	s24 =	simm.s32 @!p1 $0x0  }
0x40: {  	s25 =	simm.s32 @!p1 $0x1;
	_ =	swait.done @!p1 [sflag:s24]  }
0x41: {  	[smem:$0x7FF] =	sst @!p1 s25  }
0x42: {  	_ =	sint @!p1 $0x2  }
0x43: {  	s30 =	simm.s32 $0x0;
	_ =	swait.notdone @!p1 [sflag:s24]  }
0x44: {  	[tilespmem:s15], [sflag:$0x2] =	stream.linear.gather [hbm4b:s5+s30], $0x7D00, $0x38;
	[tilespmem:$0x17700] =	vst v63  }
0x45: {  	_ =	swait.ge [sflag:s16], $0x7D00  }
0x46: {  	[sflag:s16] =	ssyncset.done $0x0  }
0x47: {  	s25 =	simm.s32 $0x0;
	[sflag:s16] =	ssyncadd.s32 $0xFFFF8300  }
0x48: {  	s30 =	simm.s32 $0x40;
	v1 =	vld [tilespmem:s25+$0x7CF0]  }
0x49: {  	v2 =	vld [tilespmem:s30+$0xFFFFFFC0];
	_ =	sdelay $0x3  }
0x4a: {  	v1 =	vperm.xlane v1, v0  }
0x4b: {  	v2 =	vperm.xlane v2, v0  }
0x4c: {  	[tilespmem:s30+$0xFFFFFFC0] =	vst v1  }
0x4d: {  	[tilespmem:s25+$0x7CF0] =	vst v2;
	v1 =	vld [tilespmem:s25+$0x7CE0]  }
0x4e: {  	v2 =	vld [tilespmem:s30+$0xFFFFFFD0];
	_ =	sdelay $0x3  }
0x4f: {  	v1 =	vperm.xlane v1, v0  }
0x50: {  	v2 =	vperm.xlane v2, v0  }
0x51: {  	[tilespmem:s30+$0xFFFFFFD0] =	vst v1  }
0x52: {  	[tilespmem:s25+$0x7CE0] =	vst v2;
	v1 =	vld [tilespmem:s25+$0x7CD0]  }
0x53: {  	v2 =	vld [tilespmem:s30+$0xFFFFFFE0];
	_ =	sdelay $0x3  }
0x54: {  	v1 =	vperm.xlane v1, v0  }
0x55: {  	v2 =	vperm.xlane v2, v0  }
0x56: {  	[tilespmem:s30+$0xFFFFFFE0] =	vst v1  }
0x57: {  	[tilespmem:s25+$0x7CD0] =	vst v2;
	v1 =	vld [tilespmem:s25+$0x7CC0]  }
0x58: {  	v2 =	vld [tilespmem:s30+$0xFFFFFFF0];
	_ =	sdelay $0x3  }
0x59: {  	v1 =	vperm.xlane v1, v0  }
0x5a: {  	v2 =	vperm.xlane v2, v0  }
0x5b: {  	[tilespmem:s30+$0xFFFFFFF0] =	vst v1  }
0x5c: {  	[tilespmem:s25+$0x7CC0] =	vst v2;
	v1 =	vld [tilespmem:s25+$0x7CB0]  }
0x5d: {  	v2 =	vld [tilespmem:s30+$0x0];
	_ =	sdelay $0x3  }
0x5e: {  	v1 =	vperm.xlane v1, v0  }
0x5f: {  	v2 =	vperm.xlane v2, v0  }
0x60: {  	[tilespmem:s30+$0x0] =	vst v1  }
0x61: {  	[tilespmem:s25+$0x7CB0] =	vst v2;
	v1 =	vld [tilespmem:s25+$0x7CA0]  }
0x62: {  	v2 =	vld [tilespmem:s30+$0x10];
	_ =	sdelay $0x3  }
0x63: {  	v1 =	vperm.xlane v1, v0  }
0x64: {  	v2 =	vperm.xlane v2, v0  }
0x65: {  	[tilespmem:s30+$0x10] =	vst v1  }
0x66: {  	[tilespmem:s25+$0x7CA0] =	vst v2;
	v1 =	vld [tilespmem:s25+$0x7C90]  }
0x67: {  	v2 =	vld [tilespmem:s30+$0x20];
	_ =	sdelay $0x3  }
0x68: {  	v1 =	vperm.xlane v1, v0  }
0x69: {  	v2 =	vperm.xlane v2, v0  }
0x6a: {  	[tilespmem:s30+$0x20] =	vst v1  }
0x6b: {  	[tilespmem:s25+$0x7C90] =	vst v2;
	v1 =	vld [tilespmem:s25+$0x7C80]  }
0x6c: {  	v2 =	vld [tilespmem:s30+$0x30];
	_ =	sdelay $0x3  }
0x6d: {  	v3 =	vperm.xlane v1, v0  }
0x6e: {  	s26 =	simm.s32 $0x8;
	s28 =	simm.s32 $0xFFFFFE00;
	v1 =	vperm.xlane v2, v0  }
0x6f: {  	s31 =	simm.s32 $0xFFFFFF80;
	s29 =	simm.s32 $0x500;
	s24 =	simm.s32 $0xC0;
	[tilespmem:s30+$0x30] =	vst v3  }
.LBB2_3:
0x70: {  	s30 =	sshra.s32 s29, $0x2;
	s26 =	sadd.s32 $0x8, s26;
	v2 =	vld [tilespmem:s31+$0x7CF0];
	[tilespmem:s25+$0x7C80] =	vst v1;
	s25 =	smov.u32 s31  }
0x71: {  	p1 =	slt.u32 s26, $0x3E0;
	v1 =	vld [tilespmem:s24+$0xFFFFFFC0];
	_ =	sdelay $0x3  }
0x72: {  	v2 =	vperm.xlane v2, v0  }
0x73: {  	v1 =	vperm.xlane v1, v0  }
0x74: {  	[tilespmem:s24+$0xFFFFFFC0] =	vst v2  }
0x75: {  	[tilespmem:s25+$0x7CF0] =	vst v1;
	v1 =	vld [tilespmem:s25+$0x7CE0]  }
0x76: {  	v2 =	vld [tilespmem:s24+$0xFFFFFFD0];
	_ =	sdelay $0x3  }
0x77: {  	v1 =	vperm.xlane v1, v0  }
0x78: {  	v2 =	vperm.xlane v2, v0  }
0x79: {  	[tilespmem:s24+$0xFFFFFFD0] =	vst v1  }
0x7a: {  	[tilespmem:s25+$0x7CE0] =	vst v2;
	v1 =	vld [tilespmem:s25+$0x7CD0]  }
0x7b: {  	v2 =	vld [tilespmem:s24+$0xFFFFFFE0];
	_ =	sdelay $0x3  }
0x7c: {  	v1 =	vperm.xlane v1, v0  }
0x7d: {  	v2 =	vperm.xlane v2, v0  }
0x7e: {  	[tilespmem:s24+$0xFFFFFFE0] =	vst v1  }
0x7f: {  	[tilespmem:s25+$0x7CD0] =	vst v2;
	v1 =	vld [tilespmem:s25+$0x7CC0]  }
0x80: {  	v2 =	vld [tilespmem:s24+$0xFFFFFFF0];
	_ =	sdelay $0x3  }
0x81: {  	v1 =	vperm.xlane v1, v0  }
0x82: {  	v2 =	vperm.xlane v2, v0  }
0x83: {  	[tilespmem:s24+$0xFFFFFFF0] =	vst v1  }
0x84: {  	[tilespmem:s25+$0x7CC0] =	vst v2;
	v1 =	vld [tilespmem:s25+$0x7CB0]  }
0x85: {  	v2 =	vld [tilespmem:s24+$0x0];
	_ =	sdelay $0x3  }
0x86: {  	v1 =	vperm.xlane v1, v0  }
0x87: {  	v2 =	vperm.xlane v2, v0  }
0x88: {  	[tilespmem:s24+$0x0] =	vst v1  }
0x89: {  	[tilespmem:s25+$0x7CB0] =	vst v2;
	v1 =	vld [tilespmem:s25+$0x7CA0]  }
0x8a: {  	v2 =	vld [tilespmem:s24+$0x10];
	_ =	sdelay $0x3  }
0x8b: {  	v1 =	vperm.xlane v1, v0  }
0x8c: {  	v2 =	vperm.xlane v2, v0  }
0x8d: {  	[tilespmem:s24+$0x10] =	vst v1  }
0x8e: {  	[tilespmem:s25+$0x7CA0] =	vst v2;
	v1 =	vld [tilespmem:s25+$0x7C90]  }
0x8f: {  	v2 =	vld [tilespmem:s24+$0x20];
	_ =	sdelay $0x3  }
0x90: {  	v1 =	vperm.xlane v1, v0  }
0x91: {  	v2 =	vperm.xlane v2, v0  }
0x92: {  	[tilespmem:s24+$0x20] =	vst v1  }
0x93: {  	[tilespmem:s25+$0x7C90] =	vst v2;
	v1 =	vld [tilespmem:s25+$0x7C80]  }
0x94: {  	v2 =	vld [tilespmem:s24+$0x30];
	_ =	sdelay $0x1  }
.Ltmp1:
0x95: {  	(pc) =	sbr.rel @p1 .LBB2_3-.Ltmp1, $4  }
0x96: {  	_ = 	snop  }
0x97: {  	v3 =	vperm.xlane v1, v0  }
0x98: {  	s28 =	sadd.s32 $0xFFFFFE00, s28;
	v1 =	vperm.xlane v2, v0  }
0x99: {  	s29 =	sadd.s32 $0x200, s29;
	s31 =	sshra.s32 s28, $0x2;
	[tilespmem:s24+$0x30] =	vst v3;
	s24 =	smov.u32 s30  }
0x9a: {  	v2 =	vld [tilespmem:s31+$0x7CF0];
	[tilespmem:s25+$0x7C80] =	vst v1  }
0x9b: {  	v1 =	vld [tilespmem:s24+$0xFFFFFFC0];
	_ =	sdelay $0x3  }
0x9c: {  	v2 =	vperm.xlane v2, v0  }
0x9d: {  	v1 =	vperm.xlane v1, v0  }
0x9e: {  	[tilespmem:s24+$0xFFFFFFC0] =	vst v2  }
0x9f: {  	[tilespmem:s31+$0x7CF0] =	vst v1;
	v1 =	vld [tilespmem:s31+$0x7CE0]  }
0xa0: {  	v2 =	vld [tilespmem:s24+$0xFFFFFFD0];
	_ =	sdelay $0x3  }
0xa1: {  	v1 =	vperm.xlane v1, v0  }
0xa2: {  	v2 =	vperm.xlane v2, v0  }
0xa3: {  	[tilespmem:s24+$0xFFFFFFD0] =	vst v1  }
0xa4: {  	[tilespmem:s31+$0x7CE0] =	vst v2;
	v1 =	vld [tilespmem:s31+$0x7CD0]  }
0xa5: {  	v2 =	vld [tilespmem:s24+$0xFFFFFFE0];
	_ =	sdelay $0x3  }
0xa6: {  	v1 =	vperm.xlane v1, v0  }
0xa7: {  	v2 =	vperm.xlane v2, v0  }
0xa8: {  	[tilespmem:s24+$0xFFFFFFE0] =	vst v1  }
0xa9: {  	[tilespmem:s31+$0x7CD0] =	vst v2;
	v1 =	vld [tilespmem:s31+$0x7CC0]  }
0xaa: {  	v2 =	vld [tilespmem:s24+$0xFFFFFFF0];
	_ =	sdelay $0x3  }
0xab: {  	v1 =	vperm.xlane v1, v0  }
0xac: {  	v2 =	vperm.xlane v2, v0  }
0xad: {  	[tilespmem:s24+$0xFFFFFFF0] =	vst v1  }
0xae: {  	[tilespmem:s31+$0x7CC0] =	vst v2;
	v1 =	vld [tilespmem:s31+$0x7CB0]  }
0xaf: {  	v2 =	vld [tilespmem:s24+$0x0];
	_ =	sdelay $0x3  }
0xb0: {  	v1 =	vperm.xlane v1, v0  }
0xb1: {  	v2 =	vperm.xlane v2, v0  }
0xb2: {  	[tilespmem:s24+$0x0] =	vst v1  }
0xb3: {  	[tilespmem:s31+$0x7CB0] =	vst v2;
	v1 =	vld [tilespmem:s31+$0x7CA0]  }
0xb4: {  	v2 =	vld [tilespmem:s24+$0x10];
	_ =	sdelay $0x3  }
0xb5: {  	v1 =	vperm.xlane v1, v0  }
0xb6: {  	v2 =	vperm.xlane v2, v0  }
0xb7: {  	[tilespmem:s24+$0x10] =	vst v1  }
0xb8: {  	[tilespmem:s31+$0x7CA0] =	vst v2;
	v1 =	vld [tilespmem:s31+$0x7C90]  }
0xb9: {  	v2 =	vld [tilespmem:s24+$0x20];
	_ =	sdelay $0x3  }
0xba: {  	v1 =	vperm.xlane v1, v0  }
0xbb: {  	v2 =	vperm.xlane v2, v0  }
0xbc: {  	[tilespmem:s24+$0x20] =	vst v1  }
0xbd: {  	[tilespmem:s31+$0x7C90] =	vst v2;
	v1 =	vld [tilespmem:s31+$0x7C80]  }
0xbe: {  	v2 =	vld [tilespmem:s24+$0x30]  }
0xbf: {  	s25 =	sld [smem:$0x7FF];
	_ =	sdelay $0x2  }
0xc0: {  	p1 =	sne.s32 @!p0 s25, $0x1;
	v1 =	vperm.xlane v1, v0  }
0xc1: {  	p1 =	por !p1, p0;
	v2 =	vperm.xlane v2, v0  }
0xc2: {  	[tilespmem:s24+$0x30] =	vst v1;
	s24 =	sor.u32 @!p1 $0x100000, s3  }
0xc3: {  	[tilespmem:s31+$0x7C80] =	vst v2;
	[smem:s24], [sflag:$0x0] =	smem.add.s32 @!p1 $0x125;
	s24 =	simm.s32 @!p1 $0x0  }
0xc4: {  	s25 =	simm.s32 @!p1 $0x1;
	_ =	swait.done @!p1 [sflag:s24]  }
0xc5: {  	[smem:$0x7FF] =	sst @!p1 s25  }
0xc6: {  	_ =	sint @!p1 $0x2  }
0xc7: {  	_ =	swait.notdone @!p1 [sflag:s24]  }
0xc8: {  	s24 =	sld [smem:$0x7FF];
	_ =	sdelay $0x1  }
0xc9: {  	[hbm4b:s6+s2] =	stream.linear.scatter [tilespmem:s2], [sflag:$0x4], $0x7D00, $0x38;
	[tilespmem:$0x17700] =	vst v63  }
0xca: {  	p1 =	sne.s32 @!p0 s24, $0x1  }
0xcb: {  	p1 =	por !p1, p0  }
0xcc: {  	s24 =	sor.u32 @!p1 $0x100000, s3  }
0xcd: {  	[smem:s24], [sflag:$0x0] =	smem.add.s32 @!p1 $0x126;
	s24 =	simm.s32 @!p1 $0x0  }
0xce: {  	s25 =	simm.s32 @!p1 $0x1;
	_ =	swait.done @!p1 [sflag:s24]  }
0xcf: {  	[smem:$0x7FF] =	sst @!p1 s25  }
0xd0: {  	_ =	sint @!p1 $0x2  }
0xd1: {  	s30 =	simm.s32 $0x0;
	_ =	swait.notdone @!p1 [sflag:s24]  }
0xd2: {  	[tilespmem:s17], [sflag:$0x3] =	stream.linear.gather [hbm4b:s7+s30], $0x7D00, $0x38;
	[tilespmem:$0x17700] =	vst v63  }
0xd3: {  	_ =	swait.ge [sflag:s18], $0x7D00  }
0xd4: {  	[sflag:s18] =	ssyncset.done $0x0  }
0xd5: {  	s25 =	simm.s32 $0x0;
	[sflag:s18] =	ssyncadd.s32 $0xFFFF8300  }
0xd6: {  	s30 =	simm.s32 $0x40;
	v1 =	vld [tilespmem:s25+$0xF9F0]  }
0xd7: {  	v2 =	vld [tilespmem:s30+$0x7CC0];
	_ =	sdelay $0x3  }
0xd8: {  	v1 =	vperm.xlane v1, v0  }
0xd9: {  	v2 =	vperm.xlane v2, v0  }
0xda: {  	[tilespmem:s30+$0x7CC0] =	vst v1  }
0xdb: {  	[tilespmem:s25+$0xF9F0] =	vst v2;
	v1 =	vld [tilespmem:s25+$0xF9E0]  }
0xdc: {  	v2 =	vld [tilespmem:s30+$0x7CD0];
	_ =	sdelay $0x3  }
0xdd: {  	v1 =	vperm.xlane v1, v0  }
0xde: {  	v2 =	vperm.xlane v2, v0  }
0xdf: {  	[tilespmem:s30+$0x7CD0] =	vst v1  }
0xe0: {  	[tilespmem:s25+$0xF9E0] =	vst v2;
	v1 =	vld [tilespmem:s25+$0xF9D0]  }
0xe1: {  	v2 =	vld [tilespmem:s30+$0x7CE0];
	_ =	sdelay $0x3  }
0xe2: {  	v1 =	vperm.xlane v1, v0  }
0xe3: {  	v2 =	vperm.xlane v2, v0  }
0xe4: {  	[tilespmem:s30+$0x7CE0] =	vst v1  }
0xe5: {  	[tilespmem:s25+$0xF9D0] =	vst v2;
	v1 =	vld [tilespmem:s25+$0xF9C0]  }
0xe6: {  	v2 =	vld [tilespmem:s30+$0x7CF0];
	_ =	sdelay $0x3  }
0xe7: {  	v1 =	vperm.xlane v1, v0  }
0xe8: {  	v2 =	vperm.xlane v2, v0  }
0xe9: {  	[tilespmem:s30+$0x7CF0] =	vst v1  }
0xea: {  	[tilespmem:s25+$0xF9C0] =	vst v2;
	v1 =	vld [tilespmem:s25+$0xF9B0]  }
0xeb: {  	v2 =	vld [tilespmem:s30+$0x7D00];
	_ =	sdelay $0x3  }
0xec: {  	v1 =	vperm.xlane v1, v0  }
0xed: {  	v2 =	vperm.xlane v2, v0  }
0xee: {  	[tilespmem:s30+$0x7D00] =	vst v1  }
0xef: {  	[tilespmem:s25+$0xF9B0] =	vst v2;
	v1 =	vld [tilespmem:s25+$0xF9A0]  }
0xf0: {  	v2 =	vld [tilespmem:s30+$0x7D10];
	_ =	sdelay $0x3  }
0xf1: {  	v1 =	vperm.xlane v1, v0  }
0xf2: {  	v2 =	vperm.xlane v2, v0  }
0xf3: {  	[tilespmem:s30+$0x7D10] =	vst v1  }
0xf4: {  	[tilespmem:s25+$0xF9A0] =	vst v2;
	v1 =	vld [tilespmem:s25+$0xF990]  }
0xf5: {  	v2 =	vld [tilespmem:s30+$0x7D20];
	_ =	sdelay $0x3  }
0xf6: {  	v1 =	vperm.xlane v1, v0  }
0xf7: {  	v2 =	vperm.xlane v2, v0  }
0xf8: {  	[tilespmem:s30+$0x7D20] =	vst v1  }
0xf9: {  	[tilespmem:s25+$0xF990] =	vst v2;
	v1 =	vld [tilespmem:s25+$0xF980]  }
0xfa: {  	v2 =	vld [tilespmem:s30+$0x7D30];
	_ =	sdelay $0x3  }
0xfb: {  	v3 =	vperm.xlane v1, v0  }
0xfc: {  	s26 =	simm.s32 $0x8;
	s28 =	simm.s32 $0xFFFFFE00;
	v1 =	vperm.xlane v2, v0  }
0xfd: {  	s29 =	simm.s32 $0x500;
	s31 =	simm.s32 $0xFFFFFF80;
	s24 =	simm.s32 $0xC0;
	[tilespmem:s30+$0x7D30] =	vst v3  }
.LBB2_5:
0xfe: {  	s30 =	sshra.s32 s29, $0x2;
	s26 =	sadd.s32 $0x8, s26;
	v2 =	vld [tilespmem:s31+$0xF9F0];
	[tilespmem:s25+$0xF980] =	vst v1;
	s25 =	smov.u32 s31  }
0xff: {  	p1 =	slt.u32 s26, $0x3E0;
	v1 =	vld [tilespmem:s24+$0x7CC0];
	_ =	sdelay $0x3  }
0x100: {  	v2 =	vperm.xlane v2, v0  }
0x101: {  	v1 =	vperm.xlane v1, v0  }
0x102: {  	[tilespmem:s24+$0x7CC0] =	vst v2  }
0x103: {  	[tilespmem:s25+$0xF9F0] =	vst v1;
	v1 =	vld [tilespmem:s25+$0xF9E0]  }
0x104: {  	v2 =	vld [tilespmem:s24+$0x7CD0];
	_ =	sdelay $0x3  }
0x105: {  	v1 =	vperm.xlane v1, v0  }
0x106: {  	v2 =	vperm.xlane v2, v0  }
0x107: {  	[tilespmem:s24+$0x7CD0] =	vst v1  }
0x108: {  	[tilespmem:s25+$0xF9E0] =	vst v2;
	v1 =	vld [tilespmem:s25+$0xF9D0]  }
0x109: {  	v2 =	vld [tilespmem:s24+$0x7CE0];
	_ =	sdelay $0x3  }
0x10a: {  	v1 =	vperm.xlane v1, v0  }
0x10b: {  	v2 =	vperm.xlane v2, v0  }
0x10c: {  	[tilespmem:s24+$0x7CE0] =	vst v1  }
0x10d: {  	[tilespmem:s25+$0xF9D0] =	vst v2;
	v1 =	vld [tilespmem:s25+$0xF9C0]  }
0x10e: {  	v2 =	vld [tilespmem:s24+$0x7CF0];
	_ =	sdelay $0x3  }
0x10f: {  	v1 =	vperm.xlane v1, v0  }
0x110: {  	v2 =	vperm.xlane v2, v0  }
0x111: {  	[tilespmem:s24+$0x7CF0] =	vst v1  }
0x112: {  	[tilespmem:s25+$0xF9C0] =	vst v2;
	v1 =	vld [tilespmem:s25+$0xF9B0]  }
0x113: {  	v2 =	vld [tilespmem:s24+$0x7D00];
	_ =	sdelay $0x3  }
0x114: {  	v1 =	vperm.xlane v1, v0  }
0x115: {  	v2 =	vperm.xlane v2, v0  }
0x116: {  	[tilespmem:s24+$0x7D00] =	vst v1  }
0x117: {  	[tilespmem:s25+$0xF9B0] =	vst v2;
	v1 =	vld [tilespmem:s25+$0xF9A0]  }
0x118: {  	v2 =	vld [tilespmem:s24+$0x7D10];
	_ =	sdelay $0x3  }
0x119: {  	v1 =	vperm.xlane v1, v0  }
0x11a: {  	v2 =	vperm.xlane v2, v0  }
0x11b: {  	[tilespmem:s24+$0x7D10] =	vst v1  }
0x11c: {  	[tilespmem:s25+$0xF9A0] =	vst v2;
	v1 =	vld [tilespmem:s25+$0xF990]  }
0x11d: {  	v2 =	vld [tilespmem:s24+$0x7D20];
	_ =	sdelay $0x3  }
0x11e: {  	v1 =	vperm.xlane v1, v0  }
0x11f: {  	v2 =	vperm.xlane v2, v0  }
0x120: {  	[tilespmem:s24+$0x7D20] =	vst v1  }
0x121: {  	[tilespmem:s25+$0xF990] =	vst v2;
	v1 =	vld [tilespmem:s25+$0xF980]  }
0x122: {  	v2 =	vld [tilespmem:s24+$0x7D30];
	_ =	sdelay $0x1  }
.Ltmp2:
0x123: {  	(pc) =	sbr.rel @p1 .LBB2_5-.Ltmp2, $4  }
0x124: {  	_ = 	snop  }
0x125: {  	v3 =	vperm.xlane v1, v0  }
0x126: {  	s28 =	sadd.s32 $0xFFFFFE00, s28;
	v1 =	vperm.xlane v2, v0  }
0x127: {  	s29 =	sadd.s32 $0x200, s29;
	s31 =	sshra.s32 s28, $0x2;
	[tilespmem:s24+$0x7D30] =	vst v3;
	s24 =	smov.u32 s30  }
0x128: {  	v2 =	vld [tilespmem:s31+$0xF9F0];
	[tilespmem:s25+$0xF980] =	vst v1  }
0x129: {  	v1 =	vld [tilespmem:s24+$0x7CC0];
	_ =	sdelay $0x3  }
0x12a: {  	v2 =	vperm.xlane v2, v0  }
0x12b: {  	v1 =	vperm.xlane v1, v0  }
0x12c: {  	[tilespmem:s24+$0x7CC0] =	vst v2  }
0x12d: {  	[tilespmem:s31+$0xF9F0] =	vst v1;
	v1 =	vld [tilespmem:s31+$0xF9E0]  }
0x12e: {  	v2 =	vld [tilespmem:s24+$0x7CD0];
	_ =	sdelay $0x3  }
0x12f: {  	v1 =	vperm.xlane v1, v0  }
0x130: {  	v2 =	vperm.xlane v2, v0  }
0x131: {  	[tilespmem:s24+$0x7CD0] =	vst v1  }
0x132: {  	[tilespmem:s31+$0xF9E0] =	vst v2;
	v1 =	vld [tilespmem:s31+$0xF9D0]  }
0x133: {  	v2 =	vld [tilespmem:s24+$0x7CE0];
	_ =	sdelay $0x3  }
0x134: {  	v1 =	vperm.xlane v1, v0  }
0x135: {  	v2 =	vperm.xlane v2, v0  }
0x136: {  	[tilespmem:s24+$0x7CE0] =	vst v1  }
0x137: {  	[tilespmem:s31+$0xF9D0] =	vst v2;
	v1 =	vld [tilespmem:s31+$0xF9C0]  }
0x138: {  	v2 =	vld [tilespmem:s24+$0x7CF0];
	_ =	sdelay $0x3  }
0x139: {  	v1 =	vperm.xlane v1, v0  }
0x13a: {  	v2 =	vperm.xlane v2, v0  }
0x13b: {  	[tilespmem:s24+$0x7CF0] =	vst v1  }
0x13c: {  	[tilespmem:s31+$0xF9C0] =	vst v2;
	v1 =	vld [tilespmem:s31+$0xF9B0]  }
0x13d: {  	v2 =	vld [tilespmem:s24+$0x7D00];
	_ =	sdelay $0x3  }
0x13e: {  	v1 =	vperm.xlane v1, v0  }
0x13f: {  	v2 =	vperm.xlane v2, v0  }
0x140: {  	[tilespmem:s24+$0x7D00] =	vst v1  }
0x141: {  	[tilespmem:s31+$0xF9B0] =	vst v2;
	v1 =	vld [tilespmem:s31+$0xF9A0]  }
0x142: {  	v2 =	vld [tilespmem:s24+$0x7D10];
	_ =	sdelay $0x3  }
0x143: {  	v1 =	vperm.xlane v1, v0  }
0x144: {  	v2 =	vperm.xlane v2, v0  }
0x145: {  	[tilespmem:s24+$0x7D10] =	vst v1  }
0x146: {  	[tilespmem:s31+$0xF9A0] =	vst v2;
	v1 =	vld [tilespmem:s31+$0xF990]  }
0x147: {  	v2 =	vld [tilespmem:s24+$0x7D20];
	_ =	sdelay $0x3  }
0x148: {  	v1 =	vperm.xlane v1, v0  }
0x149: {  	v2 =	vperm.xlane v2, v0  }
0x14a: {  	[tilespmem:s24+$0x7D20] =	vst v1  }
0x14b: {  	[tilespmem:s31+$0xF990] =	vst v2;
	v1 =	vld [tilespmem:s31+$0xF980]  }
0x14c: {  	v2 =	vld [tilespmem:s24+$0x7D30]  }
0x14d: {  	s25 =	sld [smem:$0x7FF];
	_ =	sdelay $0x2  }
0x14e: {  	p1 =	sne.s32 @!p0 s25, $0x1;
	v1 =	vperm.xlane v1, v0  }
0x14f: {  	p1 =	por !p1, p0;
	v2 =	vperm.xlane v2, v0  }
0x150: {  	[tilespmem:s24+$0x7D30] =	vst v1;
	s24 =	sor.u32 @!p1 $0x100000, s3  }
0x151: {  	[tilespmem:s31+$0xF980] =	vst v2;
	[smem:s24], [sflag:$0x0] =	smem.add.s32 @!p1 $0x1A1;
	s24 =	simm.s32 @!p1 $0x0  }
0x152: {  	s25 =	simm.s32 @!p1 $0x1;
	_ =	swait.done @!p1 [sflag:s24]  }
0x153: {  	[smem:$0x7FF] =	sst @!p1 s25  }
0x154: {  	_ =	sint @!p1 $0x2  }
0x155: {  	_ =	swait.notdone @!p1 [sflag:s24]  }
0x156: {  	[hbm4b:s8+s2] =	stream.linear.scatter [tilespmem:s15], [sflag:$0x5], $0x7D00, $0x38;
	[tilespmem:$0x17700] =	vst v63  }
0x157: {  	_ =	swait.ge [sflag:s19], $0x7D00  }
0x158: {  	s24 =	sld [smem:$0x7FF];
	_ =	sdelay $0x2  }
0x159: {  	p1 =	sne.s32 @!p0 s24, $0x1  }
0x15a: {  	[sflag:s19] =	ssyncset.done $0x0;
	p1 =	por !p1, p0  }
0x15b: {  	[sflag:s19] =	ssyncadd.s32 $0xFFFF8300;
	s24 =	sor.u32 @!p1 $0x100000, s3  }
0x15c: {  	[smem:s24], [sflag:$0x0] =	smem.add.s32 @!p1 $0x1A3;
	s24 =	simm.s32 @!p1 $0x0  }
0x15d: {  	s25 =	simm.s32 @!p1 $0x1;
	_ =	swait.done @!p1 [sflag:s24]  }
0x15e: {  	[smem:$0x7FF] =	sst @!p1 s25  }
0x15f: {  	_ =	sint @!p1 $0x2  }
0x160: {  	s30 =	simm.s32 $0x0;
	_ =	swait.notdone @!p1 [sflag:s24]  }
0x161: {  	[tilespmem:s30], [sflag:$0x1] =	stream.linear.gather [hbm4b:s9+s30], $0x7D00, $0x38;
	[tilespmem:$0x17700] =	vst v63  }
0x162: {  	_ =	swait.ge [sflag:s20], $0x7D00  }
0x163: {  	[sflag:s20] =	ssyncset.done $0x0  }
0x164: {  	s25 =	simm.s32 $0x0;
	[sflag:s20] =	ssyncadd.s32 $0xFFFF8300  }
0x165: {  	s30 =	simm.s32 $0x40;
	v1 =	vld [tilespmem:s25+$0x176F0]  }
0x166: {  	v2 =	vld [tilespmem:s30+$0xF9C0];
	_ =	sdelay $0x3  }
0x167: {  	v1 =	vperm.xlane v1, v0  }
0x168: {  	v2 =	vperm.xlane v2, v0  }
0x169: {  	[tilespmem:s30+$0xF9C0] =	vst v1  }
0x16a: {  	[tilespmem:s25+$0x176F0] =	vst v2;
	v1 =	vld [tilespmem:s25+$0x176E0]  }
0x16b: {  	v2 =	vld [tilespmem:s30+$0xF9D0];
	_ =	sdelay $0x3  }
0x16c: {  	v1 =	vperm.xlane v1, v0  }
0x16d: {  	v2 =	vperm.xlane v2, v0  }
0x16e: {  	[tilespmem:s30+$0xF9D0] =	vst v1  }
0x16f: {  	[tilespmem:s25+$0x176E0] =	vst v2;
	v1 =	vld [tilespmem:s25+$0x176D0]  }
0x170: {  	v2 =	vld [tilespmem:s30+$0xF9E0];
	_ =	sdelay $0x3  }
0x171: {  	v1 =	vperm.xlane v1, v0  }
0x172: {  	v2 =	vperm.xlane v2, v0  }
0x173: {  	[tilespmem:s30+$0xF9E0] =	vst v1  }
0x174: {  	[tilespmem:s25+$0x176D0] =	vst v2;
	v1 =	vld [tilespmem:s25+$0x176C0]  }
0x175: {  	v2 =	vld [tilespmem:s30+$0xF9F0];
	_ =	sdelay $0x3  }
0x176: {  	v1 =	vperm.xlane v1, v0  }
0x177: {  	v2 =	vperm.xlane v2, v0  }
0x178: {  	[tilespmem:s30+$0xF9F0] =	vst v1  }
0x179: {  	[tilespmem:s25+$0x176C0] =	vst v2;
	v1 =	vld [tilespmem:s25+$0x176B0]  }
0x17a: {  	v2 =	vld [tilespmem:s30+$0xFA00];
	_ =	sdelay $0x3  }
0x17b: {  	v1 =	vperm.xlane v1, v0  }
0x17c: {  	v2 =	vperm.xlane v2, v0  }
0x17d: {  	[tilespmem:s30+$0xFA00] =	vst v1  }
0x17e: {  	[tilespmem:s25+$0x176B0] =	vst v2;
	v1 =	vld [tilespmem:s25+$0x176A0]  }
0x17f: {  	v2 =	vld [tilespmem:s30+$0xFA10];
	_ =	sdelay $0x3  }
0x180: {  	v1 =	vperm.xlane v1, v0  }
0x181: {  	v2 =	vperm.xlane v2, v0  }
0x182: {  	[tilespmem:s30+$0xFA10] =	vst v1  }
0x183: {  	[tilespmem:s25+$0x176A0] =	vst v2;
	v1 =	vld [tilespmem:s25+$0x17690]  }
0x184: {  	v2 =	vld [tilespmem:s30+$0xFA20];
	_ =	sdelay $0x3  }
0x185: {  	v1 =	vperm.xlane v1, v0  }
0x186: {  	v2 =	vperm.xlane v2, v0  }
0x187: {  	[tilespmem:s30+$0xFA20] =	vst v1  }
0x188: {  	[tilespmem:s25+$0x17690] =	vst v2;
	v1 =	vld [tilespmem:s25+$0x17680]  }
0x189: {  	v2 =	vld [tilespmem:s30+$0xFA30];
	_ =	sdelay $0x3  }
0x18a: {  	v3 =	vperm.xlane v1, v0  }
0x18b: {  	s26 =	simm.s32 $0x8;
	s28 =	simm.s32 $0xFFFFFE00;
	v1 =	vperm.xlane v2, v0  }
0x18c: {  	s29 =	simm.s32 $0x500;
	s31 =	simm.s32 $0xFFFFFF80;
	s24 =	simm.s32 $0xC0;
	[tilespmem:s30+$0xFA30] =	vst v3  }
.LBB2_7:
0x18d: {  	s30 =	sshra.s32 s29, $0x2;
	s26 =	sadd.s32 $0x8, s26;
	v2 =	vld [tilespmem:s31+$0x176F0];
	[tilespmem:s25+$0x17680] =	vst v1;
	s25 =	smov.u32 s31  }
0x18e: {  	p1 =	slt.u32 s26, $0x3E0;
	v1 =	vld [tilespmem:s24+$0xF9C0];
	_ =	sdelay $0x3  }
0x18f: {  	v2 =	vperm.xlane v2, v0  }
0x190: {  	v1 =	vperm.xlane v1, v0  }
0x191: {  	[tilespmem:s24+$0xF9C0] =	vst v2  }
0x192: {  	[tilespmem:s25+$0x176F0] =	vst v1;
	v1 =	vld [tilespmem:s25+$0x176E0]  }
0x193: {  	v2 =	vld [tilespmem:s24+$0xF9D0];
	_ =	sdelay $0x3  }
0x194: {  	v1 =	vperm.xlane v1, v0  }
0x195: {  	v2 =	vperm.xlane v2, v0  }
0x196: {  	[tilespmem:s24+$0xF9D0] =	vst v1  }
0x197: {  	[tilespmem:s25+$0x176E0] =	vst v2;
	v1 =	vld [tilespmem:s25+$0x176D0]  }
0x198: {  	v2 =	vld [tilespmem:s24+$0xF9E0];
	_ =	sdelay $0x3  }
0x199: {  	v1 =	vperm.xlane v1, v0  }
0x19a: {  	v2 =	vperm.xlane v2, v0  }
0x19b: {  	[tilespmem:s24+$0xF9E0] =	vst v1  }
0x19c: {  	[tilespmem:s25+$0x176D0] =	vst v2;
	v1 =	vld [tilespmem:s25+$0x176C0]  }
0x19d: {  	v2 =	vld [tilespmem:s24+$0xF9F0];
	_ =	sdelay $0x3  }
0x19e: {  	v1 =	vperm.xlane v1, v0  }
0x19f: {  	v2 =	vperm.xlane v2, v0  }
0x1a0: {  	[tilespmem:s24+$0xF9F0] =	vst v1  }
0x1a1: {  	[tilespmem:s25+$0x176C0] =	vst v2;
	v1 =	vld [tilespmem:s25+$0x176B0]  }
0x1a2: {  	v2 =	vld [tilespmem:s24+$0xFA00];
	_ =	sdelay $0x3  }
0x1a3: {  	v1 =	vperm.xlane v1, v0  }
0x1a4: {  	v2 =	vperm.xlane v2, v0  }
0x1a5: {  	[tilespmem:s24+$0xFA00] =	vst v1  }
0x1a6: {  	[tilespmem:s25+$0x176B0] =	vst v2;
	v1 =	vld [tilespmem:s25+$0x176A0]  }
0x1a7: {  	v2 =	vld [tilespmem:s24+$0xFA10];
	_ =	sdelay $0x3  }
0x1a8: {  	v1 =	vperm.xlane v1, v0  }
0x1a9: {  	v2 =	vperm.xlane v2, v0  }
0x1aa: {  	[tilespmem:s24+$0xFA10] =	vst v1  }
0x1ab: {  	[tilespmem:s25+$0x176A0] =	vst v2;
	v1 =	vld [tilespmem:s25+$0x17690]  }
0x1ac: {  	v2 =	vld [tilespmem:s24+$0xFA20];
	_ =	sdelay $0x3  }
0x1ad: {  	v1 =	vperm.xlane v1, v0  }
0x1ae: {  	v2 =	vperm.xlane v2, v0  }
0x1af: {  	[tilespmem:s24+$0xFA20] =	vst v1  }
0x1b0: {  	[tilespmem:s25+$0x17690] =	vst v2;
	v1 =	vld [tilespmem:s25+$0x17680]  }
0x1b1: {  	v2 =	vld [tilespmem:s24+$0xFA30];
	_ =	sdelay $0x1  }
.Ltmp3:
0x1b2: {  	(pc) =	sbr.rel @p1 .LBB2_7-.Ltmp3, $4  }
0x1b3: {  	_ = 	snop  }
0x1b4: {  	v3 =	vperm.xlane v1, v0  }
0x1b5: {  	s28 =	sadd.s32 $0xFFFFFE00, s28;
	v1 =	vperm.xlane v2, v0  }
0x1b6: {  	s29 =	sadd.s32 $0x200, s29;
	s31 =	sshra.s32 s28, $0x2;
	[tilespmem:s24+$0xFA30] =	vst v3;
	s24 =	smov.u32 s30  }
0x1b7: {  	v2 =	vld [tilespmem:s31+$0x176F0];
	[tilespmem:s25+$0x17680] =	vst v1  }
0x1b8: {  	v1 =	vld [tilespmem:s24+$0xF9C0];
	_ =	sdelay $0x3  }
0x1b9: {  	v2 =	vperm.xlane v2, v0  }
0x1ba: {  	v1 =	vperm.xlane v1, v0  }
0x1bb: {  	[tilespmem:s24+$0xF9C0] =	vst v2  }
0x1bc: {  	[tilespmem:s31+$0x176F0] =	vst v1;
	v1 =	vld [tilespmem:s31+$0x176E0]  }
0x1bd: {  	v2 =	vld [tilespmem:s24+$0xF9D0];
	_ =	sdelay $0x3  }
0x1be: {  	v1 =	vperm.xlane v1, v0  }
0x1bf: {  	v2 =	vperm.xlane v2, v0  }
0x1c0: {  	[tilespmem:s24+$0xF9D0] =	vst v1  }
0x1c1: {  	[tilespmem:s31+$0x176E0] =	vst v2;
	v1 =	vld [tilespmem:s31+$0x176D0]  }
0x1c2: {  	v2 =	vld [tilespmem:s24+$0xF9E0];
	_ =	sdelay $0x3  }
0x1c3: {  	v1 =	vperm.xlane v1, v0  }
0x1c4: {  	v2 =	vperm.xlane v2, v0  }
0x1c5: {  	[tilespmem:s24+$0xF9E0] =	vst v1  }
0x1c6: {  	[tilespmem:s31+$0x176D0] =	vst v2;
	v1 =	vld [tilespmem:s31+$0x176C0]  }
0x1c7: {  	v2 =	vld [tilespmem:s24+$0xF9F0];
	_ =	sdelay $0x3  }
0x1c8: {  	v1 =	vperm.xlane v1, v0  }
0x1c9: {  	v2 =	vperm.xlane v2, v0  }
0x1ca: {  	[tilespmem:s24+$0xF9F0] =	vst v1  }
0x1cb: {  	[tilespmem:s31+$0x176C0] =	vst v2;
	v1 =	vld [tilespmem:s31+$0x176B0]  }
0x1cc: {  	v2 =	vld [tilespmem:s24+$0xFA00];
	_ =	sdelay $0x3  }
0x1cd: {  	v1 =	vperm.xlane v1, v0  }
0x1ce: {  	v2 =	vperm.xlane v2, v0  }
0x1cf: {  	[tilespmem:s24+$0xFA00] =	vst v1  }
0x1d0: {  	[tilespmem:s31+$0x176B0] =	vst v2;
	v1 =	vld [tilespmem:s31+$0x176A0]  }
0x1d1: {  	v2 =	vld [tilespmem:s24+$0xFA10];
	_ =	sdelay $0x3  }
0x1d2: {  	v1 =	vperm.xlane v1, v0  }
0x1d3: {  	v2 =	vperm.xlane v2, v0  }
0x1d4: {  	[tilespmem:s24+$0xFA10] =	vst v1  }
0x1d5: {  	[tilespmem:s31+$0x176A0] =	vst v2;
	v1 =	vld [tilespmem:s31+$0x17690]  }
0x1d6: {  	v2 =	vld [tilespmem:s24+$0xFA20];
	_ =	sdelay $0x3  }
0x1d7: {  	v1 =	vperm.xlane v1, v0  }
0x1d8: {  	v2 =	vperm.xlane v2, v0  }
0x1d9: {  	[tilespmem:s24+$0xFA20] =	vst v1  }
0x1da: {  	[tilespmem:s31+$0x17690] =	vst v2;
	v1 =	vld [tilespmem:s31+$0x17680]  }
0x1db: {  	v2 =	vld [tilespmem:s24+$0xFA30]  }
0x1dc: {  	s25 =	sld [smem:$0x7FF];
	_ =	sdelay $0x2  }
0x1dd: {  	p1 =	sne.s32 @!p0 s25, $0x1;
	v1 =	vperm.xlane v1, v0  }
0x1de: {  	p1 =	por !p1, p0;
	v2 =	vperm.xlane v2, v0  }
0x1df: {  	[tilespmem:s24+$0xFA30] =	vst v1;
	s24 =	sor.u32 @!p1 $0x100000, s3  }
0x1e0: {  	[tilespmem:s31+$0x17680] =	vst v2;
	[smem:s24], [sflag:$0x0] =	smem.add.s32 @!p1 $0x21E;
	s24 =	simm.s32 @!p1 $0x0  }
0x1e1: {  	s25 =	simm.s32 @!p1 $0x1;
	_ =	swait.done @!p1 [sflag:s24]  }
0x1e2: {  	[smem:$0x7FF] =	sst @!p1 s25  }
0x1e3: {  	_ =	sint @!p1 $0x2  }
0x1e4: {  	_ =	swait.notdone @!p1 [sflag:s24]  }
0x1e5: {  	[hbm4b:s10+s2] =	stream.linear.scatter [tilespmem:s17], [sflag:$0x6], $0x7D00, $0x38;
	[tilespmem:$0x17700] =	vst v63  }
0x1e6: {  	_ =	swait.ge [sflag:s21], $0x7D00  }
0x1e7: {  	s24 =	sld [smem:$0x7FF];
	_ =	sdelay $0x2  }
0x1e8: {  	p1 =	sne.s32 @!p0 s24, $0x1  }
0x1e9: {  	[sflag:s21] =	ssyncset.done $0x0;
	p1 =	por !p1, p0  }
0x1ea: {  	[sflag:s21] =	ssyncadd.s32 $0xFFFF8300;
	s24 =	sor.u32 @!p1 $0x100000, s3  }
0x1eb: {  	[smem:s24], [sflag:$0x0] =	smem.add.s32 @!p1 $0x220;
	s24 =	simm.s32 @!p1 $0x0  }
0x1ec: {  	s25 =	simm.s32 @!p1 $0x1;
	_ =	swait.done @!p1 [sflag:s24]  }
0x1ed: {  	[smem:$0x7FF] =	sst @!p1 s25  }
0x1ee: {  	_ =	sint @!p1 $0x2  }
0x1ef: {  	s30 =	simm.s32 $0x0;
	_ =	swait.notdone @!p1 [sflag:s24]  }
0x1f0: {  	[tilespmem:s15], [sflag:$0x2] =	stream.linear.gather [hbm4b:s11+s30], $0x7D00, $0x38;
	[tilespmem:$0x17700] =	vst v63  }
0x1f1: {  	_ =	swait.ge [sflag:s16], $0x7D00  }
0x1f2: {  	[sflag:s16] =	ssyncset.done $0x0  }
0x1f3: {  	s25 =	simm.s32 $0x0;
	[sflag:s16] =	ssyncadd.s32 $0xFFFF8300  }
0x1f4: {  	s30 =	simm.s32 $0x40;
	v1 =	vld [tilespmem:s25+$0x7CF0]  }
0x1f5: {  	v2 =	vld [tilespmem:s30+$0xFFFFFFC0];
	_ =	sdelay $0x3  }
0x1f6: {  	v1 =	vperm.xlane v1, v0  }
0x1f7: {  	v2 =	vperm.xlane v2, v0  }
0x1f8: {  	[tilespmem:s30+$0xFFFFFFC0] =	vst v1  }
0x1f9: {  	[tilespmem:s25+$0x7CF0] =	vst v2;
	v1 =	vld [tilespmem:s25+$0x7CE0]  }
0x1fa: {  	v2 =	vld [tilespmem:s30+$0xFFFFFFD0];
	_ =	sdelay $0x3  }
0x1fb: {  	v1 =	vperm.xlane v1, v0  }
0x1fc: {  	v2 =	vperm.xlane v2, v0  }
0x1fd: {  	[tilespmem:s30+$0xFFFFFFD0] =	vst v1  }
0x1fe: {  	[tilespmem:s25+$0x7CE0] =	vst v2;
	v1 =	vld [tilespmem:s25+$0x7CD0]  }
0x1ff: {  	v2 =	vld [tilespmem:s30+$0xFFFFFFE0];
	_ =	sdelay $0x3  }
0x200: {  	v1 =	vperm.xlane v1, v0  }
0x201: {  	v2 =	vperm.xlane v2, v0  }
0x202: {  	[tilespmem:s30+$0xFFFFFFE0] =	vst v1  }
0x203: {  	[tilespmem:s25+$0x7CD0] =	vst v2;
	v1 =	vld [tilespmem:s25+$0x7CC0]  }
0x204: {  	v2 =	vld [tilespmem:s30+$0xFFFFFFF0];
	_ =	sdelay $0x3  }
0x205: {  	v1 =	vperm.xlane v1, v0  }
0x206: {  	v2 =	vperm.xlane v2, v0  }
0x207: {  	[tilespmem:s30+$0xFFFFFFF0] =	vst v1  }
0x208: {  	[tilespmem:s25+$0x7CC0] =	vst v2;
	v1 =	vld [tilespmem:s25+$0x7CB0]  }
0x209: {  	v2 =	vld [tilespmem:s30+$0x0];
	_ =	sdelay $0x3  }
0x20a: {  	v1 =	vperm.xlane v1, v0  }
0x20b: {  	v2 =	vperm.xlane v2, v0  }
0x20c: {  	[tilespmem:s30+$0x0] =	vst v1  }
0x20d: {  	[tilespmem:s25+$0x7CB0] =	vst v2;
	v1 =	vld [tilespmem:s25+$0x7CA0]  }
0x20e: {  	v2 =	vld [tilespmem:s30+$0x10];
	_ =	sdelay $0x3  }
0x20f: {  	v1 =	vperm.xlane v1, v0  }
0x210: {  	v2 =	vperm.xlane v2, v0  }
0x211: {  	[tilespmem:s30+$0x10] =	vst v1  }
0x212: {  	[tilespmem:s25+$0x7CA0] =	vst v2;
	v1 =	vld [tilespmem:s25+$0x7C90]  }
0x213: {  	v2 =	vld [tilespmem:s30+$0x20];
	_ =	sdelay $0x3  }
0x214: {  	v1 =	vperm.xlane v1, v0  }
0x215: {  	v2 =	vperm.xlane v2, v0  }
0x216: {  	[tilespmem:s30+$0x20] =	vst v1  }
0x217: {  	[tilespmem:s25+$0x7C90] =	vst v2;
	v1 =	vld [tilespmem:s25+$0x7C80]  }
0x218: {  	v2 =	vld [tilespmem:s30+$0x30];
	_ =	sdelay $0x3  }
0x219: {  	v3 =	vperm.xlane v1, v0  }
0x21a: {  	s26 =	simm.s32 $0x8;
	s28 =	simm.s32 $0xFFFFFE00;
	v1 =	vperm.xlane v2, v0  }
0x21b: {  	s29 =	simm.s32 $0x500;
	s31 =	simm.s32 $0xFFFFFF80;
	s24 =	simm.s32 $0xC0;
	[tilespmem:s30+$0x30] =	vst v3  }
.LBB2_9:
0x21c: {  	s30 =	sshra.s32 s29, $0x2;
	s26 =	sadd.s32 $0x8, s26;
	v2 =	vld [tilespmem:s31+$0x7CF0];
	[tilespmem:s25+$0x7C80] =	vst v1;
	s25 =	smov.u32 s31  }
0x21d: {  	p1 =	slt.u32 s26, $0x3E0;
	v1 =	vld [tilespmem:s24+$0xFFFFFFC0];
	_ =	sdelay $0x3  }
0x21e: {  	v2 =	vperm.xlane v2, v0  }
0x21f: {  	v1 =	vperm.xlane v1, v0  }
0x220: {  	[tilespmem:s24+$0xFFFFFFC0] =	vst v2  }
0x221: {  	[tilespmem:s25+$0x7CF0] =	vst v1;
	v1 =	vld [tilespmem:s25+$0x7CE0]  }
0x222: {  	v2 =	vld [tilespmem:s24+$0xFFFFFFD0];
	_ =	sdelay $0x3  }
0x223: {  	v1 =	vperm.xlane v1, v0  }
0x224: {  	v2 =	vperm.xlane v2, v0  }
0x225: {  	[tilespmem:s24+$0xFFFFFFD0] =	vst v1  }
0x226: {  	[tilespmem:s25+$0x7CE0] =	vst v2;
	v1 =	vld [tilespmem:s25+$0x7CD0]  }
0x227: {  	v2 =	vld [tilespmem:s24+$0xFFFFFFE0];
	_ =	sdelay $0x3  }
0x228: {  	v1 =	vperm.xlane v1, v0  }
0x229: {  	v2 =	vperm.xlane v2, v0  }
0x22a: {  	[tilespmem:s24+$0xFFFFFFE0] =	vst v1  }
0x22b: {  	[tilespmem:s25+$0x7CD0] =	vst v2;
	v1 =	vld [tilespmem:s25+$0x7CC0]  }
0x22c: {  	v2 =	vld [tilespmem:s24+$0xFFFFFFF0];
	_ =	sdelay $0x3  }
0x22d: {  	v1 =	vperm.xlane v1, v0  }
0x22e: {  	v2 =	vperm.xlane v2, v0  }
0x22f: {  	[tilespmem:s24+$0xFFFFFFF0] =	vst v1  }
0x230: {  	[tilespmem:s25+$0x7CC0] =	vst v2;
	v1 =	vld [tilespmem:s25+$0x7CB0]  }
0x231: {  	v2 =	vld [tilespmem:s24+$0x0];
	_ =	sdelay $0x3  }
0x232: {  	v1 =	vperm.xlane v1, v0  }
0x233: {  	v2 =	vperm.xlane v2, v0  }
0x234: {  	[tilespmem:s24+$0x0] =	vst v1  }
0x235: {  	[tilespmem:s25+$0x7CB0] =	vst v2;
	v1 =	vld [tilespmem:s25+$0x7CA0]  }
0x236: {  	v2 =	vld [tilespmem:s24+$0x10];
	_ =	sdelay $0x3  }
0x237: {  	v1 =	vperm.xlane v1, v0  }
0x238: {  	v2 =	vperm.xlane v2, v0  }
0x239: {  	[tilespmem:s24+$0x10] =	vst v1  }
0x23a: {  	[tilespmem:s25+$0x7CA0] =	vst v2;
	v1 =	vld [tilespmem:s25+$0x7C90]  }
0x23b: {  	v2 =	vld [tilespmem:s24+$0x20];
	_ =	sdelay $0x3  }
0x23c: {  	v1 =	vperm.xlane v1, v0  }
0x23d: {  	v2 =	vperm.xlane v2, v0  }
0x23e: {  	[tilespmem:s24+$0x20] =	vst v1  }
0x23f: {  	[tilespmem:s25+$0x7C90] =	vst v2;
	v1 =	vld [tilespmem:s25+$0x7C80]  }
0x240: {  	v2 =	vld [tilespmem:s24+$0x30];
	_ =	sdelay $0x1  }
.Ltmp4:
0x241: {  	(pc) =	sbr.rel @p1 .LBB2_9-.Ltmp4, $4  }
0x242: {  	_ = 	snop  }
0x243: {  	v3 =	vperm.xlane v1, v0  }
0x244: {  	s28 =	sadd.s32 $0xFFFFFE00, s28;
	v1 =	vperm.xlane v2, v0  }
0x245: {  	s29 =	sadd.s32 $0x200, s29;
	s31 =	sshra.s32 s28, $0x2;
	[tilespmem:s24+$0x30] =	vst v3;
	s24 =	smov.u32 s30  }
0x246: {  	v2 =	vld [tilespmem:s31+$0x7CF0];
	[tilespmem:s25+$0x7C80] =	vst v1  }
0x247: {  	v1 =	vld [tilespmem:s24+$0xFFFFFFC0];
	_ =	sdelay $0x3  }
0x248: {  	v2 =	vperm.xlane v2, v0  }
0x249: {  	v1 =	vperm.xlane v1, v0  }
0x24a: {  	[tilespmem:s24+$0xFFFFFFC0] =	vst v2  }
0x24b: {  	[tilespmem:s31+$0x7CF0] =	vst v1;
	v1 =	vld [tilespmem:s31+$0x7CE0]  }
0x24c: {  	v2 =	vld [tilespmem:s24+$0xFFFFFFD0];
	_ =	sdelay $0x3  }
0x24d: {  	v1 =	vperm.xlane v1, v0  }
0x24e: {  	v2 =	vperm.xlane v2, v0  }
0x24f: {  	[tilespmem:s24+$0xFFFFFFD0] =	vst v1  }
0x250: {  	[tilespmem:s31+$0x7CE0] =	vst v2;
	v1 =	vld [tilespmem:s31+$0x7CD0]  }
0x251: {  	v2 =	vld [tilespmem:s24+$0xFFFFFFE0];
	_ =	sdelay $0x3  }
0x252: {  	v1 =	vperm.xlane v1, v0  }
0x253: {  	v2 =	vperm.xlane v2, v0  }
0x254: {  	[tilespmem:s24+$0xFFFFFFE0] =	vst v1  }
0x255: {  	[tilespmem:s31+$0x7CD0] =	vst v2;
	v1 =	vld [tilespmem:s31+$0x7CC0]  }
0x256: {  	v2 =	vld [tilespmem:s24+$0xFFFFFFF0];
	_ =	sdelay $0x3  }
0x257: {  	v1 =	vperm.xlane v1, v0  }
0x258: {  	v2 =	vperm.xlane v2, v0  }
0x259: {  	[tilespmem:s24+$0xFFFFFFF0] =	vst v1  }
0x25a: {  	[tilespmem:s31+$0x7CC0] =	vst v2;
	v1 =	vld [tilespmem:s31+$0x7CB0]  }
0x25b: {  	v2 =	vld [tilespmem:s24+$0x0];
	_ =	sdelay $0x3  }
0x25c: {  	v1 =	vperm.xlane v1, v0  }
0x25d: {  	v2 =	vperm.xlane v2, v0  }
0x25e: {  	[tilespmem:s24+$0x0] =	vst v1  }
0x25f: {  	[tilespmem:s31+$0x7CB0] =	vst v2;
	v1 =	vld [tilespmem:s31+$0x7CA0]  }
0x260: {  	v2 =	vld [tilespmem:s24+$0x10];
	_ =	sdelay $0x3  }
0x261: {  	v1 =	vperm.xlane v1, v0  }
0x262: {  	v2 =	vperm.xlane v2, v0  }
0x263: {  	[tilespmem:s24+$0x10] =	vst v1  }
0x264: {  	[tilespmem:s31+$0x7CA0] =	vst v2;
	v1 =	vld [tilespmem:s31+$0x7C90]  }
0x265: {  	v2 =	vld [tilespmem:s24+$0x20];
	_ =	sdelay $0x3  }
0x266: {  	v1 =	vperm.xlane v1, v0  }
0x267: {  	v2 =	vperm.xlane v2, v0  }
0x268: {  	[tilespmem:s24+$0x20] =	vst v1  }
0x269: {  	[tilespmem:s31+$0x7C90] =	vst v2;
	v1 =	vld [tilespmem:s31+$0x7C80]  }
0x26a: {  	v2 =	vld [tilespmem:s24+$0x30]  }
0x26b: {  	s25 =	sld [smem:$0x7FF];
	_ =	sdelay $0x2  }
0x26c: {  	p1 =	sne.s32 @!p0 s25, $0x1;
	v1 =	vperm.xlane v1, v0  }
0x26d: {  	p1 =	por !p1, p0;
	v2 =	vperm.xlane v2, v0  }
0x26e: {  	[tilespmem:s24+$0x30] =	vst v1;
	s24 =	sor.u32 @!p1 $0x100000, s3  }
0x26f: {  	[tilespmem:s31+$0x7C80] =	vst v2;
	[smem:s24], [sflag:$0x0] =	smem.add.s32 @!p1 $0x29B;
	s24 =	simm.s32 @!p1 $0x0  }
0x270: {  	s25 =	simm.s32 @!p1 $0x1;
	_ =	swait.done @!p1 [sflag:s24]  }
0x271: {  	[smem:$0x7FF] =	sst @!p1 s25  }
0x272: {  	_ =	sint @!p1 $0x2  }
0x273: {  	s30 =	simm.s32 $0x0;
	_ =	swait.notdone @!p1 [sflag:s24]  }
0x274: {  	[hbm4b:s12+s30] =	stream.linear.scatter [tilespmem:s30], [sflag:$0x4], $0x7D00, $0x38;
	[tilespmem:$0x17700] =	vst v63  }
0x275: {  	_ =	swait.ge [sflag:s18], $0x7D00  }
0x276: {  	[sflag:s18] =	ssyncset.done $0x0  }
0x277: {  	s25 =	simm.s32 $0x0;
	[sflag:s18] =	ssyncadd.s32 $0xFFFF8300  }
0x278: {  	s30 =	simm.s32 $0x40;
	v1 =	vld [tilespmem:s25+$0xF9F0]  }
0x279: {  	v2 =	vld [tilespmem:s30+$0x7CC0];
	_ =	sdelay $0x3  }
0x27a: {  	v1 =	vperm.xlane v1, v0  }
0x27b: {  	v2 =	vperm.xlane v2, v0  }
0x27c: {  	[tilespmem:s30+$0x7CC0] =	vst v1  }
0x27d: {  	[tilespmem:s25+$0xF9F0] =	vst v2;
	v1 =	vld [tilespmem:s25+$0xF9E0]  }
0x27e: {  	v2 =	vld [tilespmem:s30+$0x7CD0];
	_ =	sdelay $0x3  }
0x27f: {  	v1 =	vperm.xlane v1, v0  }
0x280: {  	v2 =	vperm.xlane v2, v0  }
0x281: {  	[tilespmem:s30+$0x7CD0] =	vst v1  }
0x282: {  	[tilespmem:s25+$0xF9E0] =	vst v2;
	v1 =	vld [tilespmem:s25+$0xF9D0]  }
0x283: {  	v2 =	vld [tilespmem:s30+$0x7CE0];
	_ =	sdelay $0x3  }
0x284: {  	v1 =	vperm.xlane v1, v0  }
0x285: {  	v2 =	vperm.xlane v2, v0  }
0x286: {  	[tilespmem:s30+$0x7CE0] =	vst v1  }
0x287: {  	[tilespmem:s25+$0xF9D0] =	vst v2;
	v1 =	vld [tilespmem:s25+$0xF9C0]  }
0x288: {  	v2 =	vld [tilespmem:s30+$0x7CF0];
	_ =	sdelay $0x3  }
0x289: {  	v1 =	vperm.xlane v1, v0  }
0x28a: {  	v2 =	vperm.xlane v2, v0  }
0x28b: {  	[tilespmem:s30+$0x7CF0] =	vst v1  }
0x28c: {  	[tilespmem:s25+$0xF9C0] =	vst v2;
	v1 =	vld [tilespmem:s25+$0xF9B0]  }
0x28d: {  	v2 =	vld [tilespmem:s30+$0x7D00];
	_ =	sdelay $0x3  }
0x28e: {  	v1 =	vperm.xlane v1, v0  }
0x28f: {  	v2 =	vperm.xlane v2, v0  }
0x290: {  	[tilespmem:s30+$0x7D00] =	vst v1  }
0x291: {  	[tilespmem:s25+$0xF9B0] =	vst v2;
	v1 =	vld [tilespmem:s25+$0xF9A0]  }
0x292: {  	v2 =	vld [tilespmem:s30+$0x7D10];
	_ =	sdelay $0x3  }
0x293: {  	v1 =	vperm.xlane v1, v0  }
0x294: {  	v2 =	vperm.xlane v2, v0  }
0x295: {  	[tilespmem:s30+$0x7D10] =	vst v1  }
0x296: {  	[tilespmem:s25+$0xF9A0] =	vst v2;
	v1 =	vld [tilespmem:s25+$0xF990]  }
0x297: {  	v2 =	vld [tilespmem:s30+$0x7D20];
	_ =	sdelay $0x3  }
0x298: {  	v1 =	vperm.xlane v1, v0  }
0x299: {  	v2 =	vperm.xlane v2, v0  }
0x29a: {  	[tilespmem:s30+$0x7D20] =	vst v1  }
0x29b: {  	[tilespmem:s25+$0xF990] =	vst v2;
	v1 =	vld [tilespmem:s25+$0xF980]  }
0x29c: {  	v2 =	vld [tilespmem:s30+$0x7D30];
	_ =	sdelay $0x3  }
0x29d: {  	v3 =	vperm.xlane v1, v0  }
0x29e: {  	s26 =	simm.s32 $0x8;
	s28 =	simm.s32 $0xFFFFFE00;
	v1 =	vperm.xlane v2, v0  }
0x29f: {  	s29 =	simm.s32 $0x500;
	s31 =	simm.s32 $0xFFFFFF80;
	s24 =	simm.s32 $0xC0;
	[tilespmem:s30+$0x7D30] =	vst v3  }
.LBB2_11:
0x2a0: {  	s30 =	sshra.s32 s29, $0x2;
	s26 =	sadd.s32 $0x8, s26;
	v2 =	vld [tilespmem:s31+$0xF9F0];
	[tilespmem:s25+$0xF980] =	vst v1;
	s25 =	smov.u32 s31  }
0x2a1: {  	p1 =	slt.u32 s26, $0x3E0;
	v1 =	vld [tilespmem:s24+$0x7CC0];
	_ =	sdelay $0x3  }
0x2a2: {  	v2 =	vperm.xlane v2, v0  }
0x2a3: {  	v1 =	vperm.xlane v1, v0  }
0x2a4: {  	[tilespmem:s24+$0x7CC0] =	vst v2  }
0x2a5: {  	[tilespmem:s25+$0xF9F0] =	vst v1;
	v1 =	vld [tilespmem:s25+$0xF9E0]  }
0x2a6: {  	v2 =	vld [tilespmem:s24+$0x7CD0];
	_ =	sdelay $0x3  }
0x2a7: {  	v1 =	vperm.xlane v1, v0  }
0x2a8: {  	v2 =	vperm.xlane v2, v0  }
0x2a9: {  	[tilespmem:s24+$0x7CD0] =	vst v1  }
0x2aa: {  	[tilespmem:s25+$0xF9E0] =	vst v2;
	v1 =	vld [tilespmem:s25+$0xF9D0]  }
0x2ab: {  	v2 =	vld [tilespmem:s24+$0x7CE0];
	_ =	sdelay $0x3  }
0x2ac: {  	v1 =	vperm.xlane v1, v0  }
0x2ad: {  	v2 =	vperm.xlane v2, v0  }
0x2ae: {  	[tilespmem:s24+$0x7CE0] =	vst v1  }
0x2af: {  	[tilespmem:s25+$0xF9D0] =	vst v2;
	v1 =	vld [tilespmem:s25+$0xF9C0]  }
0x2b0: {  	v2 =	vld [tilespmem:s24+$0x7CF0];
	_ =	sdelay $0x3  }
0x2b1: {  	v1 =	vperm.xlane v1, v0  }
0x2b2: {  	v2 =	vperm.xlane v2, v0  }
0x2b3: {  	[tilespmem:s24+$0x7CF0] =	vst v1  }
0x2b4: {  	[tilespmem:s25+$0xF9C0] =	vst v2;
	v1 =	vld [tilespmem:s25+$0xF9B0]  }
0x2b5: {  	v2 =	vld [tilespmem:s24+$0x7D00];
	_ =	sdelay $0x3  }
0x2b6: {  	v1 =	vperm.xlane v1, v0  }
0x2b7: {  	v2 =	vperm.xlane v2, v0  }
0x2b8: {  	[tilespmem:s24+$0x7D00] =	vst v1  }
0x2b9: {  	[tilespmem:s25+$0xF9B0] =	vst v2;
	v1 =	vld [tilespmem:s25+$0xF9A0]  }
0x2ba: {  	v2 =	vld [tilespmem:s24+$0x7D10];
	_ =	sdelay $0x3  }
0x2bb: {  	v1 =	vperm.xlane v1, v0  }
0x2bc: {  	v2 =	vperm.xlane v2, v0  }
0x2bd: {  	[tilespmem:s24+$0x7D10] =	vst v1  }
0x2be: {  	[tilespmem:s25+$0xF9A0] =	vst v2;
	v1 =	vld [tilespmem:s25+$0xF990]  }
0x2bf: {  	v2 =	vld [tilespmem:s24+$0x7D20];
	_ =	sdelay $0x3  }
0x2c0: {  	v1 =	vperm.xlane v1, v0  }
0x2c1: {  	v2 =	vperm.xlane v2, v0  }
0x2c2: {  	[tilespmem:s24+$0x7D20] =	vst v1  }
0x2c3: {  	[tilespmem:s25+$0xF990] =	vst v2;
	v1 =	vld [tilespmem:s25+$0xF980]  }
0x2c4: {  	v2 =	vld [tilespmem:s24+$0x7D30];
	_ =	sdelay $0x1  }
.Ltmp5:
0x2c5: {  	(pc) =	sbr.rel @p1 .LBB2_11-.Ltmp5, $4  }
0x2c6: {  	_ = 	snop  }
0x2c7: {  	v3 =	vperm.xlane v1, v0  }
0x2c8: {  	s28 =	sadd.s32 $0xFFFFFE00, s28;
	v1 =	vperm.xlane v2, v0  }
0x2c9: {  	s29 =	sadd.s32 $0x200, s29;
	s31 =	sshra.s32 s28, $0x2;
	[tilespmem:s24+$0x7D30] =	vst v3;
	s24 =	smov.u32 s30  }
0x2ca: {  	v2 =	vld [tilespmem:s31+$0xF9F0];
	[tilespmem:s25+$0xF980] =	vst v1  }
0x2cb: {  	v1 =	vld [tilespmem:s24+$0x7CC0];
	_ =	sdelay $0x3  }
0x2cc: {  	v2 =	vperm.xlane v2, v0  }
0x2cd: {  	v1 =	vperm.xlane v1, v0  }
0x2ce: {  	[tilespmem:s24+$0x7CC0] =	vst v2  }
0x2cf: {  	[tilespmem:s31+$0xF9F0] =	vst v1;
	v1 =	vld [tilespmem:s31+$0xF9E0]  }
0x2d0: {  	v2 =	vld [tilespmem:s24+$0x7CD0];
	_ =	sdelay $0x3  }
0x2d1: {  	v1 =	vperm.xlane v1, v0  }
0x2d2: {  	v2 =	vperm.xlane v2, v0  }
0x2d3: {  	[tilespmem:s24+$0x7CD0] =	vst v1  }
0x2d4: {  	[tilespmem:s31+$0xF9E0] =	vst v2;
	v1 =	vld [tilespmem:s31+$0xF9D0]  }
0x2d5: {  	v2 =	vld [tilespmem:s24+$0x7CE0];
	_ =	sdelay $0x3  }
0x2d6: {  	v1 =	vperm.xlane v1, v0  }
0x2d7: {  	v2 =	vperm.xlane v2, v0  }
0x2d8: {  	[tilespmem:s24+$0x7CE0] =	vst v1  }
0x2d9: {  	[tilespmem:s31+$0xF9D0] =	vst v2;
	v1 =	vld [tilespmem:s31+$0xF9C0]  }
0x2da: {  	v2 =	vld [tilespmem:s24+$0x7CF0];
	_ =	sdelay $0x3  }
0x2db: {  	v1 =	vperm.xlane v1, v0  }
0x2dc: {  	v2 =	vperm.xlane v2, v0  }
0x2dd: {  	[tilespmem:s24+$0x7CF0] =	vst v1  }
0x2de: {  	[tilespmem:s31+$0xF9C0] =	vst v2;
	v1 =	vld [tilespmem:s31+$0xF9B0]  }
0x2df: {  	v2 =	vld [tilespmem:s24+$0x7D00];
	_ =	sdelay $0x3  }
0x2e0: {  	v1 =	vperm.xlane v1, v0  }
0x2e1: {  	v2 =	vperm.xlane v2, v0  }
0x2e2: {  	[tilespmem:s24+$0x7D00] =	vst v1  }
0x2e3: {  	[tilespmem:s31+$0xF9B0] =	vst v2;
	v1 =	vld [tilespmem:s31+$0xF9A0]  }
0x2e4: {  	v2 =	vld [tilespmem:s24+$0x7D10];
	_ =	sdelay $0x3  }
0x2e5: {  	v1 =	vperm.xlane v1, v0  }
0x2e6: {  	v2 =	vperm.xlane v2, v0  }
0x2e7: {  	[tilespmem:s24+$0x7D10] =	vst v1  }
0x2e8: {  	[tilespmem:s31+$0xF9A0] =	vst v2;
	v1 =	vld [tilespmem:s31+$0xF990]  }
0x2e9: {  	v2 =	vld [tilespmem:s24+$0x7D20];
	_ =	sdelay $0x3  }
0x2ea: {  	v1 =	vperm.xlane v1, v0  }
0x2eb: {  	v2 =	vperm.xlane v2, v0  }
0x2ec: {  	[tilespmem:s24+$0x7D20] =	vst v1  }
0x2ed: {  	[tilespmem:s31+$0xF990] =	vst v2;
	v1 =	vld [tilespmem:s31+$0xF980]  }
0x2ee: {  	v2 =	vld [tilespmem:s24+$0x7D30]  }
0x2ef: {  	s25 =	sld [smem:$0x7FF];
	_ =	sdelay $0x2  }
0x2f0: {  	p1 =	sne.s32 @!p0 s25, $0x1;
	v1 =	vperm.xlane v1, v0  }
0x2f1: {  	p1 =	por !p1, p0;
	v2 =	vperm.xlane v2, v0  }
0x2f2: {  	[tilespmem:s24+$0x7D30] =	vst v1;
	s24 =	sor.u32 @!p1 $0x100000, s3  }
0x2f3: {  	[tilespmem:s31+$0xF980] =	vst v2;
	[smem:s24], [sflag:$0x0] =	smem.add.s32 @!p1 $0x316;
	s24 =	simm.s32 @!p1 $0x0  }
0x2f4: {  	s25 =	simm.s32 @!p1 $0x1;
	_ =	swait.done @!p1 [sflag:s24]  }
0x2f5: {  	[smem:$0x7FF] =	sst @!p1 s25  }
0x2f6: {  	_ =	sint @!p1 $0x2  }
0x2f7: {  	_ =	swait.notdone @!p1 [sflag:s24]  }
0x2f8: {  	[hbm4b:s13+s2] =	stream.linear.scatter [tilespmem:s15], [sflag:$0x5], $0x7D00, $0x38;
	[tilespmem:$0x17700] =	vst v63  }
0x2f9: {  	_ =	swait.ge [sflag:s22], $0x7D00  }
0x2fa: {  	[sflag:s22] =	ssyncset.done $0x0  }
0x2fb: {  	s23 =	sadd.s32 $0x1, s23;
	[sflag:s22] =	ssyncadd.s32 $0xFFFF8300  }
0x2fc: {  	p1 =	sne.s32 s23, s14;
	_ =	swait.ge [sflag:s19], $0x7D00  }
.Ltmp6:
0x2fd: {  	[sflag:s19] =	ssyncset.done $0x0;
	(pc) =	sbr.rel @p1 .LBB2_2-.Ltmp6, $4  }
0x2fe: {  	[sflag:s19] =	ssyncadd.s32 $0xFFFF8300  }
0x2ff: {  	_ =	swait.ge [sflag:s21], $0x7D00  }
0x300: {  	[sflag:s21] =	ssyncset.done $0x0  }
0x301: {  	[sflag:s21] =	ssyncadd.s32 $0xFFFF8300  }
.LBB2_13:
0x302: {  	_ =	sfence.sel $0x180000  }
0x303: {  	[bflag:$0x0] =	sbarrier.arrive $0xFFFF  }
0x304: {  	p0 =	sne.s32 s0, $0x0;
	_ =	strace $0x90000047  }
0x305: {  	s0 =	sadd.s32 @!p0 $0x100000, s1;
	[bflag:$0x2] =	sbarrier.arrive $0xFFFF  }
0x306: {  	[sflag:s0] =	ssyncadd.tile.s32 @!p0 $0x1;
	_ =	shalt  }
.Lfunc_end2:
_tile_overlayer_lowered:
.L_overlay_start_2:
0x307: {  	(tag) =	ssettag $0x2  }
0x308: {  	s0 =	rddreg [dreg:$0x0];
	s2 =	stileid.u32  }
0x309: {  	s1 =	rddreg [dreg:$0x1];
	p0 =	sne.s32 s2, $0x0  }
0x30a: {  	s3 =	rddreg [dreg:$0x2];
	[bflag:$0x3] =	sbarrier.arrive $0xFFFF;
	s2 =	simm.s32 @!p0 $0x1C07  }
0x30b: {  	[timem:s3], [sflag:s2] =	dma.local @!p0 [hbm:s0], s1  }
0x30c: {  	s0 =	simm.s32 @!p0 $0x7  }
0x30d: {  	_ =	swait.ge @!p0 [sflag:s0], s1  }
0x30e: {  	s1 =	ssub.s32 @!p0 $0x0, s1;
	[sflag:s0] =	ssyncset.done @!p0 $0x0  }
0x30f: {  	[sflag:s0] =	ssyncadd.s32 @!p0 s1  }
0x310: {  	[bflag:$0x3] =	sbarrier.arrive $0xFFFF  }
0x311: {  	_ =	shalt  }

</sc_bundles>
